<compile_context>
chip_gen: v7x
topology: tpu7x:2x2x1
jax: 0.10.2.dev20260603
libtpu: 0.0.44.dev20260713+nightly
codegen_flags: <defaults>
</compile_context>

<pallas_src>
import functools

import jax
import jax.numpy as jnp
from jax import lax
from jax.experimental import pallas as pl
from jax.experimental.pallas import tpu as pltpu
from jax.experimental.pallas import tpu_sc as plsc

N = 10000
D = 128
E = 320000
NC = 2
NS = 16
NW = NC * NS
CHUNK = 128
CPW = 80
E_PAD = NW * CPW * CHUNK
TOTCH = E_PAD // CHUNK
N_PAD = 10240
RPT = N_PAD // NS
NBLK = 10
BLK = N_PAD // NBLK

_f32 = jnp.float32


@functools.lru_cache(maxsize=None)
def _sc_mesh():
  return plsc.VectorSubcoreMesh(
      core_axis_name="c", subcore_axis_name="s",
      num_cores=NC, num_subcores=NS)


def _sc_degree_body(src_hbm, dst_hbm, deg_hbm, idx_s, idx_d, do_v, di_v):
  cid = lax.axis_index("c")
  sid = lax.axis_index("s")
  wid = sid * NC + cid

  def _fill_z(i, _):
    do_v[pl.ds(i * 16, 16)] = jnp.zeros((16,), _f32)
    di_v[pl.ds(i * 16, 16)] = jnp.zeros((16,), _f32)
    return 0
  lax.fori_loop(0, N_PAD // 16, _fill_z, 0)

  pltpu.sync_copy(src_hbm.at[pl.ds(wid * CPW, CPW)], idx_s)
  pltpu.sync_copy(dst_hbm.at[pl.ds(wid * CPW, CPW)], idx_d)

  ones = jnp.ones((16,), _f32)

  def _step(c, _):
    for k in range(CHUNK // 16):
      i_s = idx_s[c, pl.ds(k * 16, 16)]
      i_d = idx_d[c, pl.ds(k * 16, 16)]
      plsc.addupdate_scatter(do_v, [i_s], ones)
      plsc.addupdate_scatter(di_v, [i_d], ones)
    return 0
  lax.fori_loop(0, CPW, _step, 0)

  pltpu.sync_copy(do_v, deg_hbm.at[wid, 0])
  pltpu.sync_copy(di_v, deg_hbm.at[wid, 1])


def _sc_degree(src_p, dst_p):
  k = pl.kernel(
      _sc_degree_body,
      out_type=jax.ShapeDtypeStruct((NW, 2, N_PAD), _f32),
      mesh=_sc_mesh(),
      scratch_types=[
          pltpu.VMEM((CPW, CHUNK), jnp.int32),
          pltpu.VMEM((CPW, CHUNK), jnp.int32),
          pltpu.VMEM((N_PAD,), _f32),
          pltpu.VMEM((N_PAD,), _f32),
      ],
      compiler_params=pltpu.CompilerParams(needs_layout_passes=False),
  )
  return k(src_p, dst_p)


G = 8


def _sc_msgpass_body(h_hbm, src_hbm, dst_hbm, agg_hbm,
                     idx_s, idx_d, msg_v, agg_sh, gsem0, gsem1):
  cid = lax.axis_index("c")
  sid = lax.axis_index("s")
  gsems = (gsem0, gsem1)

  def _fz(i, _):
    for j in range(D // 16):
      msg_v[0, i, pl.ds(j * 16, 16)] = jnp.zeros((16,), _f32)
    return 0
  lax.fori_loop(0, CHUNK, _fz, 0)

  r0 = sid * RPT
  for r in range(RPT // CHUNK):
    pltpu.sync_copy(msg_v.at[0], agg_sh.at[pl.ds(r0 + r * CHUNK, CHUNK)])
  plsc.subcore_barrier()

  wid = sid * NC + cid

  def _group(g, _):
    pltpu.sync_copy(src_hbm.at[pl.ds(wid * CPW + g * G, G)], idx_s)
    pltpu.sync_copy(dst_hbm.at[pl.ds(wid * CPW + g * G, G)], idx_d)
    descs = [None, None]
    for b in range(2):
      descs[b] = pltpu.async_copy(h_hbm.at[idx_s.at[b]], msg_v.at[b], gsems[b])
    for c in range(2, G + 2):
      b = c % 2
      descs[b].wait()
      pltpu.sync_copy(msg_v.at[b], agg_sh.at[idx_d.at[c - 2]], add=True)
      if c < G:
        descs[b] = pltpu.async_copy(
            h_hbm.at[idx_s.at[c]], msg_v.at[b], gsems[b])
    return 0
  lax.fori_loop(0, CPW // G, _group, 0)

  plsc.subcore_barrier()
  pltpu.sync_copy(agg_sh.at[pl.ds(r0, RPT)], agg_hbm.at[cid, pl.ds(r0, RPT)])


def _sc_msgpass(h, src_p, dst_p):
  k = pl.kernel(
      _sc_msgpass_body,
      out_type=jax.ShapeDtypeStruct((NC, N_PAD, D), _f32),
      mesh=_sc_mesh(),
      scratch_types=[
          pltpu.VMEM((G, CHUNK), jnp.int32),
          pltpu.VMEM((G, CHUNK), jnp.int32),
          pltpu.VMEM((2, CHUNK, D), _f32),
          pltpu.VMEM_SHARED((N_PAD, D), _f32),
          pltpu.SemaphoreType.DMA,
          pltpu.SemaphoreType.DMA,
      ],
  )
  return k(h, src_p, dst_p)


def _tc1_body(feat_ref, w1_ref, deg_ref, h1_ref, ns_ref, nd_ref):
  deg_o = jnp.sum(deg_ref[:, 0, :], axis=0)
  deg_i = jnp.sum(deg_ref[:, 1, :], axis=0)
  ns = lax.rsqrt(jnp.maximum(deg_o, 1.0))
  nd = lax.rsqrt(jnp.maximum(deg_i, 1.0))
  ns_ref[...] = ns
  nd_ref[...] = nd
  fw = jnp.dot(feat_ref[...], w1_ref[...], preferred_element_type=_f32)
  h1_ref[...] = fw * ns[:, None]


def _tc1(feat_p, w1, deg):
  return pl.pallas_call(
      _tc1_body,
      grid=(NBLK,),
      in_specs=[
          pl.BlockSpec((BLK, D), lambda i: (i, 0)),
          pl.BlockSpec((D, D), lambda i: (0, 0)),
          pl.BlockSpec((NW, 2, BLK), lambda i: (0, 0, i)),
      ],
      out_specs=[
          pl.BlockSpec((BLK, D), lambda i: (i, 0)),
          pl.BlockSpec((BLK,), lambda i: (i,)),
          pl.BlockSpec((BLK,), lambda i: (i,)),
      ],
      out_shape=[
          jax.ShapeDtypeStruct((N_PAD, D), _f32),
          jax.ShapeDtypeStruct((N_PAD,), _f32),
          jax.ShapeDtypeStruct((N_PAD,), _f32),
      ],
      compiler_params=pltpu.CompilerParams(
          dimension_semantics=("arbitrary",)),
  )(feat_p, w1, deg)


def _tc2_body(agg_ref, nd_ref, ns_ref, b1_ref, w2_ref, h2_ref):
  i = pl.program_id(0)
  a = agg_ref[0] + agg_ref[1]
  x1 = jnp.maximum(a * nd_ref[...][:, None] + b1_ref[...][None, :], 0.0)
  h2 = jnp.dot(x1, w2_ref[...], preferred_element_type=_f32)
  h2 = h2 * ns_ref[...][:, None]
  rows = i * BLK + lax.broadcasted_iota(jnp.int32, (BLK, 1), 0)
  h2_ref[...] = jnp.where(rows < N, h2, 0.0)


def _tc2(agg, nd, ns, b1, w2):
  return pl.pallas_call(
      _tc2_body,
      grid=(NBLK,),
      in_specs=[
          pl.BlockSpec((NC, BLK, D), lambda i: (0, i, 0)),
          pl.BlockSpec((BLK,), lambda i: (i,)),
          pl.BlockSpec((BLK,), lambda i: (i,)),
          pl.BlockSpec((D,), lambda i: (0,)),
          pl.BlockSpec((D, D), lambda i: (0, 0)),
      ],
      out_specs=pl.BlockSpec((BLK, D), lambda i: (i, 0)),
      out_shape=jax.ShapeDtypeStruct((N_PAD, D), _f32),
      compiler_params=pltpu.CompilerParams(
          dimension_semantics=("arbitrary",)),
  )(agg, nd, ns, b1, w2)


def _tc3_body(agg_ref, nd_ref, b2_ref, out_ref):
  i = pl.program_id(0)
  a = agg_ref[0] + agg_ref[1]
  x2 = jnp.maximum(a * nd_ref[...][:, None] + b2_ref[...][None, :], 0.0)
  rows = i * BLK + lax.broadcasted_iota(jnp.int32, (BLK, D), 0)
  mask = (rows >= 2) & (rows < N)
  s = jnp.sum(jnp.where(mask, x2, 0.0), axis=0, keepdims=True)
  mx = jnp.max(jnp.where(mask, x2, -jnp.inf), axis=0, keepdims=True)
  mn = jnp.min(jnp.where(mask, x2, jnp.inf), axis=0, keepdims=True)

  @pl.when(i == 0)
  def _():
    out_ref[...] = jnp.zeros((8, D), _f32)
    out_ref[0:2, :] = x2[0:2, :]
    out_ref[3:4, :] = jnp.full((1, D), -jnp.inf, _f32)
    out_ref[4:5, :] = jnp.full((1, D), jnp.inf, _f32)

  out_ref[2:3, :] = out_ref[2:3, :] + s
  out_ref[3:4, :] = jnp.maximum(out_ref[3:4, :], mx)
  out_ref[4:5, :] = jnp.minimum(out_ref[4:5, :], mn)

  @pl.when(i == NBLK - 1)
  def _():
    out_ref[2:3, :] = out_ref[2:3, :] / float(N - 2)


def _tc3(agg, nd, b2):
  return pl.pallas_call(
      _tc3_body,
      grid=(NBLK,),
      in_specs=[
          pl.BlockSpec((NC, BLK, D), lambda i: (0, i, 0)),
          pl.BlockSpec((BLK,), lambda i: (i,)),
          pl.BlockSpec((D,), lambda i: (0,)),
      ],
      out_specs=pl.BlockSpec((8, D), lambda i: (0, 0)),
      out_shape=jax.ShapeDtypeStruct((8, D), _f32),
      compiler_params=pltpu.CompilerParams(
          dimension_semantics=("arbitrary",)),
  )(agg, nd, b2)


def kernel(feat, edge_index, W1, b1, W2, b2):
  src = edge_index[0]
  dst = edge_index[1]
  padi = N + jnp.arange(E_PAD - E, dtype=jnp.int32) % (N_PAD - N)
  src_p = jnp.concatenate([src, padi]).reshape(TOTCH, CHUNK)
  dst_p = jnp.concatenate([dst, padi]).reshape(TOTCH, CHUNK)
  feat_p = jnp.pad(feat, ((0, N_PAD - N), (0, 0)))

  deg = _sc_degree(src_p, dst_p)
  h1, ns, nd = _tc1(feat_p, W1, deg)
  agg1 = _sc_msgpass(h1, src_p, dst_p)
  h2 = _tc2(agg1, nd, ns, b1, W2)
  agg2 = _sc_msgpass(h2, src_p, dst_p)
  out8 = _tc3(agg2, nd, b2)
  return out8[:5]

# --- scband reference (transcript-rebuilt; emitter-appended) ---
"""Pipeline reference for scband-gcn-58626303591151 (READ-ONLY COPY).

The authoritative reference and input builder live on the scoring server;
editing this copy changes nothing except your own understanding.
"""

import jax, jax.numpy as jnp
import numpy as np

N = 10000
E = 320000
D_IN = 128
D_H = 128
D_OUT = 128


def setup_inputs(seed: int = 0) -> dict:
    key = jax.random.key(seed)
    k1, k2, k3, k4, k5, k6 = jax.random.split(key, 6)
    feat = jax.random.normal(k1, (N, D_IN), dtype=jnp.float32)
    edge_index = jax.random.randint(k2, (2, E), 0, N, dtype=jnp.int32)
    W1 = jax.random.normal(k3, (D_IN, D_H), dtype=jnp.float32) * 0.05
    b1 = jnp.zeros((D_H,), dtype=jnp.float32)
    W2 = jax.random.normal(k4, (D_H, D_OUT), dtype=jnp.float32) * 0.05
    b2 = jnp.zeros((D_OUT,), dtype=jnp.float32)
    return {"feat": feat, "edge_index": edge_index, "W1": W1, "b1": b1, "W2": W2, "b2": b2}


def _graph_conv(x, W, b, src, dst, n_nodes):
    # DGL GraphConv with norm='both': D^{-1/2} A D^{-1/2} X W + b
    ones = jnp.ones((src.shape[0],), dtype=x.dtype)
    deg_out = jnp.zeros((n_nodes,), dtype=x.dtype).at[src].add(ones)
    deg_in = jnp.zeros((n_nodes,), dtype=x.dtype).at[dst].add(ones)
    norm_src = jnp.clip(deg_out, 1.0, None) ** -0.5
    norm_dst = jnp.clip(deg_in, 1.0, None) ** -0.5
    h = x * norm_src[:, None]
    msg = jnp.take(h, src, axis=0)
    agg = jnp.zeros((n_nodes, x.shape[1]), dtype=x.dtype).at[dst].add(msg)
    agg = agg * norm_dst[:, None]
    return agg @ W + b


def reference(feat, edge_index, W1, b1, W2, b2):
    src = edge_index[0]
    dst = edge_index[1]
    x = jax.nn.relu(_graph_conv(feat, W1, b1, src, dst, N))
    x = jax.nn.relu(_graph_conv(x, W2, b2, src, dst, N))
    out = jnp.stack((
        x[0],
        x[1],
        jnp.mean(x[2:], axis=0),
        jnp.max(x[2:], axis=0),
        jnp.min(x[2:], axis=0),
    ), axis=0)
    return out

if __name__ == "__main__":
    import jax
    _d = setup_inputs()
    print(jax.jit(kernel)(*tuple(_d.values())))

</pallas_src>

<mosaic_0001>
#map = affine_map<(d0, d1) -> (0, 0)>
#map1 = affine_map<(d0, d1) -> (0, 0, 0)>
module attributes {stable_mosaic.version = 14 : i64} {
  func.func @_sc_msgpass_body(%arg0: i32, %arg1: i32, %arg2: memref<10240x128xf32, #tpu.memory_space<hbm>>, %arg3: memref<2560x128xi32, #tpu.memory_space<hbm>>, %arg4: memref<2560x128xi32, #tpu.memory_space<hbm>>, %arg5: memref<2x10240x128xf32, #tpu.memory_space<hbm>>, %arg6: memref<8x128xi32, #tpu.memory_space<vmem>>, %arg7: memref<8x128xi32, #tpu.memory_space<vmem>>, %arg8: memref<2x128x128xf32, #tpu.memory_space<vmem>>, %arg9: memref<10240x128xf32, #tpu.memory_space<vmem_shared>>, %arg10: memref<!tpu.dma_semaphore, #tpu.memory_space<semaphore_mem>>, %arg11: memref<!tpu.dma_semaphore, #tpu.memory_space<semaphore_mem>>) attributes {dimension_semantics = [#tpu.dimension_semantics<core_parallel>, #tpu.dimension_semantics<subcore_parallel>], iteration_bounds = array<i64: 2, 16>, scalar_prefetch = 0 : i64, scratch_operands = 6 : i64, tpu.core_type = #tpu.core_type<sc_vector_subcore>, window_params = [{transform_indices = #map}, {transform_indices = #map}, {transform_indices = #map}, {transform_indices = #map1}]} {
    %scan3A = arith.constant 0 : i32
    %scan3A_0 = arith.constant 0 : i32
    %scan3A_1 = arith.constant 128 : i32
    %scan3A_2 = arith.addi %scan3A_0, %scan3A_1 : i32
    %scan3A_3 = arith.constant 1 : i32
    %scan3A_4 = scf.for %scan3A_31 = %scan3A_0 to %scan3A_2 step %scan3A_3 iter_args(%scan3A_32 = %scan3A) -> (i32)  : i32 {
      %broadcast_in_dim3A = arith.constant 0.000000e+00 : f32
      %broadcast_in_dim3A_33 = vector.broadcast %broadcast_in_dim3A : f32 to vector<16xf32>
      %swap3A = arith.constant 0 : i32
      %swap3A_34 = arith.index_cast %swap3A : i32 to index
      %swap3A_35 = arith.index_cast %scan3A_31 : i32 to index
      %swap3A_36 = arith.constant 0 : index
      %swap3A_37 = tpu.vector_load %arg8[%swap3A_34, %swap3A_35, %swap3A_36] {strides = array<i32>} : memref<2x128x128xf32, #tpu.memory_space<vmem>>, vector<1x1x16xf32>,
      %swap3A_38 = vector.shape_cast %swap3A_37 : vector<1x1x16xf32> to vector<16xf32>
      %swap3A_39 = vector.shape_cast %broadcast_in_dim3A_33 : vector<16xf32> to vector<1x1x16xf32>
      tpu.vector_store %arg8[%swap3A_34, %swap3A_35, %swap3A_36], %swap3A_39 {strides = array<i32>} : memref<2x128x128xf32, #tpu.memory_space<vmem>>, vector<1x1x16xf32>,
      %broadcast_in_dim3A_40 = arith.constant 0.000000e+00 : f32
      %broadcast_in_dim3A_41 = vector.broadcast %broadcast_in_dim3A_40 : f32 to vector<16xf32>
      %swap3A_42 = arith.constant 0 : i32
      %swap3A_43 = arith.index_cast %swap3A_42 : i32 to index
      %swap3A_44 = arith.index_cast %scan3A_31 : i32 to index
      %swap3A_45 = arith.constant 16 : index
      %swap3A_46 = tpu.vector_load %arg8[%swap3A_43, %swap3A_44, %swap3A_45] {strides = array<i32>} : memref<2x128x128xf32, #tpu.memory_space<vmem>>, vector<1x1x16xf32>,
      %swap3A_47 = vector.shape_cast %swap3A_46 : vector<1x1x16xf32> to vector<16xf32>
      %swap3A_48 = vector.shape_cast %broadcast_in_dim3A_41 : vector<16xf32> to vector<1x1x16xf32>
      tpu.vector_store %arg8[%swap3A_43, %swap3A_44, %swap3A_45], %swap3A_48 {strides = array<i32>} : memref<2x128x128xf32, #tpu.memory_space<vmem>>, vector<1x1x16xf32>,
      %broadcast_in_dim3A_49 = arith.constant 0.000000e+00 : f32
      %broadcast_in_dim3A_50 = vector.broadcast %broadcast_in_dim3A_49 : f32 to vector<16xf32>
      %swap3A_51 = arith.constant 0 : i32
      %swap3A_52 = arith.index_cast %swap3A_51 : i32 to index
      %swap3A_53 = arith.index_cast %scan3A_31 : i32 to index
      %swap3A_54 = arith.constant 32 : index
      %swap3A_55 = tpu.vector_load %arg8[%swap3A_52, %swap3A_53, %swap3A_54] {strides = array<i32>} : memref<2x128x128xf32, #tpu.memory_space<vmem>>, vector<1x1x16xf32>,
      %swap3A_56 = vector.shape_cast %swap3A_55 : vector<1x1x16xf32> to vector<16xf32>
      %swap3A_57 = vector.shape_cast %broadcast_in_dim3A_50 : vector<16xf32> to vector<1x1x16xf32>
      tpu.vector_store %arg8[%swap3A_52, %swap3A_53, %swap3A_54], %swap3A_57 {strides = array<i32>} : memref<2x128x128xf32, #tpu.memory_space<vmem>>, vector<1x1x16xf32>,
      %broadcast_in_dim3A_58 = arith.constant 0.000000e+00 : f32
      %broadcast_in_dim3A_59 = vector.broadcast %broadcast_in_dim3A_58 : f32 to vector<16xf32>
      %swap3A_60 = arith.constant 0 : i32
      %swap3A_61 = arith.index_cast %swap3A_60 : i32 to index
      %swap3A_62 = arith.index_cast %scan3A_31 : i32 to index
      %swap3A_63 = arith.constant 48 : index
      %swap3A_64 = tpu.vector_load %arg8[%swap3A_61, %swap3A_62, %swap3A_63] {strides = array<i32>} : memref<2x128x128xf32, #tpu.memory_space<vmem>>, vector<1x1x16xf32>,
      %swap3A_65 = vector.shape_cast %swap3A_64 : vector<1x1x16xf32> to vector<16xf32>
      %swap3A_66 = vector.shape_cast %broadcast_in_dim3A_59 : vector<16xf32> to vector<1x1x16xf32>
      tpu.vector_store %arg8[%swap3A_61, %swap3A_62, %swap3A_63], %swap3A_66 {strides = array<i32>} : memref<2x128x128xf32, #tpu.memory_space<vmem>>, vector<1x1x16xf32>,
      %broadcast_in_dim3A_67 = arith.constant 0.000000e+00 : f32
      %broadcast_in_dim3A_68 = vector.broadcast %broadcast_in_dim3A_67 : f32 to vector<16xf32>
      %swap3A_69 = arith.constant 0 : i32
      %swap3A_70 = arith.index_cast %swap3A_69 : i32 to index
      %swap3A_71 = arith.index_cast %scan3A_31 : i32 to index
      %swap3A_72 = arith.constant 64 : index
      %swap3A_73 = tpu.vector_load %arg8[%swap3A_70, %swap3A_71, %swap3A_72] {strides = array<i32>} : memref<2x128x128xf32, #tpu.memory_space<vmem>>, vector<1x1x16xf32>,
      %swap3A_74 = vector.shape_cast %swap3A_73 : vector<1x1x16xf32> to vector<16xf32>
      %swap3A_75 = vector.shape_cast %broadcast_in_dim3A_68 : vector<16xf32> to vector<1x1x16xf32>
      tpu.vector_store %arg8[%swap3A_70, %swap3A_71, %swap3A_72], %swap3A_75 {strides = array<i32>} : memref<2x128x128xf32, #tpu.memory_space<vmem>>, vector<1x1x16xf32>,
      %broadcast_in_dim3A_76 = arith.constant 0.000000e+00 : f32
      %broadcast_in_dim3A_77 = vector.broadcast %broadcast_in_dim3A_76 : f32 to vector<16xf32>
      %swap3A_78 = arith.constant 0 : i32
      %swap3A_79 = arith.index_cast %swap3A_78 : i32 to index
      %swap3A_80 = arith.index_cast %scan3A_31 : i32 to index
      %swap3A_81 = arith.constant 80 : index
      %swap3A_82 = tpu.vector_load %arg8[%swap3A_79, %swap3A_80, %swap3A_81] {strides = array<i32>} : memref<2x128x128xf32, #tpu.memory_space<vmem>>, vector<1x1x16xf32>,
      %swap3A_83 = vector.shape_cast %swap3A_82 : vector<1x1x16xf32> to vector<16xf32>
      %swap3A_84 = vector.shape_cast %broadcast_in_dim3A_77 : vector<16xf32> to vector<1x1x16xf32>
      tpu.vector_store %arg8[%swap3A_79, %swap3A_80, %swap3A_81], %swap3A_84 {strides = array<i32>} : memref<2x128x128xf32, #tpu.memory_space<vmem>>, vector<1x1x16xf32>,
      %broadcast_in_dim3A_85 = arith.constant 0.000000e+00 : f32
      %broadcast_in_dim3A_86 = vector.broadcast %broadcast_in_dim3A_85 : f32 to vector<16xf32>
      %swap3A_87 = arith.constant 0 : i32
      %swap3A_88 = arith.index_cast %swap3A_87 : i32 to index
      %swap3A_89 = arith.index_cast %scan3A_31 : i32 to index
      %swap3A_90 = arith.constant 96 : index
      %swap3A_91 = tpu.vector_load %arg8[%swap3A_88, %swap3A_89, %swap3A_90] {strides = array<i32>} : memref<2x128x128xf32, #tpu.memory_space<vmem>>, vector<1x1x16xf32>,
      %swap3A_92 = vector.shape_cast %swap3A_91 : vector<1x1x16xf32> to vector<16xf32>
      %swap3A_93 = vector.shape_cast %broadcast_in_dim3A_86 : vector<16xf32> to vector<1x1x16xf32>
      tpu.vector_store %arg8[%swap3A_88, %swap3A_89, %swap3A_90], %swap3A_93 {strides = array<i32>} : memref<2x128x128xf32, #tpu.memory_space<vmem>>, vector<1x1x16xf32>,
      %broadcast_in_dim3A_94 = arith.constant 0.000000e+00 : f32
      %broadcast_in_dim3A_95 = vector.broadcast %broadcast_in_dim3A_94 : f32 to vector<16xf32>
      %swap3A_96 = arith.constant 0 : i32
      %swap3A_97 = arith.index_cast %swap3A_96 : i32 to index
      %swap3A_98 = arith.index_cast %scan3A_31 : i32 to index
      %swap3A_99 = arith.constant 112 : index
      %swap3A_100 = tpu.vector_load %arg8[%swap3A_97, %swap3A_98, %swap3A_99] {strides = array<i32>} : memref<2x128x128xf32, #tpu.memory_space<vmem>>, vector<1x1x16xf32>,
      %swap3A_101 = vector.shape_cast %swap3A_100 : vector<1x1x16xf32> to vector<16xf32>
      %swap3A_102 = vector.shape_cast %broadcast_in_dim3A_95 : vector<16xf32> to vector<1x1x16xf32>
      tpu.vector_store %arg8[%swap3A_97, %swap3A_98, %swap3A_99], %swap3A_102 {strides = array<i32>} : memref<2x128x128xf32, #tpu.memory_space<vmem>>, vector<1x1x16xf32>,
      %scan3A_103 = arith.constant 0 : i32
      scf.yield %scan3A_103 : i32
    }
    %scan3A_5 = arith.constant 128 : i32
    %mul3A = arith.constant 640 : i32
    %mul3A_6 = arith.muli %arg1, %mul3A : i32
    %add3A = arith.constant 0 : i32
    %add3A_7 = arith.addi %mul3A_6, %add3A : i32
    %run_scoped3A = arith.constant 0 : i32
    "tpu.region"() ({
      %run_scoped3A_31 = tpu.sem_alloc : memref<!tpu.dma_semaphore, #tpu.memory_space<semaphore_mem>>
      %dma_start3A = arith.constant 0 : i32
      %dma_start3A_32 = arith.constant 0 : i32
      %dma_start3A_33 = tpu.memref_slice %arg8[%run_scoped3A, %dma_start3A, %dma_start3A_32] : memref<2x128x128xf32, #tpu.memory_space<vmem>> -> memref<1x128x128xf32, #tpu.memory_space<vmem>>
      %dma_start3A_34 = tpu.memref_squeeze %dma_start3A_33 : memref<1x128x128xf32, #tpu.memory_space<vmem>> -> memref<128x128xf32, #tpu.memory_space<vmem>>
      %dma_start3A_35 = arith.constant 0 : i32
      %dma_start3A_36 = tpu.memref_slice %arg9[%add3A_7, %dma_start3A_35] : memref<10240x128xf32, #tpu.memory_space<vmem_shared>> -> memref<128x128xf32, #tpu.memory_space<vmem_shared>>
      %dma_start3A_37 = arith.constant 0 : i32
      %dma_start3A_38 = tpu.memref_slice %arg9[%add3A_7, %dma_start3A_37] : memref<10240x128xf32, #tpu.memory_space<vmem_shared>> -> memref<128x128xf32, #tpu.memory_space<vmem_shared>>
      %dma_start3A_39 = arith.constant 0 : i32
      %dma_start3A_40 = arith.constant 0 : i32
      %dma_start3A_41 = tpu.memref_slice %arg8[%run_scoped3A, %dma_start3A_39, %dma_start3A_40] : memref<2x128x128xf32, #tpu.memory_space<vmem>> -> memref<1x128x128xf32, #tpu.memory_space<vmem>>
      %dma_start3A_42 = tpu.memref_squeeze %dma_start3A_41 : memref<1x128x128xf32, #tpu.memory_space<vmem>> -> memref<128x128xf32, #tpu.memory_space<vmem>>
      tpu.enqueue_dma source(%dma_start3A_42 : memref<128x128xf32, #tpu.memory_space<vmem>>) target(%dma_start3A_38 : memref<128x128xf32, #tpu.memory_space<vmem_shared>>) target_semaphore(%run_scoped3A_31 : memref<!tpu.dma_semaphore, #tpu.memory_space<semaphore_mem>>)
      %dma_wait3A = arith.constant 0 : i32
      %dma_wait3A_43 = arith.constant 0 : i32
      %dma_wait3A_44 = tpu.memref_slice %arg8[%run_scoped3A, %dma_wait3A, %dma_wait3A_43] : memref<2x128x128xf32, #tpu.memory_space<vmem>> -> memref<1x128x128xf32, #tpu.memory_space<vmem>>
      %dma_wait3A_45 = tpu.memref_squeeze %dma_wait3A_44 : memref<1x128x128xf32, #tpu.memory_space<vmem>> -> memref<128x128xf32, #tpu.memory_space<vmem>>
      %dma_wait3A_46 = arith.constant 0 : i32
      %dma_wait3A_47 = tpu.memref_slice %arg9[%add3A_7, %dma_wait3A_46] : memref<10240x128xf32, #tpu.memory_space<vmem_shared>> -> memref<128x128xf32, #tpu.memory_space<vmem_shared>>
      %dma_wait3A_48 = arith.constant 0 : i32
      %dma_wait3A_49 = tpu.memref_slice %arg9[%add3A_7, %dma_wait3A_48] : memref<10240x128xf32, #tpu.memory_space<vmem_shared>> -> memref<128x128xf32, #tpu.memory_space<vmem_shared>>
      %dma_wait3A_50 = arith.constant 0 : i32
      %dma_wait3A_51 = arith.constant 0 : i32
      %dma_wait3A_52 = tpu.memref_slice %arg8[%run_scoped3A, %dma_wait3A_50, %dma_wait3A_51] : memref<2x128x128xf32, #tpu.memory_space<vmem>> -> memref<1x128x128xf32, #tpu.memory_space<vmem>>
      %dma_wait3A_53 = tpu.memref_squeeze %dma_wait3A_52 : memref<1x128x128xf32, #tpu.memory_space<vmem>> -> memref<128x128xf32, #tpu.memory_space<vmem>>
      tpu.wait_dma2 semaphore(%run_scoped3A_31 : memref<!tpu.dma_semaphore, #tpu.memory_space<semaphore_mem>>) src(%dma_wait3A_53 : memref<128x128xf32, #tpu.memory_space<vmem>>) dst(%dma_wait3A_49 : memref<128x128xf32, #tpu.memory_space<vmem_shared>>)
      tpu.yield
    }) : () -> ()
    %add3A_8 = arith.constant 128 : i32
    %add3A_9 = arith.addi %mul3A_6, %add3A_8 : i32
    %run_scoped3A_10 = arith.constant 0 : i32
    "tpu.region"() ({
      %run_scoped3A_31 = tpu.sem_alloc : memref<!tpu.dma_semaphore, #tpu.memory_space<semaphore_mem>>
      %dma_start3A = arith.constant 0 : i32
      %dma_start3A_32 = arith.constant 0 : i32
      %dma_start3A_33 = tpu.memref_slice %arg8[%run_scoped3A_10, %dma_start3A, %dma_start3A_32] : memref<2x128x128xf32, #tpu.memory_space<vmem>> -> memref<1x128x128xf32, #tpu.memory_space<vmem>>
      %dma_start3A_34 = tpu.memref_squeeze %dma_start3A_33 : memref<1x128x128xf32, #tpu.memory_space<vmem>> -> memref<128x128xf32, #tpu.memory_space<vmem>>
      %dma_start3A_35 = arith.constant 0 : i32
      %dma_start3A_36 = tpu.memref_slice %arg9[%add3A_9, %dma_start3A_35] : memref<10240x128xf32, #tpu.memory_space<vmem_shared>> -> memref<128x128xf32, #tpu.memory_space<vmem_shared>>
      %dma_start3A_37 = arith.constant 0 : i32
      %dma_start3A_38 = tpu.memref_slice %arg9[%add3A_9, %dma_start3A_37] : memref<10240x128xf32, #tpu.memory_space<vmem_shared>> -> memref<128x128xf32, #tpu.memory_space<vmem_shared>>
      %dma_start3A_39 = arith.constant 0 : i32
      %dma_start3A_40 = arith.constant 0 : i32
      %dma_start3A_41 = tpu.memref_slice %arg8[%run_scoped3A_10, %dma_start3A_39, %dma_start3A_40] : memref<2x128x128xf32, #tpu.memory_space<vmem>> -> memref<1x128x128xf32, #tpu.memory_space<vmem>>
      %dma_start3A_42 = tpu.memref_squeeze %dma_start3A_41 : memref<1x128x128xf32, #tpu.memory_space<vmem>> -> memref<128x128xf32, #tpu.memory_space<vmem>>
      tpu.enqueue_dma source(%dma_start3A_42 : memref<128x128xf32, #tpu.memory_space<vmem>>) target(%dma_start3A_38 : memref<128x128xf32, #tpu.memory_space<vmem_shared>>) target_semaphore(%run_scoped3A_31 : memref<!tpu.dma_semaphore, #tpu.memory_space<semaphore_mem>>)
      %dma_wait3A = arith.constant 0 : i32
      %dma_wait3A_43 = arith.constant 0 : i32
      %dma_wait3A_44 = tpu.memref_slice %arg8[%run_scoped3A_10, %dma_wait3A, %dma_wait3A_43] : memref<2x128x128xf32, #tpu.memory_space<vmem>> -> memref<1x128x128xf32, #tpu.memory_space<vmem>>
      %dma_wait3A_45 = tpu.memref_squeeze %dma_wait3A_44 : memref<1x128x128xf32, #tpu.memory_space<vmem>> -> memref<128x128xf32, #tpu.memory_space<vmem>>
      %dma_wait3A_46 = arith.constant 0 : i32
      %dma_wait3A_47 = tpu.memref_slice %arg9[%add3A_9, %dma_wait3A_46] : memref<10240x128xf32, #tpu.memory_space<vmem_shared>> -> memref<128x128xf32, #tpu.memory_space<vmem_shared>>
      %dma_wait3A_48 = arith.constant 0 : i32
      %dma_wait3A_49 = tpu.memref_slice %arg9[%add3A_9, %dma_wait3A_48] : memref<10240x128xf32, #tpu.memory_space<vmem_shared>> -> memref<128x128xf32, #tpu.memory_space<vmem_shared>>
      %dma_wait3A_50 = arith.constant 0 : i32
      %dma_wait3A_51 = arith.constant 0 : i32
      %dma_wait3A_52 = tpu.memref_slice %arg8[%run_scoped3A_10, %dma_wait3A_50, %dma_wait3A_51] : memref<2x128x128xf32, #tpu.memory_space<vmem>> -> memref<1x128x128xf32, #tpu.memory_space<vmem>>
      %dma_wait3A_53 = tpu.memref_squeeze %dma_wait3A_52 : memref<1x128x128xf32, #tpu.memory_space<vmem>> -> memref<128x128xf32, #tpu.memory_space<vmem>>
      tpu.wait_dma2 semaphore(%run_scoped3A_31 : memref<!tpu.dma_semaphore, #tpu.memory_space<semaphore_mem>>) src(%dma_wait3A_53 : memref<128x128xf32, #tpu.memory_space<vmem>>) dst(%dma_wait3A_49 : memref<128x128xf32, #tpu.memory_space<vmem_shared>>)
      tpu.yield
    }) : () -> ()
    %add3A_11 = arith.constant 256 : i32
    %add3A_12 = arith.addi %mul3A_6, %add3A_11 : i32
    %run_scoped3A_13 = arith.constant 0 : i32
    "tpu.region"() ({
      %run_scoped3A_31 = tpu.sem_alloc : memref<!tpu.dma_semaphore, #tpu.memory_space<semaphore_mem>>
      %dma_start3A = arith.constant 0 : i32
      %dma_start3A_32 = arith.constant 0 : i32
      %dma_start3A_33 = tpu.memref_slice %arg8[%run_scoped3A_13, %dma_start3A, %dma_start3A_32] : memref<2x128x128xf32, #tpu.memory_space<vmem>> -> memref<1x128x128xf32, #tpu.memory_space<vmem>>
      %dma_start3A_34 = tpu.memref_squeeze %dma_start3A_33 : memref<1x128x128xf32, #tpu.memory_space<vmem>> -> memref<128x128xf32, #tpu.memory_space<vmem>>
      %dma_start3A_35 = arith.constant 0 : i32
      %dma_start3A_36 = tpu.memref_slice %arg9[%add3A_12, %dma_start3A_35] : memref<10240x128xf32, #tpu.memory_space<vmem_shared>> -> memref<128x128xf32, #tpu.memory_space<vmem_shared>>
      %dma_start3A_37 = arith.constant 0 : i32
      %dma_start3A_38 = tpu.memref_slice %arg9[%add3A_12, %dma_start3A_37] : memref<10240x128xf32, #tpu.memory_space<vmem_shared>> -> memref<128x128xf32, #tpu.memory_space<vmem_shared>>
      %dma_start3A_39 = arith.constant 0 : i32
      %dma_start3A_40 = arith.constant 0 : i32
      %dma_start3A_41 = tpu.memref_slice %arg8[%run_scoped3A_13, %dma_start3A_39, %dma_start3A_40] : memref<2x128x128xf32, #tpu.memory_space<vmem>> -> memref<1x128x128xf32, #tpu.memory_space<vmem>>
      %dma_start3A_42 = tpu.memref_squeeze %dma_start3A_41 : memref<1x128x128xf32, #tpu.memory_space<vmem>> -> memref<128x128xf32, #tpu.memory_space<vmem>>
      tpu.enqueue_dma source(%dma_start3A_42 : memref<128x128xf32, #tpu.memory_space<vmem>>) target(%dma_start3A_38 : memref<128x128xf32, #tpu.memory_space<vmem_shared>>) target_semaphore(%run_scoped3A_31 : memref<!tpu.dma_semaphore, #tpu.memory_space<semaphore_mem>>)
      %dma_wait3A = arith.constant 0 : i32
      %dma_wait3A_43 = arith.constant 0 : i32
      %dma_wait3A_44 = tpu.memref_slice %arg8[%run_scoped3A_13, %dma_wait3A, %dma_wait3A_43] : memref<2x128x128xf32, #tpu.memory_space<vmem>> -> memref<1x128x128xf32, #tpu.memory_space<vmem>>
      %dma_wait3A_45 = tpu.memref_squeeze %dma_wait3A_44 : memref<1x128x128xf32, #tpu.memory_space<vmem>> -> memref<128x128xf32, #tpu.memory_space<vmem>>
      %dma_wait3A_46 = arith.constant 0 : i32
      %dma_wait3A_47 = tpu.memref_slice %arg9[%add3A_12, %dma_wait3A_46] : memref<10240x128xf32, #tpu.memory_space<vmem_shared>> -> memref<128x128xf32, #tpu.memory_space<vmem_shared>>
      %dma_wait3A_48 = arith.constant 0 : i32
      %dma_wait3A_49 = tpu.memref_slice %arg9[%add3A_12, %dma_wait3A_48] : memref<10240x128xf32, #tpu.memory_space<vmem_shared>> -> memref<128x128xf32, #tpu.memory_space<vmem_shared>>
      %dma_wait3A_50 = arith.constant 0 : i32
      %dma_wait3A_51 = arith.constant 0 : i32
      %dma_wait3A_52 = tpu.memref_slice %arg8[%run_scoped3A_13, %dma_wait3A_50, %dma_wait3A_51] : memref<2x128x128xf32, #tpu.memory_space<vmem>> -> memref<1x128x128xf32, #tpu.memory_space<vmem>>
      %dma_wait3A_53 = tpu.memref_squeeze %dma_wait3A_52 : memref<1x128x128xf32, #tpu.memory_space<vmem>> -> memref<128x128xf32, #tpu.memory_space<vmem>>
      tpu.wait_dma2 semaphore(%run_scoped3A_31 : memref<!tpu.dma_semaphore, #tpu.memory_space<semaphore_mem>>) src(%dma_wait3A_53 : memref<128x128xf32, #tpu.memory_space<vmem>>) dst(%dma_wait3A_49 : memref<128x128xf32, #tpu.memory_space<vmem_shared>>)
      tpu.yield
    }) : () -> ()
    %add3A_14 = arith.constant 384 : i32
    %add3A_15 = arith.addi %mul3A_6, %add3A_14 : i32
    %run_scoped3A_16 = arith.constant 0 : i32
    "tpu.region"() ({
      %run_scoped3A_31 = tpu.sem_alloc : memref<!tpu.dma_semaphore, #tpu.memory_space<semaphore_mem>>
      %dma_start3A = arith.constant 0 : i32
      %dma_start3A_32 = arith.constant 0 : i32
      %dma_start3A_33 = tpu.memref_slice %arg8[%run_scoped3A_16, %dma_start3A, %dma_start3A_32] : memref<2x128x128xf32, #tpu.memory_space<vmem>> -> memref<1x128x128xf32, #tpu.memory_space<vmem>>
      %dma_start3A_34 = tpu.memref_squeeze %dma_start3A_33 : memref<1x128x128xf32, #tpu.memory_space<vmem>> -> memref<128x128xf32, #tpu.memory_space<vmem>>
      %dma_start3A_35 = arith.constant 0 : i32
      %dma_start3A_36 = tpu.memref_slice %arg9[%add3A_15, %dma_start3A_35] : memref<10240x128xf32, #tpu.memory_space<vmem_shared>> -> memref<128x128xf32, #tpu.memory_space<vmem_shared>>
      %dma_start3A_37 = arith.constant 0 : i32
      %dma_start3A_38 = tpu.memref_slice %arg9[%add3A_15, %dma_start3A_37] : memref<10240x128xf32, #tpu.memory_space<vmem_shared>> -> memref<128x128xf32, #tpu.memory_space<vmem_shared>>
      %dma_start3A_39 = arith.constant 0 : i32
      %dma_start3A_40 = arith.constant 0 : i32
      %dma_start3A_41 = tpu.memref_slice %arg8[%run_scoped3A_16, %dma_start3A_39, %dma_start3A_40] : memref<2x128x128xf32, #tpu.memory_space<vmem>> -> memref<1x128x128xf32, #tpu.memory_space<vmem>>
      %dma_start3A_42 = tpu.memref_squeeze %dma_start3A_41 : memref<1x128x128xf32, #tpu.memory_space<vmem>> -> memref<128x128xf32, #tpu.memory_space<vmem>>
      tpu.enqueue_dma source(%dma_start3A_42 : memref<128x128xf32, #tpu.memory_space<vmem>>) target(%dma_start3A_38 : memref<128x128xf32, #tpu.memory_space<vmem_shared>>) target_semaphore(%run_scoped3A_31 : memref<!tpu.dma_semaphore, #tpu.memory_space<semaphore_mem>>)
      %dma_wait3A = arith.constant 0 : i32
      %dma_wait3A_43 = arith.constant 0 : i32
      %dma_wait3A_44 = tpu.memref_slice %arg8[%run_scoped3A_16, %dma_wait3A, %dma_wait3A_43] : memref<2x128x128xf32, #tpu.memory_space<vmem>> -> memref<1x128x128xf32, #tpu.memory_space<vmem>>
      %dma_wait3A_45 = tpu.memref_squeeze %dma_wait3A_44 : memref<1x128x128xf32, #tpu.memory_space<vmem>> -> memref<128x128xf32, #tpu.memory_space<vmem>>
      %dma_wait3A_46 = arith.constant 0 : i32
      %dma_wait3A_47 = tpu.memref_slice %arg9[%add3A_15, %dma_wait3A_46] : memref<10240x128xf32, #tpu.memory_space<vmem_shared>> -> memref<128x128xf32, #tpu.memory_space<vmem_shared>>
      %dma_wait3A_48 = arith.constant 0 : i32
      %dma_wait3A_49 = tpu.memref_slice %arg9[%add3A_15, %dma_wait3A_48] : memref<10240x128xf32, #tpu.memory_space<vmem_shared>> -> memref<128x128xf32, #tpu.memory_space<vmem_shared>>
      %dma_wait3A_50 = arith.constant 0 : i32
      %dma_wait3A_51 = arith.constant 0 : i32
      %dma_wait3A_52 = tpu.memref_slice %arg8[%run_scoped3A_16, %dma_wait3A_50, %dma_wait3A_51] : memref<2x128x128xf32, #tpu.memory_space<vmem>> -> memref<1x128x128xf32, #tpu.memory_space<vmem>>
      %dma_wait3A_53 = tpu.memref_squeeze %dma_wait3A_52 : memref<1x128x128xf32, #tpu.memory_space<vmem>> -> memref<128x128xf32, #tpu.memory_space<vmem>>
      tpu.wait_dma2 semaphore(%run_scoped3A_31 : memref<!tpu.dma_semaphore, #tpu.memory_space<semaphore_mem>>) src(%dma_wait3A_53 : memref<128x128xf32, #tpu.memory_space<vmem>>) dst(%dma_wait3A_49 : memref<128x128xf32, #tpu.memory_space<vmem_shared>>)
      tpu.yield
    }) : () -> ()
    %add3A_17 = arith.constant 512 : i32
    %add3A_18 = arith.addi %mul3A_6, %add3A_17 : i32
    %run_scoped3A_19 = arith.constant 0 : i32
    "tpu.region"() ({
      %run_scoped3A_31 = tpu.sem_alloc : memref<!tpu.dma_semaphore, #tpu.memory_space<semaphore_mem>>
      %dma_start3A = arith.constant 0 : i32
      %dma_start3A_32 = arith.constant 0 : i32
      %dma_start3A_33 = tpu.memref_slice %arg8[%run_scoped3A_19, %dma_start3A, %dma_start3A_32] : memref<2x128x128xf32, #tpu.memory_space<vmem>> -> memref<1x128x128xf32, #tpu.memory_space<vmem>>
      %dma_start3A_34 = tpu.memref_squeeze %dma_start3A_33 : memref<1x128x128xf32, #tpu.memory_space<vmem>> -> memref<128x128xf32, #tpu.memory_space<vmem>>
      %dma_start3A_35 = arith.constant 0 : i32
      %dma_start3A_36 = tpu.memref_slice %arg9[%add3A_18, %dma_start3A_35] : memref<10240x128xf32, #tpu.memory_space<vmem_shared>> -> memref<128x128xf32, #tpu.memory_space<vmem_shared>>
      %dma_start3A_37 = arith.constant 0 : i32
      %dma_start3A_38 = tpu.memref_slice %arg9[%add3A_18, %dma_start3A_37] : memref<10240x128xf32, #tpu.memory_space<vmem_shared>> -> memref<128x128xf32, #tpu.memory_space<vmem_shared>>
      %dma_start3A_39 = arith.constant 0 : i32
      %dma_start3A_40 = arith.constant 0 : i32
      %dma_start3A_41 = tpu.memref_slice %arg8[%run_scoped3A_19, %dma_start3A_39, %dma_start3A_40] : memref<2x128x128xf32, #tpu.memory_space<vmem>> -> memref<1x128x128xf32, #tpu.memory_space<vmem>>
      %dma_start3A_42 = tpu.memref_squeeze %dma_start3A_41 : memref<1x128x128xf32, #tpu.memory_space<vmem>> -> memref<128x128xf32, #tpu.memory_space<vmem>>
      tpu.enqueue_dma source(%dma_start3A_42 : memref<128x128xf32, #tpu.memory_space<vmem>>) target(%dma_start3A_38 : memref<128x128xf32, #tpu.memory_space<vmem_shared>>) target_semaphore(%run_scoped3A_31 : memref<!tpu.dma_semaphore, #tpu.memory_space<semaphore_mem>>)
      %dma_wait3A = arith.constant 0 : i32
      %dma_wait3A_43 = arith.constant 0 : i32
      %dma_wait3A_44 = tpu.memref_slice %arg8[%run_scoped3A_19, %dma_wait3A, %dma_wait3A_43] : memref<2x128x128xf32, #tpu.memory_space<vmem>> -> memref<1x128x128xf32, #tpu.memory_space<vmem>>
      %dma_wait3A_45 = tpu.memref_squeeze %dma_wait3A_44 : memref<1x128x128xf32, #tpu.memory_space<vmem>> -> memref<128x128xf32, #tpu.memory_space<vmem>>
      %dma_wait3A_46 = arith.constant 0 : i32
      %dma_wait3A_47 = tpu.memref_slice %arg9[%add3A_18, %dma_wait3A_46] : memref<10240x128xf32, #tpu.memory_space<vmem_shared>> -> memref<128x128xf32, #tpu.memory_space<vmem_shared>>
      %dma_wait3A_48 = arith.constant 0 : i32
      %dma_wait3A_49 = tpu.memref_slice %arg9[%add3A_18, %dma_wait3A_48] : memref<10240x128xf32, #tpu.memory_space<vmem_shared>> -> memref<128x128xf32, #tpu.memory_space<vmem_shared>>
      %dma_wait3A_50 = arith.constant 0 : i32
      %dma_wait3A_51 = arith.constant 0 : i32
      %dma_wait3A_52 = tpu.memref_slice %arg8[%run_scoped3A_19, %dma_wait3A_50, %dma_wait3A_51] : memref<2x128x128xf32, #tpu.memory_space<vmem>> -> memref<1x128x128xf32, #tpu.memory_space<vmem>>
      %dma_wait3A_53 = tpu.memref_squeeze %dma_wait3A_52 : memref<1x128x128xf32, #tpu.memory_space<vmem>> -> memref<128x128xf32, #tpu.memory_space<vmem>>
      tpu.wait_dma2 semaphore(%run_scoped3A_31 : memref<!tpu.dma_semaphore, #tpu.memory_space<semaphore_mem>>) src(%dma_wait3A_53 : memref<128x128xf32, #tpu.memory_space<vmem>>) dst(%dma_wait3A_49 : memref<128x128xf32, #tpu.memory_space<vmem_shared>>)
      tpu.yield
    }) : () -> ()
    %barrier3A = arith.constant 0 : index
    tpu.barrier barrier_id(%barrier3A)
    %mul3A_20 = arith.constant 2 : i32
    %mul3A_21 = arith.muli %arg1, %mul3A_20 : i32
    %add3A_22 = arith.addi %mul3A_21, %arg0 : i32
    %scan3A_23 = arith.constant 0 : i32
    %scan3A_24 = arith.constant 0 : i32
    %scan3A_25 = arith.constant 10 : i32
    %scan3A_26 = arith.addi %scan3A_24, %scan3A_25 : i32
    %scan3A_27 = arith.constant 1 : i32
    %scan3A_28 = scf.for %scan3A_31 = %scan3A_24 to %scan3A_26 step %scan3A_27 iter_args(%scan3A_32 = %scan3A_23) -> (i32)  : i32 {
      %mul3A_33 = arith.constant 80 : i32
      %mul3A_34 = arith.muli %add3A_22, %mul3A_33 : i32
      %mul3A_35 = arith.constant 8 : i32
      %mul3A_36 = arith.muli %scan3A_31, %mul3A_35 : i32
      %add3A_37 = arith.addi %mul3A_34, %mul3A_36 : i32
      "tpu.region"() ({
        %run_scoped3A_250 = tpu.sem_alloc : memref<!tpu.dma_semaphore, #tpu.memory_space<semaphore_mem>>
        %dma_start3A_251 = arith.constant 0 : i32
        %dma_start3A_252 = tpu.memref_slice %arg3[%add3A_37, %dma_start3A_251] : memref<2560x128xi32, #tpu.memory_space<hbm>> -> memref<8x128xi32, #tpu.memory_space<hbm>>
        %dma_start3A_253 = arith.constant 0 : i32
        %dma_start3A_254 = tpu.memref_slice %arg3[%add3A_37, %dma_start3A_253] : memref<2560x128xi32, #tpu.memory_space<hbm>> -> memref<8x128xi32, #tpu.memory_space<hbm>>
        tpu.enqueue_dma source(%dma_start3A_254 : memref<8x128xi32, #tpu.memory_space<hbm>>) target(%arg6 : memref<8x128xi32, #tpu.memory_space<vmem>>) target_semaphore(%run_scoped3A_250 : memref<!tpu.dma_semaphore, #tpu.memory_space<semaphore_mem>>)
        %dma_wait3A_255 = arith.constant 0 : i32
        %dma_wait3A_256 = tpu.memref_slice %arg3[%add3A_37, %dma_wait3A_255] : memref<2560x128xi32, #tpu.memory_space<hbm>> -> memref<8x128xi32, #tpu.memory_space<hbm>>
        %dma_wait3A_257 = arith.constant 0 : i32
        %dma_wait3A_258 = tpu.memref_slice %arg3[%add3A_37, %dma_wait3A_257] : memref<2560x128xi32, #tpu.memory_space<hbm>> -> memref<8x128xi32, #tpu.memory_space<hbm>>
        tpu.wait_dma2 semaphore(%run_scoped3A_250 : memref<!tpu.dma_semaphore, #tpu.memory_space<semaphore_mem>>) src(%dma_wait3A_258 : memref<8x128xi32, #tpu.memory_space<hbm>>) dst(%arg6 : memref<8x128xi32, #tpu.memory_space<vmem>>)
        tpu.yield
      }) : () -> ()
      %mul3A_38 = arith.constant 80 : i32
      %mul3A_39 = arith.muli %add3A_22, %mul3A_38 : i32
      %mul3A_40 = arith.constant 8 : i32
      %mul3A_41 = arith.muli %scan3A_31, %mul3A_40 : i32
      %add3A_42 = arith.addi %mul3A_39, %mul3A_41 : i32
      "tpu.region"() ({
        %run_scoped3A_250 = tpu.sem_alloc : memref<!tpu.dma_semaphore, #tpu.memory_space<semaphore_mem>>
        %dma_start3A_251 = arith.constant 0 : i32
        %dma_start3A_252 = tpu.memref_slice %arg4[%add3A_42, %dma_start3A_251] : memref<2560x128xi32, #tpu.memory_space<hbm>> -> memref<8x128xi32, #tpu.memory_space<hbm>>
        %dma_start3A_253 = arith.constant 0 : i32
        %dma_start3A_254 = tpu.memref_slice %arg4[%add3A_42, %dma_start3A_253] : memref<2560x128xi32, #tpu.memory_space<hbm>> -> memref<8x128xi32, #tpu.memory_space<hbm>>
        tpu.enqueue_dma source(%dma_start3A_254 : memref<8x128xi32, #tpu.memory_space<hbm>>) target(%arg7 : memref<8x128xi32, #tpu.memory_space<vmem>>) target_semaphore(%run_scoped3A_250 : memref<!tpu.dma_semaphore, #tpu.memory_space<semaphore_mem>>)
        %dma_wait3A_255 = arith.constant 0 : i32
        %dma_wait3A_256 = tpu.memref_slice %arg4[%add3A_42, %dma_wait3A_255] : memref<2560x128xi32, #tpu.memory_space<hbm>> -> memref<8x128xi32, #tpu.memory_space<hbm>>
        %dma_wait3A_257 = arith.constant 0 : i32
        %dma_wait3A_258 = tpu.memref_slice %arg4[%add3A_42, %dma_wait3A_257] : memref<2560x128xi32, #tpu.memory_space<hbm>> -> memref<8x128xi32, #tpu.memory_space<hbm>>
        tpu.wait_dma2 semaphore(%run_scoped3A_250 : memref<!tpu.dma_semaphore, #tpu.memory_space<semaphore_mem>>) src(%dma_wait3A_258 : memref<8x128xi32, #tpu.memory_space<hbm>>) dst(%arg7 : memref<8x128xi32, #tpu.memory_space<vmem>>)
        tpu.yield
      }) : () -> ()
      %dma_start3A = arith.constant 0 : i32
      %dma_start3A_43 = arith.constant 0 : i32
      %dma_start3A_44 = arith.constant 0 : i32
      %dma_start3A_45 = arith.constant 0 : i32
      %dma_start3A_46 = tpu.memref_slice %arg8[%dma_start3A_43, %dma_start3A_44, %dma_start3A_45] : memref<2x128x128xf32, #tpu.memory_space<vmem>> -> memref<1x128x128xf32, #tpu.memory_space<vmem>>
      %dma_start3A_47 = tpu.memref_squeeze %dma_start3A_46 : memref<1x128x128xf32, #tpu.memory_space<vmem>> -> memref<128x128xf32, #tpu.memory_space<vmem>>
      %dma_start3A_48 = arith.constant 0 : i32
      %dma_start3A_49 = tpu.memref_slice %arg6[%dma_start3A, %dma_start3A_48] : memref<8x128xi32, #tpu.memory_space<vmem>> -> memref<1x128xi32, #tpu.memory_space<vmem>>
      %dma_start3A_50 = tpu.memref_squeeze %dma_start3A_49 : memref<1x128xi32, #tpu.memory_space<vmem>> -> memref<128xi32, #tpu.memory_space<vmem>>
      %dma_start3A_51 = arith.constant 0 : i32
      %dma_start3A_52 = arith.constant 0 : i32
      %dma_start3A_53 = tpu.memref_slice %arg2[%dma_start3A_51, %dma_start3A_52] : memref<10240x128xf32, #tpu.memory_space<hbm>> -> memref<10240x128xf32, #tpu.memory_space<hbm>>
      tpu.enqueue_indirect_dma source(%dma_start3A_53 : memref<10240x128xf32, #tpu.memory_space<hbm>>) target(%dma_start3A_47 : memref<128x128xf32, #tpu.memory_space<vmem>>) offsets(%dma_start3A_50 : memref<128xi32, #tpu.memory_space<vmem>>) semaphore(%arg10 : memref<!tpu.dma_semaphore, #tpu.memory_space<semaphore_mem>>)
      %dma_start3A_54 = arith.constant 1 : i32
      %dma_start3A_55 = arith.constant 1 : i32
      %dma_start3A_56 = arith.constant 0 : i32
      %dma_start3A_57 = arith.constant 0 : i32
      %dma_start3A_58 = tpu.memref_slice %arg8[%dma_start3A_55, %dma_start3A_56, %dma_start3A_57] : memref<2x128x128xf32, #tpu.memory_space<vmem>> -> memref<1x128x128xf32, #tpu.memory_space<vmem>>
      %dma_start3A_59 = tpu.memref_squeeze %dma_start3A_58 : memref<1x128x128xf32, #tpu.memory_space<vmem>> -> memref<128x128xf32, #tpu.memory_space<vmem>>
      %dma_start3A_60 = arith.constant 0 : i32
      %dma_start3A_61 = tpu.memref_slice %arg6[%dma_start3A_54, %dma_start3A_60] : memref<8x128xi32, #tpu.memory_space<vmem>> -> memref<1x128xi32, #tpu.memory_space<vmem>>
      %dma_start3A_62 = tpu.memref_squeeze %dma_start3A_61 : memref<1x128xi32, #tpu.memory_space<vmem>> -> memref<128xi32, #tpu.memory_space<vmem>>
      %dma_start3A_63 = arith.constant 0 : i32
      %dma_start3A_64 = arith.constant 0 : i32
      %dma_start3A_65 = tpu.memref_slice %arg2[%dma_start3A_63, %dma_start3A_64] : memref<10240x128xf32, #tpu.memory_space<hbm>> -> memref<10240x128xf32, #tpu.memory_space<hbm>>
      tpu.enqueue_indirect_dma source(%dma_start3A_65 : memref<10240x128xf32, #tpu.memory_space<hbm>>) target(%dma_start3A_59 : memref<128x128xf32, #tpu.memory_space<vmem>>) offsets(%dma_start3A_62 : memref<128xi32, #tpu.memory_space<vmem>>) semaphore(%arg11 : memref<!tpu.dma_semaphore, #tpu.memory_space<semaphore_mem>>)
      %dma_wait3A = arith.constant 0 : i32
      %dma_wait3A_66 = arith.constant 0 : i32
      %dma_wait3A_67 = arith.constant 0 : i32
      %dma_wait3A_68 = arith.constant 0 : i32
      %dma_wait3A_69 = tpu.memref_slice %arg8[%dma_wait3A_66, %dma_wait3A_67, %dma_wait3A_68] : memref<2x128x128xf32, #tpu.memory_space<vmem>> -> memref<1x128x128xf32, #tpu.memory_space<vmem>>
      %dma_wait3A_70 = tpu.memref_squeeze %dma_wait3A_69 : memref<1x128x128xf32, #tpu.memory_space<vmem>> -> memref<128x128xf32, #tpu.memory_space<vmem>>
      %dma_wait3A_71 = arith.constant 0 : i32
      %dma_wait3A_72 = tpu.memref_slice %arg6[%dma_wait3A, %dma_wait3A_71] : memref<8x128xi32, #tpu.memory_space<vmem>> -> memref<1x128xi32, #tpu.memory_space<vmem>>
      %dma_wait3A_73 = tpu.memref_squeeze %dma_wait3A_72 : memref<1x128xi32, #tpu.memory_space<vmem>> -> memref<128xi32, #tpu.memory_space<vmem>>
      %dma_wait3A_74 = arith.constant 0 : i32
      %dma_wait3A_75 = arith.constant 0 : i32
      %dma_wait3A_76 = tpu.memref_slice %arg2[%dma_wait3A_74, %dma_wait3A_75] : memref<10240x128xf32, #tpu.memory_space<hbm>> -> memref<10240x128xf32, #tpu.memory_space<hbm>>
      tpu.wait_indirect_dma semaphore(%arg10 : memref<!tpu.dma_semaphore, #tpu.memory_space<semaphore_mem>>) src(%dma_wait3A_76 : memref<10240x128xf32, #tpu.memory_space<hbm>>) dst(%dma_wait3A_70 : memref<128x128xf32, #tpu.memory_space<vmem>>)
      %run_scoped3A_77 = arith.constant 0 : i32
      %run_scoped3A_78 = arith.constant 0 : i32
      "tpu.region"() ({
        %run_scoped3A_250 = tpu.sem_alloc : memref<!tpu.dma_semaphore, #tpu.memory_space<semaphore_mem>>
        %dma_start3A_251 = arith.constant 0 : i32
        %dma_start3A_252 = arith.constant 0 : i32
        %dma_start3A_253 = tpu.memref_slice %arg8[%run_scoped3A_77, %dma_start3A_251, %dma_start3A_252] : memref<2x128x128xf32, #tpu.memory_space<vmem>> -> memref<1x128x128xf32, #tpu.memory_space<vmem>>
        %dma_start3A_254 = tpu.memref_squeeze %dma_start3A_253 : memref<1x128x128xf32, #tpu.memory_space<vmem>> -> memref<128x128xf32, #tpu.memory_space<vmem>>
        %dma_start3A_255 = arith.constant 0 : i32
        %dma_start3A_256 = tpu.memref_slice %arg7[%run_scoped3A_78, %dma_start3A_255] : memref<8x128xi32, #tpu.memory_space<vmem>> -> memref<1x128xi32, #tpu.memory_space<vmem>>
        %dma_start3A_257 = tpu.memref_squeeze %dma_start3A_256 : memref<1x128xi32, #tpu.memory_space<vmem>> -> memref<128xi32, #tpu.memory_space<vmem>>
        %dma_start3A_258 = arith.constant 0 : i32
        %dma_start3A_259 = arith.constant 0 : i32
        %dma_start3A_260 = tpu.memref_slice %arg9[%dma_start3A_258, %dma_start3A_259] : memref<10240x128xf32, #tpu.memory_space<vmem_shared>> -> memref<10240x128xf32, #tpu.memory_space<vmem_shared>>
        tpu.enqueue_indirect_dma source(%dma_start3A_254 : memref<128x128xf32, #tpu.memory_space<vmem>>) target(%dma_start3A_260 : memref<10240x128xf32, #tpu.memory_space<vmem_shared>>) offsets(%dma_start3A_257 : memref<128xi32, #tpu.memory_space<vmem>>) semaphore(%run_scoped3A_250 : memref<!tpu.dma_semaphore, #tpu.memory_space<semaphore_mem>>) {add = true}
        %dma_wait3A_261 = arith.constant 0 : i32
        %dma_wait3A_262 = arith.constant 0 : i32
        %dma_wait3A_263 = tpu.memref_slice %arg8[%run_scoped3A_77, %dma_wait3A_261, %dma_wait3A_262] : memref<2x128x128xf32, #tpu.memory_space<vmem>> -> memref<1x128x128xf32, #tpu.memory_space<vmem>>
        %dma_wait3A_264 = tpu.memref_squeeze %dma_wait3A_263 : memref<1x128x128xf32, #tpu.memory_space<vmem>> -> memref<128x128xf32, #tpu.memory_space<vmem>>
        %dma_wait3A_265 = arith.constant 0 : i32
        %dma_wait3A_266 = tpu.memref_slice %arg7[%run_scoped3A_78, %dma_wait3A_265] : memref<8x128xi32, #tpu.memory_space<vmem>> -> memref<1x128xi32, #tpu.memory_space<vmem>>
        %dma_wait3A_267 = tpu.memref_squeeze %dma_wait3A_266 : memref<1x128xi32, #tpu.memory_space<vmem>> -> memref<128xi32, #tpu.memory_space<vmem>>
        %dma_wait3A_268 = arith.constant 0 : i32
        %dma_wait3A_269 = arith.constant 0 : i32
        %dma_wait3A_270 = tpu.memref_slice %arg9[%dma_wait3A_268, %dma_wait3A_269] : memref<10240x128xf32, #tpu.memory_space<vmem_shared>> -> memref<10240x128xf32, #tpu.memory_space<vmem_shared>>
        tpu.wait_indirect_dma semaphore(%run_scoped3A_250 : memref<!tpu.dma_semaphore, #tpu.memory_space<semaphore_mem>>) src(%dma_wait3A_264 : memref<128x128xf32, #tpu.memory_space<vmem>>) dst(%dma_wait3A_270 : memref<10240x128xf32, #tpu.memory_space<vmem_shared>>)
        tpu.yield
      }) : () -> ()
      %dma_start3A_79 = arith.constant 2 : i32
      %dma_start3A_80 = arith.constant 0 : i32
      %dma_start3A_81 = arith.constant 0 : i32
      %dma_start3A_82 = arith.constant 0 : i32
      %dma_start3A_83 = tpu.memref_slice %arg8[%dma_start3A_80, %dma_start3A_81, %dma_start3A_82] : memref<2x128x128xf32, #tpu.memory_space<vmem>> -> memref<1x128x128xf32, #tpu.memory_space<vmem>>
      %dma_start3A_84 = tpu.memref_squeeze %dma_start3A_83 : memref<1x128x128xf32, #tpu.memory_space<vmem>> -> memref<128x128xf32, #tpu.memory_space<vmem>>
      %dma_start3A_85 = arith.constant 0 : i32
      %dma_start3A_86 = tpu.memref_slice %arg6[%dma_start3A_79, %dma_start3A_85] : memref<8x128xi32, #tpu.memory_space<vmem>> -> memref<1x128xi32, #tpu.memory_space<vmem>>
      %dma_start3A_87 = tpu.memref_squeeze %dma_start3A_86 : memref<1x128xi32, #tpu.memory_space<vmem>> -> memref<128xi32, #tpu.memory_space<vmem>>
      %dma_start3A_88 = arith.constant 0 : i32
      %dma_start3A_89 = arith.constant 0 : i32
      %dma_start3A_90 = tpu.memref_slice %arg2[%dma_start3A_88, %dma_start3A_89] : memref<10240x128xf32, #tpu.memory_space<hbm>> -> memref<10240x128xf32, #tpu.memory_space<hbm>>
      tpu.enqueue_indirect_dma source(%dma_start3A_90 : memref<10240x128xf32, #tpu.memory_space<hbm>>) target(%dma_start3A_84 : memref<128x128xf32, #tpu.memory_space<vmem>>) offsets(%dma_start3A_87 : memref<128xi32, #tpu.memory_space<vmem>>) semaphore(%arg10 : memref<!tpu.dma_semaphore, #tpu.memory_space<semaphore_mem>>)
      %dma_wait3A_91 = arith.constant 1 : i32
      %dma_wait3A_92 = arith.constant 1 : i32
      %dma_wait3A_93 = arith.constant 0 : i32
      %dma_wait3A_94 = arith.constant 0 : i32
      %dma_wait3A_95 = tpu.memref_slice %arg8[%dma_wait3A_92, %dma_wait3A_93, %dma_wait3A_94] : memref<2x128x128xf32, #tpu.memory_space<vmem>> -> memref<1x128x128xf32, #tpu.memory_space<vmem>>
      %dma_wait3A_96 = tpu.memref_squeeze %dma_wait3A_95 : memref<1x128x128xf32, #tpu.memory_space<vmem>> -> memref<128x128xf32, #tpu.memory_space<vmem>>
      %dma_wait3A_97 = arith.constant 0 : i32
      %dma_wait3A_98 = tpu.memref_slice %arg6[%dma_wait3A_91, %dma_wait3A_97] : memref<8x128xi32, #tpu.memory_space<vmem>> -> memref<1x128xi32, #tpu.memory_space<vmem>>
      %dma_wait3A_99 = tpu.memref_squeeze %dma_wait3A_98 : memref<1x128xi32, #tpu.memory_space<vmem>> -> memref<128xi32, #tpu.memory_space<vmem>>
      %dma_wait3A_100 = arith.constant 0 : i32
      %dma_wait3A_101 = arith.constant 0 : i32
      %dma_wait3A_102 = tpu.memref_slice %arg2[%dma_wait3A_100, %dma_wait3A_101] : memref<10240x128xf32, #tpu.memory_space<hbm>> -> memref<10240x128xf32, #tpu.memory_space<hbm>>
      tpu.wait_indirect_dma semaphore(%arg11 : memref<!tpu.dma_semaphore, #tpu.memory_space<semaphore_mem>>) src(%dma_wait3A_102 : memref<10240x128xf32, #tpu.memory_space<hbm>>) dst(%dma_wait3A_96 : memref<128x128xf32, #tpu.memory_space<vmem>>)
      %run_scoped3A_103 = arith.constant 1 : i32
      %run_scoped3A_104 = arith.constant 1 : i32
      "tpu.region"() ({
        %run_scoped3A_250 = tpu.sem_alloc : memref<!tpu.dma_semaphore, #tpu.memory_space<semaphore_mem>>
        %dma_start3A_251 = arith.constant 0 : i32
        %dma_start3A_252 = arith.constant 0 : i32
        %dma_start3A_253 = tpu.memref_slice %arg8[%run_scoped3A_103, %dma_start3A_251, %dma_start3A_252] : memref<2x128x128xf32, #tpu.memory_space<vmem>> -> memref<1x128x128xf32, #tpu.memory_space<vmem>>
        %dma_start3A_254 = tpu.memref_squeeze %dma_start3A_253 : memref<1x128x128xf32, #tpu.memory_space<vmem>> -> memref<128x128xf32, #tpu.memory_space<vmem>>
        %dma_start3A_255 = arith.constant 0 : i32
        %dma_start3A_256 = tpu.memref_slice %arg7[%run_scoped3A_104, %dma_start3A_255] : memref<8x128xi32, #tpu.memory_space<vmem>> -> memref<1x128xi32, #tpu.memory_space<vmem>>
        %dma_start3A_257 = tpu.memref_squeeze %dma_start3A_256 : memref<1x128xi32, #tpu.memory_space<vmem>> -> memref<128xi32, #tpu.memory_space<vmem>>
        %dma_start3A_258 = arith.constant 0 : i32
        %dma_start3A_259 = arith.constant 0 : i32
        %dma_start3A_260 = tpu.memref_slice %arg9[%dma_start3A_258, %dma_start3A_259] : memref<10240x128xf32, #tpu.memory_space<vmem_shared>> -> memref<10240x128xf32, #tpu.memory_space<vmem_shared>>
        tpu.enqueue_indirect_dma source(%dma_start3A_254 : memref<128x128xf32, #tpu.memory_space<vmem>>) target(%dma_start3A_260 : memref<10240x128xf32, #tpu.memory_space<vmem_shared>>) offsets(%dma_start3A_257 : memref<128xi32, #tpu.memory_space<vmem>>) semaphore(%run_scoped3A_250 : memref<!tpu.dma_semaphore, #tpu.memory_space<semaphore_mem>>) {add = true}
        %dma_wait3A_261 = arith.constant 0 : i32
        %dma_wait3A_262 = arith.constant 0 : i32
        %dma_wait3A_263 = tpu.memref_slice %arg8[%run_scoped3A_103, %dma_wait3A_261, %dma_wait3A_262] : memref<2x128x128xf32, #tpu.memory_space<vmem>> -> memref<1x128x128xf32, #tpu.memory_space<vmem>>
        %dma_wait3A_264 = tpu.memref_squeeze %dma_wait3A_263 : memref<1x128x128xf32, #tpu.memory_space<vmem>> -> memref<128x128xf32, #tpu.memory_space<vmem>>
        %dma_wait3A_265 = arith.constant 0 : i32
        %dma_wait3A_266 = tpu.memref_slice %arg7[%run_scoped3A_104, %dma_wait3A_265] : memref<8x128xi32, #tpu.memory_space<vmem>> -> memref<1x128xi32, #tpu.memory_space<vmem>>
        %dma_wait3A_267 = tpu.memref_squeeze %dma_wait3A_266 : memref<1x128xi32, #tpu.memory_space<vmem>> -> memref<128xi32, #tpu.memory_space<vmem>>
        %dma_wait3A_268 = arith.constant 0 : i32
        %dma_wait3A_269 = arith.constant 0 : i32
        %dma_wait3A_270 = tpu.memref_slice %arg9[%dma_wait3A_268, %dma_wait3A_269] : memref<10240x128xf32, #tpu.memory_space<vmem_shared>> -> memref<10240x128xf32, #tpu.memory_space<vmem_shared>>
        tpu.wait_indirect_dma semaphore(%run_scoped3A_250 : memref<!tpu.dma_semaphore, #tpu.memory_space<semaphore_mem>>) src(%dma_wait3A_264 : memref<128x128xf32, #tpu.memory_space<vmem>>) dst(%dma_wait3A_270 : memref<10240x128xf32, #tpu.memory_space<vmem_shared>>)
        tpu.yield
      }) : () -> ()
      %dma_start3A_105 = arith.constant 3 : i32
      %dma_start3A_106 = arith.constant 1 : i32
      %dma_start3A_107 = arith.constant 0 : i32
      %dma_start3A_108 = arith.constant 0 : i32
      %dma_start3A_109 = tpu.memref_slice %arg8[%dma_start3A_106, %dma_start3A_107, %dma_start3A_108] : memref<2x128x128xf32, #tpu.memory_space<vmem>> -> memref<1x128x128xf32, #tpu.memory_space<vmem>>
      %dma_start3A_110 = tpu.memref_squeeze %dma_start3A_109 : memref<1x128x128xf32, #tpu.memory_space<vmem>> -> memref<128x128xf32, #tpu.memory_space<vmem>>
      %dma_start3A_111 = arith.constant 0 : i32
      %dma_start3A_112 = tpu.memref_slice %arg6[%dma_start3A_105, %dma_start3A_111] : memref<8x128xi32, #tpu.memory_space<vmem>> -> memref<1x128xi32, #tpu.memory_space<vmem>>
      %dma_start3A_113 = tpu.memref_squeeze %dma_start3A_112 : memref<1x128xi32, #tpu.memory_space<vmem>> -> memref<128xi32, #tpu.memory_space<vmem>>
      %dma_start3A_114 = arith.constant 0 : i32
      %dma_start3A_115 = arith.constant 0 : i32
      %dma_start3A_116 = tpu.memref_slice %arg2[%dma_start3A_114, %dma_start3A_115] : memref<10240x128xf32, #tpu.memory_space<hbm>> -> memref<10240x128xf32, #tpu.memory_space<hbm>>
      tpu.enqueue_indirect_dma source(%dma_start3A_116 : memref<10240x128xf32, #tpu.memory_space<hbm>>) target(%dma_start3A_110 : memref<128x128xf32, #tpu.memory_space<vmem>>) offsets(%dma_start3A_113 : memref<128xi32, #tpu.memory_space<vmem>>) semaphore(%arg11 : memref<!tpu.dma_semaphore, #tpu.memory_space<semaphore_mem>>)
      %dma_wait3A_117 = arith.constant 2 : i32
      %dma_wait3A_118 = arith.constant 0 : i32
      %dma_wait3A_119 = arith.constant 0 : i32
      %dma_wait3A_120 = arith.constant 0 : i32
      %dma_wait3A_121 = tpu.memref_slice %arg8[%dma_wait3A_118, %dma_wait3A_119, %dma_wait3A_120] : memref<2x128x128xf32, #tpu.memory_space<vmem>> -> memref<1x128x128xf32, #tpu.memory_space<vmem>>
      %dma_wait3A_122 = tpu.memref_squeeze %dma_wait3A_121 : memref<1x128x128xf32, #tpu.memory_space<vmem>> -> memref<128x128xf32, #tpu.memory_space<vmem>>
      %dma_wait3A_123 = arith.constant 0 : i32
      %dma_wait3A_124 = tpu.memref_slice %arg6[%dma_wait3A_117, %dma_wait3A_123] : memref<8x128xi32, #tpu.memory_space<vmem>> -> memref<1x128xi32, #tpu.memory_space<vmem>>
      %dma_wait3A_125 = tpu.memref_squeeze %dma_wait3A_124 : memref<1x128xi32, #tpu.memory_space<vmem>> -> memref<128xi32, #tpu.memory_space<vmem>>
      %dma_wait3A_126 = arith.constant 0 : i32
      %dma_wait3A_127 = arith.constant 0 : i32
      %dma_wait3A_128 = tpu.memref_slice %arg2[%dma_wait3A_126, %dma_wait3A_127] : memref<10240x128xf32, #tpu.memory_space<hbm>> -> memref<10240x128xf32, #tpu.memory_space<hbm>>
      tpu.wait_indirect_dma semaphore(%arg10 : memref<!tpu.dma_semaphore, #tpu.memory_space<semaphore_mem>>) src(%dma_wait3A_128 : memref<10240x128xf32, #tpu.memory_space<hbm>>) dst(%dma_wait3A_122 : memref<128x128xf32, #tpu.memory_space<vmem>>)
      %run_scoped3A_129 = arith.constant 0 : i32
      %run_scoped3A_130 = arith.constant 2 : i32
      "tpu.region"() ({
        %run_scoped3A_250 = tpu.sem_alloc : memref<!tpu.dma_semaphore, #tpu.memory_space<semaphore_mem>>
        %dma_start3A_251 = arith.constant 0 : i32
        %dma_start3A_252 = arith.constant 0 : i32
        %dma_start3A_253 = tpu.memref_slice %arg8[%run_scoped3A_129, %dma_start3A_251, %dma_start3A_252] : memref<2x128x128xf32, #tpu.memory_space<vmem>> -> memref<1x128x128xf32, #tpu.memory_space<vmem>>
        %dma_start3A_254 = tpu.memref_squeeze %dma_start3A_253 : memref<1x128x128xf32, #tpu.memory_space<vmem>> -> memref<128x128xf32, #tpu.memory_space<vmem>>
        %dma_start3A_255 = arith.constant 0 : i32
        %dma_start3A_256 = tpu.memref_slice %arg7[%run_scoped3A_130, %dma_start3A_255] : memref<8x128xi32, #tpu.memory_space<vmem>> -> memref<1x128xi32, #tpu.memory_space<vmem>>
        %dma_start3A_257 = tpu.memref_squeeze %dma_start3A_256 : memref<1x128xi32, #tpu.memory_space<vmem>> -> memref<128xi32, #tpu.memory_space<vmem>>
        %dma_start3A_258 = arith.constant 0 : i32
        %dma_start3A_259 = arith.constant 0 : i32
        %dma_start3A_260 = tpu.memref_slice %arg9[%dma_start3A_258, %dma_start3A_259] : memref<10240x128xf32, #tpu.memory_space<vmem_shared>> -> memref<10240x128xf32, #tpu.memory_space<vmem_shared>>
        tpu.enqueue_indirect_dma source(%dma_start3A_254 : memref<128x128xf32, #tpu.memory_space<vmem>>) target(%dma_start3A_260 : memref<10240x128xf32, #tpu.memory_space<vmem_shared>>) offsets(%dma_start3A_257 : memref<128xi32, #tpu.memory_space<vmem>>) semaphore(%run_scoped3A_250 : memref<!tpu.dma_semaphore, #tpu.memory_space<semaphore_mem>>) {add = true}
        %dma_wait3A_261 = arith.constant 0 : i32
        %dma_wait3A_262 = arith.constant 0 : i32
        %dma_wait3A_263 = tpu.memref_slice %arg8[%run_scoped3A_129, %dma_wait3A_261, %dma_wait3A_262] : memref<2x128x128xf32, #tpu.memory_space<vmem>> -> memref<1x128x128xf32, #tpu.memory_space<vmem>>
        %dma_wait3A_264 = tpu.memref_squeeze %dma_wait3A_263 : memref<1x128x128xf32, #tpu.memory_space<vmem>> -> memref<128x128xf32, #tpu.memory_space<vmem>>
        %dma_wait3A_265 = arith.constant 0 : i32
        %dma_wait3A_266 = tpu.memref_slice %arg7[%run_scoped3A_130, %dma_wait3A_265] : memref<8x128xi32, #tpu.memory_space<vmem>> -> memref<1x128xi32, #tpu.memory_space<vmem>>
        %dma_wait3A_267 = tpu.memref_squeeze %dma_wait3A_266 : memref<1x128xi32, #tpu.memory_space<vmem>> -> memref<128xi32, #tpu.memory_space<vmem>>
        %dma_wait3A_268 = arith.constant 0 : i32
        %dma_wait3A_269 = arith.constant 0 : i32
        %dma_wait3A_270 = tpu.memref_slice %arg9[%dma_wait3A_268, %dma_wait3A_269] : memref<10240x128xf32, #tpu.memory_space<vmem_shared>> -> memref<10240x128xf32, #tpu.memory_space<vmem_shared>>
        tpu.wait_indirect_dma semaphore(%run_scoped3A_250 : memref<!tpu.dma_semaphore, #tpu.memory_space<semaphore_mem>>) src(%dma_wait3A_264 : memref<128x128xf32, #tpu.memory_space<vmem>>) dst(%dma_wait3A_270 : memref<10240x128xf32, #tpu.memory_space<vmem_shared>>)
        tpu.yield
      }) : () -> ()
      %dma_start3A_131 = arith.constant 4 : i32
      %dma_start3A_132 = arith.constant 0 : i32
      %dma_start3A_133 = arith.constant 0 : i32
      %dma_start3A_134 = arith.constant 0 : i32
      %dma_start3A_135 = tpu.memref_slice %arg8[%dma_start3A_132, %dma_start3A_133, %dma_start3A_134] : memref<2x128x128xf32, #tpu.memory_space<vmem>> -> memref<1x128x128xf32, #tpu.memory_space<vmem>>
      %dma_start3A_136 = tpu.memref_squeeze %dma_start3A_135 : memref<1x128x128xf32, #tpu.memory_space<vmem>> -> memref<128x128xf32, #tpu.memory_space<vmem>>
      %dma_start3A_137 = arith.constant 0 : i32
      %dma_start3A_138 = tpu.memref_slice %arg6[%dma_start3A_131, %dma_start3A_137] : memref<8x128xi32, #tpu.memory_space<vmem>> -> memref<1x128xi32, #tpu.memory_space<vmem>>
      %dma_start3A_139 = tpu.memref_squeeze %dma_start3A_138 : memref<1x128xi32, #tpu.memory_space<vmem>> -> memref<128xi32, #tpu.memory_space<vmem>>
      %dma_start3A_140 = arith.constant 0 : i32
      %dma_start3A_141 = arith.constant 0 : i32
      %dma_start3A_142 = tpu.memref_slice %arg2[%dma_start3A_140, %dma_start3A_141] : memref<10240x128xf32, #tpu.memory_space<hbm>> -> memref<10240x128xf32, #tpu.memory_space<hbm>>
      tpu.enqueue_indirect_dma source(%dma_start3A_142 : memref<10240x128xf32, #tpu.memory_space<hbm>>) target(%dma_start3A_136 : memref<128x128xf32, #tpu.memory_space<vmem>>) offsets(%dma_start3A_139 : memref<128xi32, #tpu.memory_space<vmem>>) semaphore(%arg10 : memref<!tpu.dma_semaphore, #tpu.memory_space<semaphore_mem>>)
      %dma_wait3A_143 = arith.constant 3 : i32
      %dma_wait3A_144 = arith.constant 1 : i32
      %dma_wait3A_145 = arith.constant 0 : i32
      %dma_wait3A_146 = arith.constant 0 : i32
      %dma_wait3A_147 = tpu.memref_slice %arg8[%dma_wait3A_144, %dma_wait3A_145, %dma_wait3A_146] : memref<2x128x128xf32, #tpu.memory_space<vmem>> -> memref<1x128x128xf32, #tpu.memory_space<vmem>>
      %dma_wait3A_148 = tpu.memref_squeeze %dma_wait3A_147 : memref<1x128x128xf32, #tpu.memory_space<vmem>> -> memref<128x128xf32, #tpu.memory_space<vmem>>
      %dma_wait3A_149 = arith.constant 0 : i32
      %dma_wait3A_150 = tpu.memref_slice %arg6[%dma_wait3A_143, %dma_wait3A_149] : memref<8x128xi32, #tpu.memory_space<vmem>> -> memref<1x128xi32, #tpu.memory_space<vmem>>
      %dma_wait3A_151 = tpu.memref_squeeze %dma_wait3A_150 : memref<1x128xi32, #tpu.memory_space<vmem>> -> memref<128xi32, #tpu.memory_space<vmem>>
      %dma_wait3A_152 = arith.constant 0 : i32
      %dma_wait3A_153 = arith.constant 0 : i32
      %dma_wait3A_154 = tpu.memref_slice %arg2[%dma_wait3A_152, %dma_wait3A_153] : memref<10240x128xf32, #tpu.memory_space<hbm>> -> memref<10240x128xf32, #tpu.memory_space<hbm>>
      tpu.wait_indirect_dma semaphore(%arg11 : memref<!tpu.dma_semaphore, #tpu.memory_space<semaphore_mem>>) src(%dma_wait3A_154 : memref<10240x128xf32, #tpu.memory_space<hbm>>) dst(%dma_wait3A_148 : memref<128x128xf32, #tpu.memory_space<vmem>>)
      %run_scoped3A_155 = arith.constant 1 : i32
      %run_scoped3A_156 = arith.constant 3 : i32
      "tpu.region"() ({
        %run_scoped3A_250 = tpu.sem_alloc : memref<!tpu.dma_semaphore, #tpu.memory_space<semaphore_mem>>
        %dma_start3A_251 = arith.constant 0 : i32
        %dma_start3A_252 = arith.constant 0 : i32
        %dma_start3A_253 = tpu.memref_slice %arg8[%run_scoped3A_155, %dma_start3A_251, %dma_start3A_252] : memref<2x128x128xf32, #tpu.memory_space<vmem>> -> memref<1x128x128xf32, #tpu.memory_space<vmem>>
        %dma_start3A_254 = tpu.memref_squeeze %dma_start3A_253 : memref<1x128x128xf32, #tpu.memory_space<vmem>> -> memref<128x128xf32, #tpu.memory_space<vmem>>
        %dma_start3A_255 = arith.constant 0 : i32
        %dma_start3A_256 = tpu.memref_slice %arg7[%run_scoped3A_156, %dma_start3A_255] : memref<8x128xi32, #tpu.memory_space<vmem>> -> memref<1x128xi32, #tpu.memory_space<vmem>>
        %dma_start3A_257 = tpu.memref_squeeze %dma_start3A_256 : memref<1x128xi32, #tpu.memory_space<vmem>> -> memref<128xi32, #tpu.memory_space<vmem>>
        %dma_start3A_258 = arith.constant 0 : i32
        %dma_start3A_259 = arith.constant 0 : i32
        %dma_start3A_260 = tpu.memref_slice %arg9[%dma_start3A_258, %dma_start3A_259] : memref<10240x128xf32, #tpu.memory_space<vmem_shared>> -> memref<10240x128xf32, #tpu.memory_space<vmem_shared>>
        tpu.enqueue_indirect_dma source(%dma_start3A_254 : memref<128x128xf32, #tpu.memory_space<vmem>>) target(%dma_start3A_260 : memref<10240x128xf32, #tpu.memory_space<vmem_shared>>) offsets(%dma_start3A_257 : memref<128xi32, #tpu.memory_space<vmem>>) semaphore(%run_scoped3A_250 : memref<!tpu.dma_semaphore, #tpu.memory_space<semaphore_mem>>) {add = true}
        %dma_wait3A_261 = arith.constant 0 : i32
        %dma_wait3A_262 = arith.constant 0 : i32
        %dma_wait3A_263 = tpu.memref_slice %arg8[%run_scoped3A_155, %dma_wait3A_261, %dma_wait3A_262] : memref<2x128x128xf32, #tpu.memory_space<vmem>> -> memref<1x128x128xf32, #tpu.memory_space<vmem>>
        %dma_wait3A_264 = tpu.memref_squeeze %dma_wait3A_263 : memref<1x128x128xf32, #tpu.memory_space<vmem>> -> memref<128x128xf32, #tpu.memory_space<vmem>>
        %dma_wait3A_265 = arith.constant 0 : i32
        %dma_wait3A_266 = tpu.memref_slice %arg7[%run_scoped3A_156, %dma_wait3A_265] : memref<8x128xi32, #tpu.memory_space<vmem>> -> memref<1x128xi32, #tpu.memory_space<vmem>>
        %dma_wait3A_267 = tpu.memref_squeeze %dma_wait3A_266 : memref<1x128xi32, #tpu.memory_space<vmem>> -> memref<128xi32, #tpu.memory_space<vmem>>
        %dma_wait3A_268 = arith.constant 0 : i32
        %dma_wait3A_269 = arith.constant 0 : i32
        %dma_wait3A_270 = tpu.memref_slice %arg9[%dma_wait3A_268, %dma_wait3A_269] : memref<10240x128xf32, #tpu.memory_space<vmem_shared>> -> memref<10240x128xf32, #tpu.memory_space<vmem_shared>>
        tpu.wait_indirect_dma semaphore(%run_scoped3A_250 : memref<!tpu.dma_semaphore, #tpu.memory_space<semaphore_mem>>) src(%dma_wait3A_264 : memref<128x128xf32, #tpu.memory_space<vmem>>) dst(%dma_wait3A_270 : memref<10240x128xf32, #tpu.memory_space<vmem_shared>>)
        tpu.yield
      }) : () -> ()
      %dma_start3A_157 = arith.constant 5 : i32
      %dma_start3A_158 = arith.constant 1 : i32
      %dma_start3A_159 = arith.constant 0 : i32
      %dma_start3A_160 = arith.constant 0 : i32
      %dma_start3A_161 = tpu.memref_slice %arg8[%dma_start3A_158, %dma_start3A_159, %dma_start3A_160] : memref<2x128x128xf32, #tpu.memory_space<vmem>> -> memref<1x128x128xf32, #tpu.memory_space<vmem>>
      %dma_start3A_162 = tpu.memref_squeeze %dma_start3A_161 : memref<1x128x128xf32, #tpu.memory_space<vmem>> -> memref<128x128xf32, #tpu.memory_space<vmem>>
      %dma_start3A_163 = arith.constant 0 : i32
      %dma_start3A_164 = tpu.memref_slice %arg6[%dma_start3A_157, %dma_start3A_163] : memref<8x128xi32, #tpu.memory_space<vmem>> -> memref<1x128xi32, #tpu.memory_space<vmem>>
      %dma_start3A_165 = tpu.memref_squeeze %dma_start3A_164 : memref<1x128xi32, #tpu.memory_space<vmem>> -> memref<128xi32, #tpu.memory_space<vmem>>
      %dma_start3A_166 = arith.constant 0 : i32
      %dma_start3A_167 = arith.constant 0 : i32
      %dma_start3A_168 = tpu.memref_slice %arg2[%dma_start3A_166, %dma_start3A_167] : memref<10240x128xf32, #tpu.memory_space<hbm>> -> memref<10240x128xf32, #tpu.memory_space<hbm>>
      tpu.enqueue_indirect_dma source(%dma_start3A_168 : memref<10240x128xf32, #tpu.memory_space<hbm>>) target(%dma_start3A_162 : memref<128x128xf32, #tpu.memory_space<vmem>>) offsets(%dma_start3A_165 : memref<128xi32, #tpu.memory_space<vmem>>) semaphore(%arg11 : memref<!tpu.dma_semaphore, #tpu.memory_space<semaphore_mem>>)
      %dma_wait3A_169 = arith.constant 4 : i32
      %dma_wait3A_170 = arith.constant 0 : i32
      %dma_wait3A_171 = arith.constant 0 : i32
      %dma_wait3A_172 = arith.constant 0 : i32
      %dma_wait3A_173 = tpu.memref_slice %arg8[%dma_wait3A_170, %dma_wait3A_171, %dma_wait3A_172] : memref<2x128x128xf32, #tpu.memory_space<vmem>> -> memref<1x128x128xf32, #tpu.memory_space<vmem>>
      %dma_wait3A_174 = tpu.memref_squeeze %dma_wait3A_173 : memref<1x128x128xf32, #tpu.memory_space<vmem>> -> memref<128x128xf32, #tpu.memory_space<vmem>>
      %dma_wait3A_175 = arith.constant 0 : i32
      %dma_wait3A_176 = tpu.memref_slice %arg6[%dma_wait3A_169, %dma_wait3A_175] : memref<8x128xi32, #tpu.memory_space<vmem>> -> memref<1x128xi32, #tpu.memory_space<vmem>>
      %dma_wait3A_177 = tpu.memref_squeeze %dma_wait3A_176 : memref<1x128xi32, #tpu.memory_space<vmem>> -> memref<128xi32, #tpu.memory_space<vmem>>
      %dma_wait3A_178 = arith.constant 0 : i32
      %dma_wait3A_179 = arith.constant 0 : i32
      %dma_wait3A_180 = tpu.memref_slice %arg2[%dma_wait3A_178, %dma_wait3A_179] : memref<10240x128xf32, #tpu.memory_space<hbm>> -> memref<10240x128xf32, #tpu.memory_space<hbm>>
      tpu.wait_indirect_dma semaphore(%arg10 : memref<!tpu.dma_semaphore, #tpu.memory_space<semaphore_mem>>) src(%dma_wait3A_180 : memref<10240x128xf32, #tpu.memory_space<hbm>>) dst(%dma_wait3A_174 : memref<128x128xf32, #tpu.memory_space<vmem>>)
      %run_scoped3A_181 = arith.constant 0 : i32
      %run_scoped3A_182 = arith.constant 4 : i32
      "tpu.region"() ({
        %run_scoped3A_250 = tpu.sem_alloc : memref<!tpu.dma_semaphore, #tpu.memory_space<semaphore_mem>>
        %dma_start3A_251 = arith.constant 0 : i32
        %dma_start3A_252 = arith.constant 0 : i32
        %dma_start3A_253 = tpu.memref_slice %arg8[%run_scoped3A_181, %dma_start3A_251, %dma_start3A_252] : memref<2x128x128xf32, #tpu.memory_space<vmem>> -> memref<1x128x128xf32, #tpu.memory_space<vmem>>
        %dma_start3A_254 = tpu.memref_squeeze %dma_start3A_253 : memref<1x128x128xf32, #tpu.memory_space<vmem>> -> memref<128x128xf32, #tpu.memory_space<vmem>>
        %dma_start3A_255 = arith.constant 0 : i32
        %dma_start3A_256 = tpu.memref_slice %arg7[%run_scoped3A_182, %dma_start3A_255] : memref<8x128xi32, #tpu.memory_space<vmem>> -> memref<1x128xi32, #tpu.memory_space<vmem>>
        %dma_start3A_257 = tpu.memref_squeeze %dma_start3A_256 : memref<1x128xi32, #tpu.memory_space<vmem>> -> memref<128xi32, #tpu.memory_space<vmem>>
        %dma_start3A_258 = arith.constant 0 : i32
        %dma_start3A_259 = arith.constant 0 : i32
        %dma_start3A_260 = tpu.memref_slice %arg9[%dma_start3A_258, %dma_start3A_259] : memref<10240x128xf32, #tpu.memory_space<vmem_shared>> -> memref<10240x128xf32, #tpu.memory_space<vmem_shared>>
        tpu.enqueue_indirect_dma source(%dma_start3A_254 : memref<128x128xf32, #tpu.memory_space<vmem>>) target(%dma_start3A_260 : memref<10240x128xf32, #tpu.memory_space<vmem_shared>>) offsets(%dma_start3A_257 : memref<128xi32, #tpu.memory_space<vmem>>) semaphore(%run_scoped3A_250 : memref<!tpu.dma_semaphore, #tpu.memory_space<semaphore_mem>>) {add = true}
        %dma_wait3A_261 = arith.constant 0 : i32
        %dma_wait3A_262 = arith.constant 0 : i32
        %dma_wait3A_263 = tpu.memref_slice %arg8[%run_scoped3A_181, %dma_wait3A_261, %dma_wait3A_262] : memref<2x128x128xf32, #tpu.memory_space<vmem>> -> memref<1x128x128xf32, #tpu.memory_space<vmem>>
        %dma_wait3A_264 = tpu.memref_squeeze %dma_wait3A_263 : memref<1x128x128xf32, #tpu.memory_space<vmem>> -> memref<128x128xf32, #tpu.memory_space<vmem>>
        %dma_wait3A_265 = arith.constant 0 : i32
        %dma_wait3A_266 = tpu.memref_slice %arg7[%run_scoped3A_182, %dma_wait3A_265] : memref<8x128xi32, #tpu.memory_space<vmem>> -> memref<1x128xi32, #tpu.memory_space<vmem>>
        %dma_wait3A_267 = tpu.memref_squeeze %dma_wait3A_266 : memref<1x128xi32, #tpu.memory_space<vmem>> -> memref<128xi32, #tpu.memory_space<vmem>>
        %dma_wait3A_268 = arith.constant 0 : i32
        %dma_wait3A_269 = arith.constant 0 : i32
        %dma_wait3A_270 = tpu.memref_slice %arg9[%dma_wait3A_268, %dma_wait3A_269] : memref<10240x128xf32, #tpu.memory_space<vmem_shared>> -> memref<10240x128xf32, #tpu.memory_space<vmem_shared>>
        tpu.wait_indirect_dma semaphore(%run_scoped3A_250 : memref<!tpu.dma_semaphore, #tpu.memory_space<semaphore_mem>>) src(%dma_wait3A_264 : memref<128x128xf32, #tpu.memory_space<vmem>>) dst(%dma_wait3A_270 : memref<10240x128xf32, #tpu.memory_space<vmem_shared>>)
        tpu.yield
      }) : () -> ()
      %dma_start3A_183 = arith.constant 6 : i32
      %dma_start3A_184 = arith.constant 0 : i32
      %dma_start3A_185 = arith.constant 0 : i32
      %dma_start3A_186 = arith.constant 0 : i32
      %dma_start3A_187 = tpu.memref_slice %arg8[%dma_start3A_184, %dma_start3A_185, %dma_start3A_186] : memref<2x128x128xf32, #tpu.memory_space<vmem>> -> memref<1x128x128xf32, #tpu.memory_space<vmem>>
      %dma_start3A_188 = tpu.memref_squeeze %dma_start3A_187 : memref<1x128x128xf32, #tpu.memory_space<vmem>> -> memref<128x128xf32, #tpu.memory_space<vmem>>
      %dma_start3A_189 = arith.constant 0 : i32
      %dma_start3A_190 = tpu.memref_slice %arg6[%dma_start3A_183, %dma_start3A_189] : memref<8x128xi32, #tpu.memory_space<vmem>> -> memref<1x128xi32, #tpu.memory_space<vmem>>
      %dma_start3A_191 = tpu.memref_squeeze %dma_start3A_190 : memref<1x128xi32, #tpu.memory_space<vmem>> -> memref<128xi32, #tpu.memory_space<vmem>>
      %dma_start3A_192 = arith.constant 0 : i32
      %dma_start3A_193 = arith.constant 0 : i32
      %dma_start3A_194 = tpu.memref_slice %arg2[%dma_start3A_192, %dma_start3A_193] : memref<10240x128xf32, #tpu.memory_space<hbm>> -> memref<10240x128xf32, #tpu.memory_space<hbm>>
      tpu.enqueue_indirect_dma source(%dma_start3A_194 : memref<10240x128xf32, #tpu.memory_space<hbm>>) target(%dma_start3A_188 : memref<128x128xf32, #tpu.memory_space<vmem>>) offsets(%dma_start3A_191 : memref<128xi32, #tpu.memory_space<vmem>>) semaphore(%arg10 : memref<!tpu.dma_semaphore, #tpu.memory_space<semaphore_mem>>)
      %dma_wait3A_195 = arith.constant 5 : i32
      %dma_wait3A_196 = arith.constant 1 : i32
      %dma_wait3A_197 = arith.constant 0 : i32
      %dma_wait3A_198 = arith.constant 0 : i32
      %dma_wait3A_199 = tpu.memref_slice %arg8[%dma_wait3A_196, %dma_wait3A_197, %dma_wait3A_198] : memref<2x128x128xf32, #tpu.memory_space<vmem>> -> memref<1x128x128xf32, #tpu.memory_space<vmem>>
      %dma_wait3A_200 = tpu.memref_squeeze %dma_wait3A_199 : memref<1x128x128xf32, #tpu.memory_space<vmem>> -> memref<128x128xf32, #tpu.memory_space<vmem>>
      %dma_wait3A_201 = arith.constant 0 : i32
      %dma_wait3A_202 = tpu.memref_slice %arg6[%dma_wait3A_195, %dma_wait3A_201] : memref<8x128xi32, #tpu.memory_space<vmem>> -> memref<1x128xi32, #tpu.memory_space<vmem>>
      %dma_wait3A_203 = tpu.memref_squeeze %dma_wait3A_202 : memref<1x128xi32, #tpu.memory_space<vmem>> -> memref<128xi32, #tpu.memory_space<vmem>>
      %dma_wait3A_204 = arith.constant 0 : i32
      %dma_wait3A_205 = arith.constant 0 : i32
      %dma_wait3A_206 = tpu.memref_slice %arg2[%dma_wait3A_204, %dma_wait3A_205] : memref<10240x128xf32, #tpu.memory_space<hbm>> -> memref<10240x128xf32, #tpu.memory_space<hbm>>
      tpu.wait_indirect_dma semaphore(%arg11 : memref<!tpu.dma_semaphore, #tpu.memory_space<semaphore_mem>>) src(%dma_wait3A_206 : memref<10240x128xf32, #tpu.memory_space<hbm>>) dst(%dma_wait3A_200 : memref<128x128xf32, #tpu.memory_space<vmem>>)
      %run_scoped3A_207 = arith.constant 1 : i32
      %run_scoped3A_208 = arith.constant 5 : i32
      "tpu.region"() ({
        %run_scoped3A_250 = tpu.sem_alloc : memref<!tpu.dma_semaphore, #tpu.memory_space<semaphore_mem>>
        %dma_start3A_251 = arith.constant 0 : i32
        %dma_start3A_252 = arith.constant 0 : i32
        %dma_start3A_253 = tpu.memref_slice %arg8[%run_scoped3A_207, %dma_start3A_251, %dma_start3A_252] : memref<2x128x128xf32, #tpu.memory_space<vmem>> -> memref<1x128x128xf32, #tpu.memory_space<vmem>>
        %dma_start3A_254 = tpu.memref_squeeze %dma_start3A_253 : memref<1x128x128xf32, #tpu.memory_space<vmem>> -> memref<128x128xf32, #tpu.memory_space<vmem>>
        %dma_start3A_255 = arith.constant 0 : i32
        %dma_start3A_256 = tpu.memref_slice %arg7[%run_scoped3A_208, %dma_start3A_255] : memref<8x128xi32, #tpu.memory_space<vmem>> -> memref<1x128xi32, #tpu.memory_space<vmem>>
        %dma_start3A_257 = tpu.memref_squeeze %dma_start3A_256 : memref<1x128xi32, #tpu.memory_space<vmem>> -> memref<128xi32, #tpu.memory_space<vmem>>
        %dma_start3A_258 = arith.constant 0 : i32
        %dma_start3A_259 = arith.constant 0 : i32
        %dma_start3A_260 = tpu.memref_slice %arg9[%dma_start3A_258, %dma_start3A_259] : memref<10240x128xf32, #tpu.memory_space<vmem_shared>> -> memref<10240x128xf32, #tpu.memory_space<vmem_shared>>
        tpu.enqueue_indirect_dma source(%dma_start3A_254 : memref<128x128xf32, #tpu.memory_space<vmem>>) target(%dma_start3A_260 : memref<10240x128xf32, #tpu.memory_space<vmem_shared>>) offsets(%dma_start3A_257 : memref<128xi32, #tpu.memory_space<vmem>>) semaphore(%run_scoped3A_250 : memref<!tpu.dma_semaphore, #tpu.memory_space<semaphore_mem>>) {add = true}
        %dma_wait3A_261 = arith.constant 0 : i32
        %dma_wait3A_262 = arith.constant 0 : i32
        %dma_wait3A_263 = tpu.memref_slice %arg8[%run_scoped3A_207, %dma_wait3A_261, %dma_wait3A_262] : memref<2x128x128xf32, #tpu.memory_space<vmem>> -> memref<1x128x128xf32, #tpu.memory_space<vmem>>
        %dma_wait3A_264 = tpu.memref_squeeze %dma_wait3A_263 : memref<1x128x128xf32, #tpu.memory_space<vmem>> -> memref<128x128xf32, #tpu.memory_space<vmem>>
        %dma_wait3A_265 = arith.constant 0 : i32
        %dma_wait3A_266 = tpu.memref_slice %arg7[%run_scoped3A_208, %dma_wait3A_265] : memref<8x128xi32, #tpu.memory_space<vmem>> -> memref<1x128xi32, #tpu.memory_space<vmem>>
        %dma_wait3A_267 = tpu.memref_squeeze %dma_wait3A_266 : memref<1x128xi32, #tpu.memory_space<vmem>> -> memref<128xi32, #tpu.memory_space<vmem>>
        %dma_wait3A_268 = arith.constant 0 : i32
        %dma_wait3A_269 = arith.constant 0 : i32
        %dma_wait3A_270 = tpu.memref_slice %arg9[%dma_wait3A_268, %dma_wait3A_269] : memref<10240x128xf32, #tpu.memory_space<vmem_shared>> -> memref<10240x128xf32, #tpu.memory_space<vmem_shared>>
        tpu.wait_indirect_dma semaphore(%run_scoped3A_250 : memref<!tpu.dma_semaphore, #tpu.memory_space<semaphore_mem>>) src(%dma_wait3A_264 : memref<128x128xf32, #tpu.memory_space<vmem>>) dst(%dma_wait3A_270 : memref<10240x128xf32, #tpu.memory_space<vmem_shared>>)
        tpu.yield
      }) : () -> ()
      %dma_start3A_209 = arith.constant 7 : i32
      %dma_start3A_210 = arith.constant 1 : i32
      %dma_start3A_211 = arith.constant 0 : i32
      %dma_start3A_212 = arith.constant 0 : i32
      %dma_start3A_213 = tpu.memref_slice %arg8[%dma_start3A_210, %dma_start3A_211, %dma_start3A_212] : memref<2x128x128xf32, #tpu.memory_space<vmem>> -> memref<1x128x128xf32, #tpu.memory_space<vmem>>
      %dma_start3A_214 = tpu.memref_squeeze %dma_start3A_213 : memref<1x128x128xf32, #tpu.memory_space<vmem>> -> memref<128x128xf32, #tpu.memory_space<vmem>>
      %dma_start3A_215 = arith.constant 0 : i32
      %dma_start3A_216 = tpu.memref_slice %arg6[%dma_start3A_209, %dma_start3A_215] : memref<8x128xi32, #tpu.memory_space<vmem>> -> memref<1x128xi32, #tpu.memory_space<vmem>>
      %dma_start3A_217 = tpu.memref_squeeze %dma_start3A_216 : memref<1x128xi32, #tpu.memory_space<vmem>> -> memref<128xi32, #tpu.memory_space<vmem>>
      %dma_start3A_218 = arith.constant 0 : i32
      %dma_start3A_219 = arith.constant 0 : i32
      %dma_start3A_220 = tpu.memref_slice %arg2[%dma_start3A_218, %dma_start3A_219] : memref<10240x128xf32, #tpu.memory_space<hbm>> -> memref<10240x128xf32, #tpu.memory_space<hbm>>
      tpu.enqueue_indirect_dma source(%dma_start3A_220 : memref<10240x128xf32, #tpu.memory_space<hbm>>) target(%dma_start3A_214 : memref<128x128xf32, #tpu.memory_space<vmem>>) offsets(%dma_start3A_217 : memref<128xi32, #tpu.memory_space<vmem>>) semaphore(%arg11 : memref<!tpu.dma_semaphore, #tpu.memory_space<semaphore_mem>>)
      %dma_wait3A_221 = arith.constant 6 : i32
      %dma_wait3A_222 = arith.constant 0 : i32
      %dma_wait3A_223 = arith.constant 0 : i32
      %dma_wait3A_224 = arith.constant 0 : i32
      %dma_wait3A_225 = tpu.memref_slice %arg8[%dma_wait3A_222, %dma_wait3A_223, %dma_wait3A_224] : memref<2x128x128xf32, #tpu.memory_space<vmem>> -> memref<1x128x128xf32, #tpu.memory_space<vmem>>
      %dma_wait3A_226 = tpu.memref_squeeze %dma_wait3A_225 : memref<1x128x128xf32, #tpu.memory_space<vmem>> -> memref<128x128xf32, #tpu.memory_space<vmem>>
      %dma_wait3A_227 = arith.constant 0 : i32
      %dma_wait3A_228 = tpu.memref_slice %arg6[%dma_wait3A_221, %dma_wait3A_227] : memref<8x128xi32, #tpu.memory_space<vmem>> -> memref<1x128xi32, #tpu.memory_space<vmem>>
      %dma_wait3A_229 = tpu.memref_squeeze %dma_wait3A_228 : memref<1x128xi32, #tpu.memory_space<vmem>> -> memref<128xi32, #tpu.memory_space<vmem>>
      %dma_wait3A_230 = arith.constant 0 : i32
      %dma_wait3A_231 = arith.constant 0 : i32
      %dma_wait3A_232 = tpu.memref_slice %arg2[%dma_wait3A_230, %dma_wait3A_231] : memref<10240x128xf32, #tpu.memory_space<hbm>> -> memref<10240x128xf32, #tpu.memory_space<hbm>>
      tpu.wait_indirect_dma semaphore(%arg10 : memref<!tpu.dma_semaphore, #tpu.memory_space<semaphore_mem>>) src(%dma_wait3A_232 : memref<10240x128xf32, #tpu.memory_space<hbm>>) dst(%dma_wait3A_226 : memref<128x128xf32, #tpu.memory_space<vmem>>)
      %run_scoped3A_233 = arith.constant 0 : i32
      %run_scoped3A_234 = arith.constant 6 : i32
      "tpu.region"() ({
        %run_scoped3A_250 = tpu.sem_alloc : memref<!tpu.dma_semaphore, #tpu.memory_space<semaphore_mem>>
        %dma_start3A_251 = arith.constant 0 : i32
        %dma_start3A_252 = arith.constant 0 : i32
        %dma_start3A_253 = tpu.memref_slice %arg8[%run_scoped3A_233, %dma_start3A_251, %dma_start3A_252] : memref<2x128x128xf32, #tpu.memory_space<vmem>> -> memref<1x128x128xf32, #tpu.memory_space<vmem>>
        %dma_start3A_254 = tpu.memref_squeeze %dma_start3A_253 : memref<1x128x128xf32, #tpu.memory_space<vmem>> -> memref<128x128xf32, #tpu.memory_space<vmem>>
        %dma_start3A_255 = arith.constant 0 : i32
        %dma_start3A_256 = tpu.memref_slice %arg7[%run_scoped3A_234, %dma_start3A_255] : memref<8x128xi32, #tpu.memory_space<vmem>> -> memref<1x128xi32, #tpu.memory_space<vmem>>
        %dma_start3A_257 = tpu.memref_squeeze %dma_start3A_256 : memref<1x128xi32, #tpu.memory_space<vmem>> -> memref<128xi32, #tpu.memory_space<vmem>>
        %dma_start3A_258 = arith.constant 0 : i32
        %dma_start3A_259 = arith.constant 0 : i32
        %dma_start3A_260 = tpu.memref_slice %arg9[%dma_start3A_258, %dma_start3A_259] : memref<10240x128xf32, #tpu.memory_space<vmem_shared>> -> memref<10240x128xf32, #tpu.memory_space<vmem_shared>>
        tpu.enqueue_indirect_dma source(%dma_start3A_254 : memref<128x128xf32, #tpu.memory_space<vmem>>) target(%dma_start3A_260 : memref<10240x128xf32, #tpu.memory_space<vmem_shared>>) offsets(%dma_start3A_257 : memref<128xi32, #tpu.memory_space<vmem>>) semaphore(%run_scoped3A_250 : memref<!tpu.dma_semaphore, #tpu.memory_space<semaphore_mem>>) {add = true}
        %dma_wait3A_261 = arith.constant 0 : i32
        %dma_wait3A_262 = arith.constant 0 : i32
        %dma_wait3A_263 = tpu.memref_slice %arg8[%run_scoped3A_233, %dma_wait3A_261, %dma_wait3A_262] : memref<2x128x128xf32, #tpu.memory_space<vmem>> -> memref<1x128x128xf32, #tpu.memory_space<vmem>>
        %dma_wait3A_264 = tpu.memref_squeeze %dma_wait3A_263 : memref<1x128x128xf32, #tpu.memory_space<vmem>> -> memref<128x128xf32, #tpu.memory_space<vmem>>
        %dma_wait3A_265 = arith.constant 0 : i32
        %dma_wait3A_266 = tpu.memref_slice %arg7[%run_scoped3A_234, %dma_wait3A_265] : memref<8x128xi32, #tpu.memory_space<vmem>> -> memref<1x128xi32, #tpu.memory_space<vmem>>
        %dma_wait3A_267 = tpu.memref_squeeze %dma_wait3A_266 : memref<1x128xi32, #tpu.memory_space<vmem>> -> memref<128xi32, #tpu.memory_space<vmem>>
        %dma_wait3A_268 = arith.constant 0 : i32
        %dma_wait3A_269 = arith.constant 0 : i32
        %dma_wait3A_270 = tpu.memref_slice %arg9[%dma_wait3A_268, %dma_wait3A_269] : memref<10240x128xf32, #tpu.memory_space<vmem_shared>> -> memref<10240x128xf32, #tpu.memory_space<vmem_shared>>
        tpu.wait_indirect_dma semaphore(%run_scoped3A_250 : memref<!tpu.dma_semaphore, #tpu.memory_space<semaphore_mem>>) src(%dma_wait3A_264 : memref<128x128xf32, #tpu.memory_space<vmem>>) dst(%dma_wait3A_270 : memref<10240x128xf32, #tpu.memory_space<vmem_shared>>)
        tpu.yield
      }) : () -> ()
      %dma_wait3A_235 = arith.constant 7 : i32
      %dma_wait3A_236 = arith.constant 1 : i32
      %dma_wait3A_237 = arith.constant 0 : i32
      %dma_wait3A_238 = arith.constant 0 : i32
      %dma_wait3A_239 = tpu.memref_slice %arg8[%dma_wait3A_236, %dma_wait3A_237, %dma_wait3A_238] : memref<2x128x128xf32, #tpu.memory_space<vmem>> -> memref<1x128x128xf32, #tpu.memory_space<vmem>>
      %dma_wait3A_240 = tpu.memref_squeeze %dma_wait3A_239 : memref<1x128x128xf32, #tpu.memory_space<vmem>> -> memref<128x128xf32, #tpu.memory_space<vmem>>
      %dma_wait3A_241 = arith.constant 0 : i32
      %dma_wait3A_242 = tpu.memref_slice %arg6[%dma_wait3A_235, %dma_wait3A_241] : memref<8x128xi32, #tpu.memory_space<vmem>> -> memref<1x128xi32, #tpu.memory_space<vmem>>
      %dma_wait3A_243 = tpu.memref_squeeze %dma_wait3A_242 : memref<1x128xi32, #tpu.memory_space<vmem>> -> memref<128xi32, #tpu.memory_space<vmem>>
      %dma_wait3A_244 = arith.constant 0 : i32
      %dma_wait3A_245 = arith.constant 0 : i32
      %dma_wait3A_246 = tpu.memref_slice %arg2[%dma_wait3A_244, %dma_wait3A_245] : memref<10240x128xf32, #tpu.memory_space<hbm>> -> memref<10240x128xf32, #tpu.memory_space<hbm>>
      tpu.wait_indirect_dma semaphore(%arg11 : memref<!tpu.dma_semaphore, #tpu.memory_space<semaphore_mem>>) src(%dma_wait3A_246 : memref<10240x128xf32, #tpu.memory_space<hbm>>) dst(%dma_wait3A_240 : memref<128x128xf32, #tpu.memory_space<vmem>>)
      %run_scoped3A_247 = arith.constant 1 : i32
      %run_scoped3A_248 = arith.constant 7 : i32
      "tpu.region"() ({
        %run_scoped3A_250 = tpu.sem_alloc : memref<!tpu.dma_semaphore, #tpu.memory_space<semaphore_mem>>
        %dma_start3A_251 = arith.constant 0 : i32
        %dma_start3A_252 = arith.constant 0 : i32
        %dma_start3A_253 = tpu.memref_slice %arg8[%run_scoped3A_247, %dma_start3A_251, %dma_start3A_252] : memref<2x128x128xf32, #tpu.memory_space<vmem>> -> memref<1x128x128xf32, #tpu.memory_space<vmem>>
        %dma_start3A_254 = tpu.memref_squeeze %dma_start3A_253 : memref<1x128x128xf32, #tpu.memory_space<vmem>> -> memref<128x128xf32, #tpu.memory_space<vmem>>
        %dma_start3A_255 = arith.constant 0 : i32
        %dma_start3A_256 = tpu.memref_slice %arg7[%run_scoped3A_248, %dma_start3A_255] : memref<8x128xi32, #tpu.memory_space<vmem>> -> memref<1x128xi32, #tpu.memory_space<vmem>>
        %dma_start3A_257 = tpu.memref_squeeze %dma_start3A_256 : memref<1x128xi32, #tpu.memory_space<vmem>> -> memref<128xi32, #tpu.memory_space<vmem>>
        %dma_start3A_258 = arith.constant 0 : i32
        %dma_start3A_259 = arith.constant 0 : i32
        %dma_start3A_260 = tpu.memref_slice %arg9[%dma_start3A_258, %dma_start3A_259] : memref<10240x128xf32, #tpu.memory_space<vmem_shared>> -> memref<10240x128xf32, #tpu.memory_space<vmem_shared>>
        tpu.enqueue_indirect_dma source(%dma_start3A_254 : memref<128x128xf32, #tpu.memory_space<vmem>>) target(%dma_start3A_260 : memref<10240x128xf32, #tpu.memory_space<vmem_shared>>) offsets(%dma_start3A_257 : memref<128xi32, #tpu.memory_space<vmem>>) semaphore(%run_scoped3A_250 : memref<!tpu.dma_semaphore, #tpu.memory_space<semaphore_mem>>) {add = true}
        %dma_wait3A_261 = arith.constant 0 : i32
        %dma_wait3A_262 = arith.constant 0 : i32
        %dma_wait3A_263 = tpu.memref_slice %arg8[%run_scoped3A_247, %dma_wait3A_261, %dma_wait3A_262] : memref<2x128x128xf32, #tpu.memory_space<vmem>> -> memref<1x128x128xf32, #tpu.memory_space<vmem>>
        %dma_wait3A_264 = tpu.memref_squeeze %dma_wait3A_263 : memref<1x128x128xf32, #tpu.memory_space<vmem>> -> memref<128x128xf32, #tpu.memory_space<vmem>>
        %dma_wait3A_265 = arith.constant 0 : i32
        %dma_wait3A_266 = tpu.memref_slice %arg7[%run_scoped3A_248, %dma_wait3A_265] : memref<8x128xi32, #tpu.memory_space<vmem>> -> memref<1x128xi32, #tpu.memory_space<vmem>>
        %dma_wait3A_267 = tpu.memref_squeeze %dma_wait3A_266 : memref<1x128xi32, #tpu.memory_space<vmem>> -> memref<128xi32, #tpu.memory_space<vmem>>
        %dma_wait3A_268 = arith.constant 0 : i32
        %dma_wait3A_269 = arith.constant 0 : i32
        %dma_wait3A_270 = tpu.memref_slice %arg9[%dma_wait3A_268, %dma_wait3A_269] : memref<10240x128xf32, #tpu.memory_space<vmem_shared>> -> memref<10240x128xf32, #tpu.memory_space<vmem_shared>>
        tpu.wait_indirect_dma semaphore(%run_scoped3A_250 : memref<!tpu.dma_semaphore, #tpu.memory_space<semaphore_mem>>) src(%dma_wait3A_264 : memref<128x128xf32, #tpu.memory_space<vmem>>) dst(%dma_wait3A_270 : memref<10240x128xf32, #tpu.memory_space<vmem_shared>>)
        tpu.yield
      }) : () -> ()
      %scan3A_249 = arith.constant 0 : i32
      scf.yield %scan3A_249 : i32
    }
    %scan3A_29 = arith.constant 10 : i32
    %barrier3A_30 = arith.constant 0 : index
    tpu.barrier barrier_id(%barrier3A_30)
    "tpu.region"() ({
      %run_scoped3A_31 = tpu.sem_alloc : memref<!tpu.dma_semaphore, #tpu.memory_space<semaphore_mem>>
      %dma_start3A = arith.constant 0 : i32
      %dma_start3A_32 = tpu.memref_slice %arg5[%arg0, %mul3A_6, %dma_start3A] : memref<2x10240x128xf32, #tpu.memory_space<hbm>> -> memref<1x640x128xf32, #tpu.memory_space<hbm>>
      %dma_start3A_33 = tpu.memref_squeeze %dma_start3A_32 : memref<1x640x128xf32, #tpu.memory_space<hbm>> -> memref<640x128xf32, #tpu.memory_space<hbm>>
      %dma_start3A_34 = arith.constant 0 : i32
      %dma_start3A_35 = tpu.memref_slice %arg9[%mul3A_6, %dma_start3A_34] : memref<10240x128xf32, #tpu.memory_space<vmem_shared>> -> memref<640x128xf32, #tpu.memory_space<vmem_shared>>
      tpu.enqueue_dma source(%dma_start3A_35 : memref<640x128xf32, #tpu.memory_space<vmem_shared>>) target(%dma_start3A_33 : memref<640x128xf32, #tpu.memory_space<hbm>>) target_semaphore(%run_scoped3A_31 : memref<!tpu.dma_semaphore, #tpu.memory_space<semaphore_mem>>)
      %dma_wait3A = arith.constant 0 : i32
      %dma_wait3A_36 = tpu.memref_slice %arg5[%arg0, %mul3A_6, %dma_wait3A] : memref<2x10240x128xf32, #tpu.memory_space<hbm>> -> memref<1x640x128xf32, #tpu.memory_space<hbm>>
      %dma_wait3A_37 = tpu.memref_squeeze %dma_wait3A_36 : memref<1x640x128xf32, #tpu.memory_space<hbm>> -> memref<640x128xf32, #tpu.memory_space<hbm>>
      %dma_wait3A_38 = arith.constant 0 : i32
      %dma_wait3A_39 = tpu.memref_slice %arg9[%mul3A_6, %dma_wait3A_38] : memref<10240x128xf32, #tpu.memory_space<vmem_shared>> -> memref<640x128xf32, #tpu.memory_space<vmem_shared>>
      tpu.wait_dma2 semaphore(%run_scoped3A_31 : memref<!tpu.dma_semaphore, #tpu.memory_space<semaphore_mem>>) src(%dma_wait3A_39 : memref<640x128xf32, #tpu.memory_space<vmem_shared>>) dst(%dma_wait3A_37 : memref<640x128xf32, #tpu.memory_space<hbm>>)
      tpu.yield
    }) : () -> ()
    return
  }
}

#map = affine_map<(d0, d1) -> (0, 0)>
#map1 = affine_map<(d0, d1) -> (0, 0, 0)>
module attributes {stable_mosaic.version = 14 : i64} {
  func.func @_sc_degree_body(%arg0: i32, %arg1: i32, %arg2: memref<2560x128xi32, #tpu.memory_space<hbm>>, %arg3: memref<2560x128xi32, #tpu.memory_space<hbm>>, %arg4: memref<32x2x10240xf32, #tpu.memory_space<hbm>>, %arg5: memref<80x128xi32, #tpu.memory_space<vmem>>, %arg6: memref<80x128xi32, #tpu.memory_space<vmem>>, %arg7: memref<10240xf32, #tpu.memory_space<vmem>>, %arg8: memref<10240xf32, #tpu.memory_space<vmem>>) attributes {dimension_semantics = [#tpu.dimension_semantics<core_parallel>, #tpu.dimension_semantics<subcore_parallel>], iteration_bounds = array<i64: 2, 16>, scalar_prefetch = 0 : i64, scratch_operands = 4 : i64, tpu.core_type = #tpu.core_type<sc_vector_subcore>, window_params = [{transform_indices = #map}, {transform_indices = #map}, {transform_indices = #map1}]} {
    %mul3A = arith.constant 2 : i32
    %mul3A_0 = arith.muli %arg1, %mul3A : i32
    %add3A = arith.addi %mul3A_0, %arg0 : i32
    %scan3A = arith.constant 0 : i32
    %scan3A_1 = arith.constant 0 : i32
    %scan3A_2 = arith.constant 640 : i32
    %scan3A_3 = arith.addi %scan3A_1, %scan3A_2 : i32
    %scan3A_4 = arith.constant 1 : i32
    %scan3A_5 = scf.for %scan3A_20 = %scan3A_1 to %scan3A_3 step %scan3A_4 iter_args(%scan3A_21 = %scan3A) -> (i32)  : i32 {
      %broadcast_in_dim3A_22 = arith.constant 0.000000e+00 : f32
      %broadcast_in_dim3A_23 = vector.broadcast %broadcast_in_dim3A_22 : f32 to vector<16xf32>
      %mul3A_24 = arith.constant 16 : i32
      %mul3A_25 = arith.muli %scan3A_20, %mul3A_24 : i32
      %swap3A = arith.index_cast %mul3A_25 : i32 to index
      %swap3A_26 = tpu.vector_load %arg7[%swap3A] {strides = array<i32>} : memref<10240xf32, #tpu.memory_space<vmem>>, vector<16xf32>,
      tpu.vector_store %arg7[%swap3A], %broadcast_in_dim3A_23 {strides = array<i32>} : memref<10240xf32, #tpu.memory_space<vmem>>, vector<16xf32>,
      %broadcast_in_dim3A_27 = arith.constant 0.000000e+00 : f32
      %broadcast_in_dim3A_28 = vector.broadcast %broadcast_in_dim3A_27 : f32 to vector<16xf32>
      %mul3A_29 = arith.constant 16 : i32
      %mul3A_30 = arith.muli %scan3A_20, %mul3A_29 : i32
      %swap3A_31 = arith.index_cast %mul3A_30 : i32 to index
      %swap3A_32 = tpu.vector_load %arg8[%swap3A_31] {strides = array<i32>} : memref<10240xf32, #tpu.memory_space<vmem>>, vector<16xf32>,
      tpu.vector_store %arg8[%swap3A_31], %broadcast_in_dim3A_28 {strides = array<i32>} : memref<10240xf32, #tpu.memory_space<vmem>>, vector<16xf32>,
      %scan3A_33 = arith.constant 0 : i32
      scf.yield %scan3A_33 : i32
    }
    %scan3A_6 = arith.constant 640 : i32
    %mul3A_7 = arith.constant 80 : i32
    %mul3A_8 = arith.muli %add3A, %mul3A_7 : i32
    "tpu.region"() ({
      %run_scoped3A_20 = tpu.sem_alloc : memref<!tpu.dma_semaphore, #tpu.memory_space<semaphore_mem>>
      %dma_start3A = arith.constant 0 : i32
      %dma_start3A_21 = tpu.memref_slice %arg2[%mul3A_8, %dma_start3A] : memref<2560x128xi32, #tpu.memory_space<hbm>> -> memref<80x128xi32, #tpu.memory_space<hbm>>
      %dma_start3A_22 = arith.constant 0 : i32
      %dma_start3A_23 = tpu.memref_slice %arg2[%mul3A_8, %dma_start3A_22] : memref<2560x128xi32, #tpu.memory_space<hbm>> -> memref<80x128xi32, #tpu.memory_space<hbm>>
      tpu.enqueue_dma source(%dma_start3A_23 : memref<80x128xi32, #tpu.memory_space<hbm>>) target(%arg5 : memref<80x128xi32, #tpu.memory_space<vmem>>) target_semaphore(%run_scoped3A_20 : memref<!tpu.dma_semaphore, #tpu.memory_space<semaphore_mem>>)
      %dma_wait3A = arith.constant 0 : i32
      %dma_wait3A_24 = tpu.memref_slice %arg2[%mul3A_8, %dma_wait3A] : memref<2560x128xi32, #tpu.memory_space<hbm>> -> memref<80x128xi32, #tpu.memory_space<hbm>>
      %dma_wait3A_25 = arith.constant 0 : i32
      %dma_wait3A_26 = tpu.memref_slice %arg2[%mul3A_8, %dma_wait3A_25] : memref<2560x128xi32, #tpu.memory_space<hbm>> -> memref<80x128xi32, #tpu.memory_space<hbm>>
      tpu.wait_dma2 semaphore(%run_scoped3A_20 : memref<!tpu.dma_semaphore, #tpu.memory_space<semaphore_mem>>) src(%dma_wait3A_26 : memref<80x128xi32, #tpu.memory_space<hbm>>) dst(%arg5 : memref<80x128xi32, #tpu.memory_space<vmem>>)
      tpu.yield
    }) : () -> ()
    %mul3A_9 = arith.constant 80 : i32
    %mul3A_10 = arith.muli %add3A, %mul3A_9 : i32
    "tpu.region"() ({
      %run_scoped3A_20 = tpu.sem_alloc : memref<!tpu.dma_semaphore, #tpu.memory_space<semaphore_mem>>
      %dma_start3A = arith.constant 0 : i32
      %dma_start3A_21 = tpu.memref_slice %arg3[%mul3A_10, %dma_start3A] : memref<2560x128xi32, #tpu.memory_space<hbm>> -> memref<80x128xi32, #tpu.memory_space<hbm>>
      %dma_start3A_22 = arith.constant 0 : i32
      %dma_start3A_23 = tpu.memref_slice %arg3[%mul3A_10, %dma_start3A_22] : memref<2560x128xi32, #tpu.memory_space<hbm>> -> memref<80x128xi32, #tpu.memory_space<hbm>>
      tpu.enqueue_dma source(%dma_start3A_23 : memref<80x128xi32, #tpu.memory_space<hbm>>) target(%arg6 : memref<80x128xi32, #tpu.memory_space<vmem>>) target_semaphore(%run_scoped3A_20 : memref<!tpu.dma_semaphore, #tpu.memory_space<semaphore_mem>>)
      %dma_wait3A = arith.constant 0 : i32
      %dma_wait3A_24 = tpu.memref_slice %arg3[%mul3A_10, %dma_wait3A] : memref<2560x128xi32, #tpu.memory_space<hbm>> -> memref<80x128xi32, #tpu.memory_space<hbm>>
      %dma_wait3A_25 = arith.constant 0 : i32
      %dma_wait3A_26 = tpu.memref_slice %arg3[%mul3A_10, %dma_wait3A_25] : memref<2560x128xi32, #tpu.memory_space<hbm>> -> memref<80x128xi32, #tpu.memory_space<hbm>>
      tpu.wait_dma2 semaphore(%run_scoped3A_20 : memref<!tpu.dma_semaphore, #tpu.memory_space<semaphore_mem>>) src(%dma_wait3A_26 : memref<80x128xi32, #tpu.memory_space<hbm>>) dst(%arg6 : memref<80x128xi32, #tpu.memory_space<vmem>>)
      tpu.yield
    }) : () -> ()
    %broadcast_in_dim3A = arith.constant 1.000000e+00 : f32
    %broadcast_in_dim3A_11 = vector.broadcast %broadcast_in_dim3A : f32 to vector<16xf32>
    %scan3A_12 = arith.constant 0 : i32
    %scan3A_13 = arith.constant 0 : i32
    %scan3A_14 = arith.constant 80 : i32
    %scan3A_15 = arith.addi %scan3A_13, %scan3A_14 : i32
    %scan3A_16 = arith.constant 1 : i32
    %scan3A_17 = scf.for %scan3A_20 = %scan3A_13 to %scan3A_15 step %scan3A_16 iter_args(%scan3A_21 = %scan3A_12) -> (i32)  : i32 {
      %get3A = arith.index_cast %scan3A_20 : i32 to index
      %get3A_22 = arith.constant 0 : index
      %get3A_23 = tpu.vector_load %arg5[%get3A, %get3A_22] {strides = array<i32>} : memref<80x128xi32, #tpu.memory_space<vmem>>, vector<16xi32>,
      %get3A_24 = arith.index_cast %scan3A_20 : i32 to index
      %get3A_25 = arith.constant 0 : index
      %get3A_26 = tpu.vector_load %arg6[%get3A_24, %get3A_25] {strides = array<i32>} : memref<80x128xi32, #tpu.memory_space<vmem>>, vector<16xi32>,
      tpu.vector_store_idx %arg7[%get3A_23], %broadcast_in_dim3A_11 {add = true} : memref<10240xf32, #tpu.memory_space<vmem>>[vector<16xi32>], vector<16xf32>,
      tpu.vector_store_idx %arg8[%get3A_26], %broadcast_in_dim3A_11 {add = true} : memref<10240xf32, #tpu.memory_space<vmem>>[vector<16xi32>], vector<16xf32>,
      %get3A_27 = arith.index_cast %scan3A_20 : i32 to index
      %get3A_28 = arith.constant 16 : index
      %get3A_29 = tpu.vector_load %arg5[%get3A_27, %get3A_28] {strides = array<i32>} : memref<80x128xi32, #tpu.memory_space<vmem>>, vector<16xi32>,
      %get3A_30 = arith.index_cast %scan3A_20 : i32 to index
      %get3A_31 = arith.constant 16 : index
      %get3A_32 = tpu.vector_load %arg6[%get3A_30, %get3A_31] {strides = array<i32>} : memref<80x128xi32, #tpu.memory_space<vmem>>, vector<16xi32>,
      tpu.vector_store_idx %arg7[%get3A_29], %broadcast_in_dim3A_11 {add = true} : memref<10240xf32, #tpu.memory_space<vmem>>[vector<16xi32>], vector<16xf32>,
      tpu.vector_store_idx %arg8[%get3A_32], %broadcast_in_dim3A_11 {add = true} : memref<10240xf32, #tpu.memory_space<vmem>>[vector<16xi32>], vector<16xf32>,
      %get3A_33 = arith.index_cast %scan3A_20 : i32 to index
      %get3A_34 = arith.constant 32 : index
      %get3A_35 = tpu.vector_load %arg5[%get3A_33, %get3A_34] {strides = array<i32>} : memref<80x128xi32, #tpu.memory_space<vmem>>, vector<16xi32>,
      %get3A_36 = arith.index_cast %scan3A_20 : i32 to index
      %get3A_37 = arith.constant 32 : index
      %get3A_38 = tpu.vector_load %arg6[%get3A_36, %get3A_37] {strides = array<i32>} : memref<80x128xi32, #tpu.memory_space<vmem>>, vector<16xi32>,
      tpu.vector_store_idx %arg7[%get3A_35], %broadcast_in_dim3A_11 {add = true} : memref<10240xf32, #tpu.memory_space<vmem>>[vector<16xi32>], vector<16xf32>,
      tpu.vector_store_idx %arg8[%get3A_38], %broadcast_in_dim3A_11 {add = true} : memref<10240xf32, #tpu.memory_space<vmem>>[vector<16xi32>], vector<16xf32>,
      %get3A_39 = arith.index_cast %scan3A_20 : i32 to index
      %get3A_40 = arith.constant 48 : index
      %get3A_41 = tpu.vector_load %arg5[%get3A_39, %get3A_40] {strides = array<i32>} : memref<80x128xi32, #tpu.memory_space<vmem>>, vector<16xi32>,
      %get3A_42 = arith.index_cast %scan3A_20 : i32 to index
      %get3A_43 = arith.constant 48 : index
      %get3A_44 = tpu.vector_load %arg6[%get3A_42, %get3A_43] {strides = array<i32>} : memref<80x128xi32, #tpu.memory_space<vmem>>, vector<16xi32>,
      tpu.vector_store_idx %arg7[%get3A_41], %broadcast_in_dim3A_11 {add = true} : memref<10240xf32, #tpu.memory_space<vmem>>[vector<16xi32>], vector<16xf32>,
      tpu.vector_store_idx %arg8[%get3A_44], %broadcast_in_dim3A_11 {add = true} : memref<10240xf32, #tpu.memory_space<vmem>>[vector<16xi32>], vector<16xf32>,
      %get3A_45 = arith.index_cast %scan3A_20 : i32 to index
      %get3A_46 = arith.constant 64 : index
      %get3A_47 = tpu.vector_load %arg5[%get3A_45, %get3A_46] {strides = array<i32>} : memref<80x128xi32, #tpu.memory_space<vmem>>, vector<16xi32>,
      %get3A_48 = arith.index_cast %scan3A_20 : i32 to index
      %get3A_49 = arith.constant 64 : index
      %get3A_50 = tpu.vector_load %arg6[%get3A_48, %get3A_49] {strides = array<i32>} : memref<80x128xi32, #tpu.memory_space<vmem>>, vector<16xi32>,
      tpu.vector_store_idx %arg7[%get3A_47], %broadcast_in_dim3A_11 {add = true} : memref<10240xf32, #tpu.memory_space<vmem>>[vector<16xi32>], vector<16xf32>,
      tpu.vector_store_idx %arg8[%get3A_50], %broadcast_in_dim3A_11 {add = true} : memref<10240xf32, #tpu.memory_space<vmem>>[vector<16xi32>], vector<16xf32>,
      %get3A_51 = arith.index_cast %scan3A_20 : i32 to index
      %get3A_52 = arith.constant 80 : index
      %get3A_53 = tpu.vector_load %arg5[%get3A_51, %get3A_52] {strides = array<i32>} : memref<80x128xi32, #tpu.memory_space<vmem>>, vector<16xi32>,
      %get3A_54 = arith.index_cast %scan3A_20 : i32 to index
      %get3A_55 = arith.constant 80 : index
      %get3A_56 = tpu.vector_load %arg6[%get3A_54, %get3A_55] {strides = array<i32>} : memref<80x128xi32, #tpu.memory_space<vmem>>, vector<16xi32>,
      tpu.vector_store_idx %arg7[%get3A_53], %broadcast_in_dim3A_11 {add = true} : memref<10240xf32, #tpu.memory_space<vmem>>[vector<16xi32>], vector<16xf32>,
      tpu.vector_store_idx %arg8[%get3A_56], %broadcast_in_dim3A_11 {add = true} : memref<10240xf32, #tpu.memory_space<vmem>>[vector<16xi32>], vector<16xf32>,
      %get3A_57 = arith.index_cast %scan3A_20 : i32 to index
      %get3A_58 = arith.constant 96 : index
      %get3A_59 = tpu.vector_load %arg5[%get3A_57, %get3A_58] {strides = array<i32>} : memref<80x128xi32, #tpu.memory_space<vmem>>, vector<16xi32>,
      %get3A_60 = arith.index_cast %scan3A_20 : i32 to index
      %get3A_61 = arith.constant 96 : index
      %get3A_62 = tpu.vector_load %arg6[%get3A_60, %get3A_61] {strides = array<i32>} : memref<80x128xi32, #tpu.memory_space<vmem>>, vector<16xi32>,
      tpu.vector_store_idx %arg7[%get3A_59], %broadcast_in_dim3A_11 {add = true} : memref<10240xf32, #tpu.memory_space<vmem>>[vector<16xi32>], vector<16xf32>,
      tpu.vector_store_idx %arg8[%get3A_62], %broadcast_in_dim3A_11 {add = true} : memref<10240xf32, #tpu.memory_space<vmem>>[vector<16xi32>], vector<16xf32>,
      %get3A_63 = arith.index_cast %scan3A_20 : i32 to index
      %get3A_64 = arith.constant 112 : index
      %get3A_65 = tpu.vector_load %arg5[%get3A_63, %get3A_64] {strides = array<i32>} : memref<80x128xi32, #tpu.memory_space<vmem>>, vector<16xi32>,
      %get3A_66 = arith.index_cast %scan3A_20 : i32 to index
      %get3A_67 = arith.constant 112 : index
      %get3A_68 = tpu.vector_load %arg6[%get3A_66, %get3A_67] {strides = array<i32>} : memref<80x128xi32, #tpu.memory_space<vmem>>, vector<16xi32>,
      tpu.vector_store_idx %arg7[%get3A_65], %broadcast_in_dim3A_11 {add = true} : memref<10240xf32, #tpu.memory_space<vmem>>[vector<16xi32>], vector<16xf32>,
      tpu.vector_store_idx %arg8[%get3A_68], %broadcast_in_dim3A_11 {add = true} : memref<10240xf32, #tpu.memory_space<vmem>>[vector<16xi32>], vector<16xf32>,
      %scan3A_69 = arith.constant 0 : i32
      scf.yield %scan3A_69 : i32
    }
    %scan3A_18 = arith.constant 80 : i32
    %run_scoped3A = arith.constant 0 : i32
    "tpu.region"() ({
      %run_scoped3A_20 = tpu.sem_alloc : memref<!tpu.dma_semaphore, #tpu.memory_space<semaphore_mem>>
      %dma_start3A = arith.constant 0 : i32
      %dma_start3A_21 = tpu.memref_slice %arg4[%add3A, %run_scoped3A, %dma_start3A] : memref<32x2x10240xf32, #tpu.memory_space<hbm>> -> memref<1x1x10240xf32, #tpu.memory_space<hbm>>
      %dma_start3A_22 = tpu.memref_squeeze %dma_start3A_21 : memref<1x1x10240xf32, #tpu.memory_space<hbm>> -> memref<10240xf32, #tpu.memory_space<hbm>>
      %dma_start3A_23 = arith.constant 0 : i32
      %dma_start3A_24 = tpu.memref_slice %arg4[%add3A, %run_scoped3A, %dma_start3A_23] : memref<32x2x10240xf32, #tpu.memory_space<hbm>> -> memref<1x1x10240xf32, #tpu.memory_space<hbm>>
      %dma_start3A_25 = tpu.memref_squeeze %dma_start3A_24 : memref<1x1x10240xf32, #tpu.memory_space<hbm>> -> memref<10240xf32, #tpu.memory_space<hbm>>
      tpu.enqueue_dma source(%arg7 : memref<10240xf32, #tpu.memory_space<vmem>>) target(%dma_start3A_25 : memref<10240xf32, #tpu.memory_space<hbm>>) target_semaphore(%run_scoped3A_20 : memref<!tpu.dma_semaphore, #tpu.memory_space<semaphore_mem>>)
      %dma_wait3A = arith.constant 0 : i32
      %dma_wait3A_26 = tpu.memref_slice %arg4[%add3A, %run_scoped3A, %dma_wait3A] : memref<32x2x10240xf32, #tpu.memory_space<hbm>> -> memref<1x1x10240xf32, #tpu.memory_space<hbm>>
      %dma_wait3A_27 = tpu.memref_squeeze %dma_wait3A_26 : memref<1x1x10240xf32, #tpu.memory_space<hbm>> -> memref<10240xf32, #tpu.memory_space<hbm>>
      %dma_wait3A_28 = arith.constant 0 : i32
      %dma_wait3A_29 = tpu.memref_slice %arg4[%add3A, %run_scoped3A, %dma_wait3A_28] : memref<32x2x10240xf32, #tpu.memory_space<hbm>> -> memref<1x1x10240xf32, #tpu.memory_space<hbm>>
      %dma_wait3A_30 = tpu.memref_squeeze %dma_wait3A_29 : memref<1x1x10240xf32, #tpu.memory_space<hbm>> -> memref<10240xf32, #tpu.memory_space<hbm>>
      tpu.wait_dma2 semaphore(%run_scoped3A_20 : memref<!tpu.dma_semaphore, #tpu.memory_space<semaphore_mem>>) src(%arg7 : memref<10240xf32, #tpu.memory_space<vmem>>) dst(%dma_wait3A_30 : memref<10240xf32, #tpu.memory_space<hbm>>)
      tpu.yield
    }) : () -> ()
    %run_scoped3A_19 = arith.constant 1 : i32
    "tpu.region"() ({
      %run_scoped3A_20 = tpu.sem_alloc : memref<!tpu.dma_semaphore, #tpu.memory_space<semaphore_mem>>
      %dma_start3A = arith.constant 0 : i32
      %dma_start3A_21 = tpu.memref_slice %arg4[%add3A, %run_scoped3A_19, %dma_start3A] : memref<32x2x10240xf32, #tpu.memory_space<hbm>> -> memref<1x1x10240xf32, #tpu.memory_space<hbm>>
      %dma_start3A_22 = tpu.memref_squeeze %dma_start3A_21 : memref<1x1x10240xf32, #tpu.memory_space<hbm>> -> memref<10240xf32, #tpu.memory_space<hbm>>
      %dma_start3A_23 = arith.constant 0 : i32
      %dma_start3A_24 = tpu.memref_slice %arg4[%add3A, %run_scoped3A_19, %dma_start3A_23] : memref<32x2x10240xf32, #tpu.memory_space<hbm>> -> memref<1x1x10240xf32, #tpu.memory_space<hbm>>
      %dma_start3A_25 = tpu.memref_squeeze %dma_start3A_24 : memref<1x1x10240xf32, #tpu.memory_space<hbm>> -> memref<10240xf32, #tpu.memory_space<hbm>>
      tpu.enqueue_dma source(%arg8 : memref<10240xf32, #tpu.memory_space<vmem>>) target(%dma_start3A_25 : memref<10240xf32, #tpu.memory_space<hbm>>) target_semaphore(%run_scoped3A_20 : memref<!tpu.dma_semaphore, #tpu.memory_space<semaphore_mem>>)
      %dma_wait3A = arith.constant 0 : i32
      %dma_wait3A_26 = tpu.memref_slice %arg4[%add3A, %run_scoped3A_19, %dma_wait3A] : memref<32x2x10240xf32, #tpu.memory_space<hbm>> -> memref<1x1x10240xf32, #tpu.memory_space<hbm>>
      %dma_wait3A_27 = tpu.memref_squeeze %dma_wait3A_26 : memref<1x1x10240xf32, #tpu.memory_space<hbm>> -> memref<10240xf32, #tpu.memory_space<hbm>>
      %dma_wait3A_28 = arith.constant 0 : i32
      %dma_wait3A_29 = tpu.memref_slice %arg4[%add3A, %run_scoped3A_19, %dma_wait3A_28] : memref<32x2x10240xf32, #tpu.memory_space<hbm>> -> memref<1x1x10240xf32, #tpu.memory_space<hbm>>
      %dma_wait3A_30 = tpu.memref_squeeze %dma_wait3A_29 : memref<1x1x10240xf32, #tpu.memory_space<hbm>> -> memref<10240xf32, #tpu.memory_space<hbm>>
      tpu.wait_dma2 semaphore(%run_scoped3A_20 : memref<!tpu.dma_semaphore, #tpu.memory_space<semaphore_mem>>) src(%arg8 : memref<10240xf32, #tpu.memory_space<vmem>>) dst(%dma_wait3A_30 : memref<10240xf32, #tpu.memory_space<hbm>>)
      tpu.yield
    }) : () -> ()
    return
  }
}

#map = affine_map<(d0, d1) -> (0, 0)>
#map1 = affine_map<(d0, d1) -> (0, 0, 0)>
module attributes {stable_mosaic.version = 14 : i64} {
  func.func @_sc_msgpass_body(%arg0: i32, %arg1: i32, %arg2: memref<10240x128xf32, #tpu.memory_space<hbm>>, %arg3: memref<2560x128xi32, #tpu.memory_space<hbm>>, %arg4: memref<2560x128xi32, #tpu.memory_space<hbm>>, %arg5: memref<2x10240x128xf32, #tpu.memory_space<hbm>>, %arg6: memref<8x128xi32, #tpu.memory_space<vmem>>, %arg7: memref<8x128xi32, #tpu.memory_space<vmem>>, %arg8: memref<2x128x128xf32, #tpu.memory_space<vmem>>, %arg9: memref<10240x128xf32, #tpu.memory_space<vmem_shared>>, %arg10: memref<!tpu.dma_semaphore, #tpu.memory_space<semaphore_mem>>, %arg11: memref<!tpu.dma_semaphore, #tpu.memory_space<semaphore_mem>>) attributes {dimension_semantics = [#tpu.dimension_semantics<core_parallel>, #tpu.dimension_semantics<subcore_parallel>], iteration_bounds = array<i64: 2, 16>, scalar_prefetch = 0 : i64, scratch_operands = 6 : i64, tpu.core_type = #tpu.core_type<sc_vector_subcore>, window_params = [{transform_indices = #map}, {transform_indices = #map}, {transform_indices = #map}, {transform_indices = #map1}]} {
    %scan3A = arith.constant 0 : i32
    %scan3A_0 = arith.constant 0 : i32
    %scan3A_1 = arith.constant 128 : i32
    %scan3A_2 = arith.addi %scan3A_0, %scan3A_1 : i32
    %scan3A_3 = arith.constant 1 : i32
    %scan3A_4 = scf.for %scan3A_31 = %scan3A_0 to %scan3A_2 step %scan3A_3 iter_args(%scan3A_32 = %scan3A) -> (i32)  : i32 {
      %broadcast_in_dim3A = arith.constant 0.000000e+00 : f32
      %broadcast_in_dim3A_33 = vector.broadcast %broadcast_in_dim3A : f32 to vector<16xf32>
      %swap3A = arith.constant 0 : i32
      %swap3A_34 = arith.index_cast %swap3A : i32 to index
      %swap3A_35 = arith.index_cast %scan3A_31 : i32 to index
      %swap3A_36 = arith.constant 0 : index
      %swap3A_37 = tpu.vector_load %arg8[%swap3A_34, %swap3A_35, %swap3A_36] {strides = array<i32>} : memref<2x128x128xf32, #tpu.memory_space<vmem>>, vector<1x1x16xf32>,
      %swap3A_38 = vector.shape_cast %swap3A_37 : vector<1x1x16xf32> to vector<16xf32>
      %swap3A_39 = vector.shape_cast %broadcast_in_dim3A_33 : vector<16xf32> to vector<1x1x16xf32>
      tpu.vector_store %arg8[%swap3A_34, %swap3A_35, %swap3A_36], %swap3A_39 {strides = array<i32>} : memref<2x128x128xf32, #tpu.memory_space<vmem>>, vector<1x1x16xf32>,
      %broadcast_in_dim3A_40 = arith.constant 0.000000e+00 : f32
      %broadcast_in_dim3A_41 = vector.broadcast %broadcast_in_dim3A_40 : f32 to vector<16xf32>
      %swap3A_42 = arith.constant 0 : i32
      %swap3A_43 = arith.index_cast %swap3A_42 : i32 to index
      %swap3A_44 = arith.index_cast %scan3A_31 : i32 to index
      %swap3A_45 = arith.constant 16 : index
      %swap3A_46 = tpu.vector_load %arg8[%swap3A_43, %swap3A_44, %swap3A_45] {strides = array<i32>} : memref<2x128x128xf32, #tpu.memory_space<vmem>>, vector<1x1x16xf32>,
      %swap3A_47 = vector.shape_cast %swap3A_46 : vector<1x1x16xf32> to vector<16xf32>
      %swap3A_48 = vector.shape_cast %broadcast_in_dim3A_41 : vector<16xf32> to vector<1x1x16xf32>
      tpu.vector_store %arg8[%swap3A_43, %swap3A_44, %swap3A_45], %swap3A_48 {strides = array<i32>} : memref<2x128x128xf32, #tpu.memory_space<vmem>>, vector<1x1x16xf32>,
      %broadcast_in_dim3A_49 = arith.constant 0.000000e+00 : f32
      %broadcast_in_dim3A_50 = vector.broadcast %broadcast_in_dim3A_49 : f32 to vector<16xf32>
      %swap3A_51 = arith.constant 0 : i32
      %swap3A_52 = arith.index_cast %swap3A_51 : i32 to index
      %swap3A_53 = arith.index_cast %scan3A_31 : i32 to index
      %swap3A_54 = arith.constant 32 : index
      %swap3A_55 = tpu.vector_load %arg8[%swap3A_52, %swap3A_53, %swap3A_54] {strides = array<i32>} : memref<2x128x128xf32, #tpu.memory_space<vmem>>, vector<1x1x16xf32>,
      %swap3A_56 = vector.shape_cast %swap3A_55 : vector<1x1x16xf32> to vector<16xf32>
      %swap3A_57 = vector.shape_cast %broadcast_in_dim3A_50 : vector<16xf32> to vector<1x1x16xf32>
      tpu.vector_store %arg8[%swap3A_52, %swap3A_53, %swap3A_54], %swap3A_57 {strides = array<i32>} : memref<2x128x128xf32, #tpu.memory_space<vmem>>, vector<1x1x16xf32>,
      %broadcast_in_dim3A_58 = arith.constant 0.000000e+00 : f32
      %broadcast_in_dim3A_59 = vector.broadcast %broadcast_in_dim3A_58 : f32 to vector<16xf32>
      %swap3A_60 = arith.constant 0 : i32
      %swap3A_61 = arith.index_cast %swap3A_60 : i32 to index
      %swap3A_62 = arith.index_cast %scan3A_31 : i32 to index
      %swap3A_63 = arith.constant 48 : index
      %swap3A_64 = tpu.vector_load %arg8[%swap3A_61, %swap3A_62, %swap3A_63] {strides = array<i32>} : memref<2x128x128xf32, #tpu.memory_space<vmem>>, vector<1x1x16xf32>,
      %swap3A_65 = vector.shape_cast %swap3A_64 : vector<1x1x16xf32> to vector<16xf32>
      %swap3A_66 = vector.shape_cast %broadcast_in_dim3A_59 : vector<16xf32> to vector<1x1x16xf32>
      tpu.vector_store %arg8[%swap3A_61, %swap3A_62, %swap3A_63], %swap3A_66 {strides = array<i32>} : memref<2x128x128xf32, #tpu.memory_space<vmem>>, vector<1x1x16xf32>,
      %broadcast_in_dim3A_67 = arith.constant 0.000000e+00 : f32
      %broadcast_in_dim3A_68 = vector.broadcast %broadcast_in_dim3A_67 : f32 to vector<16xf32>
      %swap3A_69 = arith.constant 0 : i32
      %swap3A_70 = arith.index_cast %swap3A_69 : i32 to index
      %swap3A_71 = arith.index_cast %scan3A_31 : i32 to index
      %swap3A_72 = arith.constant 64 : index
      %swap3A_73 = tpu.vector_load %arg8[%swap3A_70, %swap3A_71, %swap3A_72] {strides = array<i32>} : memref<2x128x128xf32, #tpu.memory_space<vmem>>, vector<1x1x16xf32>,
      %swap3A_74 = vector.shape_cast %swap3A_73 : vector<1x1x16xf32> to vector<16xf32>
      %swap3A_75 = vector.shape_cast %broadcast_in_dim3A_68 : vector<16xf32> to vector<1x1x16xf32>
      tpu.vector_store %arg8[%swap3A_70, %swap3A_71, %swap3A_72], %swap3A_75 {strides = array<i32>} : memref<2x128x128xf32, #tpu.memory_space<vmem>>, vector<1x1x16xf32>,
      %broadcast_in_dim3A_76 = arith.constant 0.000000e+00 : f32
      %broadcast_in_dim3A_77 = vector.broadcast %broadcast_in_dim3A_76 : f32 to vector<16xf32>
      %swap3A_78 = arith.constant 0 : i32
      %swap3A_79 = arith.index_cast %swap3A_78 : i32 to index
      %swap3A_80 = arith.index_cast %scan3A_31 : i32 to index
      %swap3A_81 = arith.constant 80 : index
      %swap3A_82 = tpu.vector_load %arg8[%swap3A_79, %swap3A_80, %swap3A_81] {strides = array<i32>} : memref<2x128x128xf32, #tpu.memory_space<vmem>>, vector<1x1x16xf32>,
      %swap3A_83 = vector.shape_cast %swap3A_82 : vector<1x1x16xf32> to vector<16xf32>
      %swap3A_84 = vector.shape_cast %broadcast_in_dim3A_77 : vector<16xf32> to vector<1x1x16xf32>
      tpu.vector_store %arg8[%swap3A_79, %swap3A_80, %swap3A_81], %swap3A_84 {strides = array<i32>} : memref<2x128x128xf32, #tpu.memory_space<vmem>>, vector<1x1x16xf32>,
      %broadcast_in_dim3A_85 = arith.constant 0.000000e+00 : f32
      %broadcast_in_dim3A_86 = vector.broadcast %broadcast_in_dim3A_85 : f32 to vector<16xf32>
      %swap3A_87 = arith.constant 0 : i32
      %swap3A_88 = arith.index_cast %swap3A_87 : i32 to index
      %swap3A_89 = arith.index_cast %scan3A_31 : i32 to index
      %swap3A_90 = arith.constant 96 : index
      %swap3A_91 = tpu.vector_load %arg8[%swap3A_88, %swap3A_89, %swap3A_90] {strides = array<i32>} : memref<2x128x128xf32, #tpu.memory_space<vmem>>, vector<1x1x16xf32>,
      %swap3A_92 = vector.shape_cast %swap3A_91 : vector<1x1x16xf32> to vector<16xf32>
      %swap3A_93 = vector.shape_cast %broadcast_in_dim3A_86 : vector<16xf32> to vector<1x1x16xf32>
      tpu.vector_store %arg8[%swap3A_88, %swap3A_89, %swap3A_90], %swap3A_93 {strides = array<i32>} : memref<2x128x128xf32, #tpu.memory_space<vmem>>, vector<1x1x16xf32>,
      %broadcast_in_dim3A_94 = arith.constant 0.000000e+00 : f32
      %broadcast_in_dim3A_95 = vector.broadcast %broadcast_in_dim3A_94 : f32 to vector<16xf32>
      %swap3A_96 = arith.constant 0 : i32
      %swap3A_97 = arith.index_cast %swap3A_96 : i32 to index
      %swap3A_98 = arith.index_cast %scan3A_31 : i32 to index
      %swap3A_99 = arith.constant 112 : index
      %swap3A_100 = tpu.vector_load %arg8[%swap3A_97, %swap3A_98, %swap3A_99] {strides = array<i32>} : memref<2x128x128xf32, #tpu.memory_space<vmem>>, vector<1x1x16xf32>,
      %swap3A_101 = vector.shape_cast %swap3A_100 : vector<1x1x16xf32> to vector<16xf32>
      %swap3A_102 = vector.shape_cast %broadcast_in_dim3A_95 : vector<16xf32> to vector<1x1x16xf32>
      tpu.vector_store %arg8[%swap3A_97, %swap3A_98, %swap3A_99], %swap3A_102 {strides = array<i32>} : memref<2x128x128xf32, #tpu.memory_space<vmem>>, vector<1x1x16xf32>,
      %scan3A_103 = arith.constant 0 : i32
      scf.yield %scan3A_103 : i32
    }
    %scan3A_5 = arith.constant 128 : i32
    %mul3A = arith.constant 640 : i32
    %mul3A_6 = arith.muli %arg1, %mul3A : i32
    %add3A = arith.constant 0 : i32
    %add3A_7 = arith.addi %mul3A_6, %add3A : i32
    %run_scoped3A = arith.constant 0 : i32
    "tpu.region"() ({
      %run_scoped3A_31 = tpu.sem_alloc : memref<!tpu.dma_semaphore, #tpu.memory_space<semaphore_mem>>
      %dma_start3A = arith.constant 0 : i32
      %dma_start3A_32 = arith.constant 0 : i32
      %dma_start3A_33 = tpu.memref_slice %arg8[%run_scoped3A, %dma_start3A, %dma_start3A_32] : memref<2x128x128xf32, #tpu.memory_space<vmem>> -> memref<1x128x128xf32, #tpu.memory_space<vmem>>
      %dma_start3A_34 = tpu.memref_squeeze %dma_start3A_33 : memref<1x128x128xf32, #tpu.memory_space<vmem>> -> memref<128x128xf32, #tpu.memory_space<vmem>>
      %dma_start3A_35 = arith.constant 0 : i32
      %dma_start3A_36 = tpu.memref_slice %arg9[%add3A_7, %dma_start3A_35] : memref<10240x128xf32, #tpu.memory_space<vmem_shared>> -> memref<128x128xf32, #tpu.memory_space<vmem_shared>>
      %dma_start3A_37 = arith.constant 0 : i32
      %dma_start3A_38 = tpu.memref_slice %arg9[%add3A_7, %dma_start3A_37] : memref<10240x128xf32, #tpu.memory_space<vmem_shared>> -> memref<128x128xf32, #tpu.memory_space<vmem_shared>>
      %dma_start3A_39 = arith.constant 0 : i32
      %dma_start3A_40 = arith.constant 0 : i32
      %dma_start3A_41 = tpu.memref_slice %arg8[%run_scoped3A, %dma_start3A_39, %dma_start3A_40] : memref<2x128x128xf32, #tpu.memory_space<vmem>> -> memref<1x128x128xf32, #tpu.memory_space<vmem>>
      %dma_start3A_42 = tpu.memref_squeeze %dma_start3A_41 : memref<1x128x128xf32, #tpu.memory_space<vmem>> -> memref<128x128xf32, #tpu.memory_space<vmem>>
      tpu.enqueue_dma source(%dma_start3A_42 : memref<128x128xf32, #tpu.memory_space<vmem>>) target(%dma_start3A_38 : memref<128x128xf32, #tpu.memory_space<vmem_shared>>) target_semaphore(%run_scoped3A_31 : memref<!tpu.dma_semaphore, #tpu.memory_space<semaphore_mem>>)
      %dma_wait3A = arith.constant 0 : i32
      %dma_wait3A_43 = arith.constant 0 : i32
      %dma_wait3A_44 = tpu.memref_slice %arg8[%run_scoped3A, %dma_wait3A, %dma_wait3A_43] : memref<2x128x128xf32, #tpu.memory_space<vmem>> -> memref<1x128x128xf32, #tpu.memory_space<vmem>>
      %dma_wait3A_45 = tpu.memref_squeeze %dma_wait3A_44 : memref<1x128x128xf32, #tpu.memory_space<vmem>> -> memref<128x128xf32, #tpu.memory_space<vmem>>
      %dma_wait3A_46 = arith.constant 0 : i32
      %dma_wait3A_47 = tpu.memref_slice %arg9[%add3A_7, %dma_wait3A_46] : memref<10240x128xf32, #tpu.memory_space<vmem_shared>> -> memref<128x128xf32, #tpu.memory_space<vmem_shared>>
      %dma_wait3A_48 = arith.constant 0 : i32
      %dma_wait3A_49 = tpu.memref_slice %arg9[%add3A_7, %dma_wait3A_48] : memref<10240x128xf32, #tpu.memory_space<vmem_shared>> -> memref<128x128xf32, #tpu.memory_space<vmem_shared>>
      %dma_wait3A_50 = arith.constant 0 : i32
      %dma_wait3A_51 = arith.constant 0 : i32
      %dma_wait3A_52 = tpu.memref_slice %arg8[%run_scoped3A, %dma_wait3A_50, %dma_wait3A_51] : memref<2x128x128xf32, #tpu.memory_space<vmem>> -> memref<1x128x128xf32, #tpu.memory_space<vmem>>
      %dma_wait3A_53 = tpu.memref_squeeze %dma_wait3A_52 : memref<1x128x128xf32, #tpu.memory_space<vmem>> -> memref<128x128xf32, #tpu.memory_space<vmem>>
      tpu.wait_dma2 semaphore(%run_scoped3A_31 : memref<!tpu.dma_semaphore, #tpu.memory_space<semaphore_mem>>) src(%dma_wait3A_53 : memref<128x128xf32, #tpu.memory_space<vmem>>) dst(%dma_wait3A_49 : memref<128x128xf32, #tpu.memory_space<vmem_shared>>)
      tpu.yield
    }) : () -> ()
    %add3A_8 = arith.constant 128 : i32
    %add3A_9 = arith.addi %mul3A_6, %add3A_8 : i32
    %run_scoped3A_10 = arith.constant 0 : i32
    "tpu.region"() ({
      %run_scoped3A_31 = tpu.sem_alloc : memref<!tpu.dma_semaphore, #tpu.memory_space<semaphore_mem>>
      %dma_start3A = arith.constant 0 : i32
      %dma_start3A_32 = arith.constant 0 : i32
      %dma_start3A_33 = tpu.memref_slice %arg8[%run_scoped3A_10, %dma_start3A, %dma_start3A_32] : memref<2x128x128xf32, #tpu.memory_space<vmem>> -> memref<1x128x128xf32, #tpu.memory_space<vmem>>
      %dma_start3A_34 = tpu.memref_squeeze %dma_start3A_33 : memref<1x128x128xf32, #tpu.memory_space<vmem>> -> memref<128x128xf32, #tpu.memory_space<vmem>>
      %dma_start3A_35 = arith.constant 0 : i32
      %dma_start3A_36 = tpu.memref_slice %arg9[%add3A_9, %dma_start3A_35] : memref<10240x128xf32, #tpu.memory_space<vmem_shared>> -> memref<128x128xf32, #tpu.memory_space<vmem_shared>>
      %dma_start3A_37 = arith.constant 0 : i32
      %dma_start3A_38 = tpu.memref_slice %arg9[%add3A_9, %dma_start3A_37] : memref<10240x128xf32, #tpu.memory_space<vmem_shared>> -> memref<128x128xf32, #tpu.memory_space<vmem_shared>>
      %dma_start3A_39 = arith.constant 0 : i32
      %dma_start3A_40 = arith.constant 0 : i32
      %dma_start3A_41 = tpu.memref_slice %arg8[%run_scoped3A_10, %dma_start3A_39, %dma_start3A_40] : memref<2x128x128xf32, #tpu.memory_space<vmem>> -> memref<1x128x128xf32, #tpu.memory_space<vmem>>
      %dma_start3A_42 = tpu.memref_squeeze %dma_start3A_41 : memref<1x128x128xf32, #tpu.memory_space<vmem>> -> memref<128x128xf32, #tpu.memory_space<vmem>>
      tpu.enqueue_dma source(%dma_start3A_42 : memref<128x128xf32, #tpu.memory_space<vmem>>) target(%dma_start3A_38 : memref<128x128xf32, #tpu.memory_space<vmem_shared>>) target_semaphore(%run_scoped3A_31 : memref<!tpu.dma_semaphore, #tpu.memory_space<semaphore_mem>>)
      %dma_wait3A = arith.constant 0 : i32
      %dma_wait3A_43 = arith.constant 0 : i32
      %dma_wait3A_44 = tpu.memref_slice %arg8[%run_scoped3A_10, %dma_wait3A, %dma_wait3A_43] : memref<2x128x128xf32, #tpu.memory_space<vmem>> -> memref<1x128x128xf32, #tpu.memory_space<vmem>>
      %dma_wait3A_45 = tpu.memref_squeeze %dma_wait3A_44 : memref<1x128x128xf32, #tpu.memory_space<vmem>> -> memref<128x128xf32, #tpu.memory_space<vmem>>
      %dma_wait3A_46 = arith.constant 0 : i32
      %dma_wait3A_47 = tpu.memref_slice %arg9[%add3A_9, %dma_wait3A_46] : memref<10240x128xf32, #tpu.memory_space<vmem_shared>> -> memref<128x128xf32, #tpu.memory_space<vmem_shared>>
      %dma_wait3A_48 = arith.constant 0 : i32
      %dma_wait3A_49 = tpu.memref_slice %arg9[%add3A_9, %dma_wait3A_48] : memref<10240x128xf32, #tpu.memory_space<vmem_shared>> -> memref<128x128xf32, #tpu.memory_space<vmem_shared>>
      %dma_wait3A_50 = arith.constant 0 : i32
      %dma_wait3A_51 = arith.constant 0 : i32
      %dma_wait3A_52 = tpu.memref_slice %arg8[%run_scoped3A_10, %dma_wait3A_50, %dma_wait3A_51] : memref<2x128x128xf32, #tpu.memory_space<vmem>> -> memref<1x128x128xf32, #tpu.memory_space<vmem>>
      %dma_wait3A_53 = tpu.memref_squeeze %dma_wait3A_52 : memref<1x128x128xf32, #tpu.memory_space<vmem>> -> memref<128x128xf32, #tpu.memory_space<vmem>>
      tpu.wait_dma2 semaphore(%run_scoped3A_31 : memref<!tpu.dma_semaphore, #tpu.memory_space<semaphore_mem>>) src(%dma_wait3A_53 : memref<128x128xf32, #tpu.memory_space<vmem>>) dst(%dma_wait3A_49 : memref<128x128xf32, #tpu.memory_space<vmem_shared>>)
      tpu.yield
    }) : () -> ()
    %add3A_11 = arith.constant 256 : i32
    %add3A_12 = arith.addi %mul3A_6, %add3A_11 : i32
    %run_scoped3A_13 = arith.constant 0 : i32
    "tpu.region"() ({
      %run_scoped3A_31 = tpu.sem_alloc : memref<!tpu.dma_semaphore, #tpu.memory_space<semaphore_mem>>
      %dma_start3A = arith.constant 0 : i32
      %dma_start3A_32 = arith.constant 0 : i32
      %dma_start3A_33 = tpu.memref_slice %arg8[%run_scoped3A_13, %dma_start3A, %dma_start3A_32] : memref<2x128x128xf32, #tpu.memory_space<vmem>> -> memref<1x128x128xf32, #tpu.memory_space<vmem>>
      %dma_start3A_34 = tpu.memref_squeeze %dma_start3A_33 : memref<1x128x128xf32, #tpu.memory_space<vmem>> -> memref<128x128xf32, #tpu.memory_space<vmem>>
      %dma_start3A_35 = arith.constant 0 : i32
      %dma_start3A_36 = tpu.memref_slice %arg9[%add3A_12, %dma_start3A_35] : memref<10240x128xf32, #tpu.memory_space<vmem_shared>> -> memref<128x128xf32, #tpu.memory_space<vmem_shared>>
      %dma_start3A_37 = arith.constant 0 : i32
      %dma_start3A_38 = tpu.memref_slice %arg9[%add3A_12, %dma_start3A_37] : memref<10240x128xf32, #tpu.memory_space<vmem_shared>> -> memref<128x128xf32, #tpu.memory_space<vmem_shared>>
      %dma_start3A_39 = arith.constant 0 : i32
      %dma_start3A_40 = arith.constant 0 : i32
      %dma_start3A_41 = tpu.memref_slice %arg8[%run_scoped3A_13, %dma_start3A_39, %dma_start3A_40] : memref<2x128x128xf32, #tpu.memory_space<vmem>> -> memref<1x128x128xf32, #tpu.memory_space<vmem>>
      %dma_start3A_42 = tpu.memref_squeeze %dma_start3A_41 : memref<1x128x128xf32, #tpu.memory_space<vmem>> -> memref<128x128xf32, #tpu.memory_space<vmem>>
      tpu.enqueue_dma source(%dma_start3A_42 : memref<128x128xf32, #tpu.memory_space<vmem>>) target(%dma_start3A_38 : memref<128x128xf32, #tpu.memory_space<vmem_shared>>) target_semaphore(%run_scoped3A_31 : memref<!tpu.dma_semaphore, #tpu.memory_space<semaphore_mem>>)
      %dma_wait3A = arith.constant 0 : i32
      %dma_wait3A_43 = arith.constant 0 : i32
      %dma_wait3A_44 = tpu.memref_slice %arg8[%run_scoped3A_13, %dma_wait3A, %dma_wait3A_43] : memref<2x128x128xf32, #tpu.memory_space<vmem>> -> memref<1x128x128xf32, #tpu.memory_space<vmem>>
      %dma_wait3A_45 = tpu.memref_squeeze %dma_wait3A_44 : memref<1x128x128xf32, #tpu.memory_space<vmem>> -> memref<128x128xf32, #tpu.memory_space<vmem>>
      %dma_wait3A_46 = arith.constant 0 : i32
      %dma_wait3A_47 = tpu.memref_slice %arg9[%add3A_12, %dma_wait3A_46] : memref<10240x128xf32, #tpu.memory_space<vmem_shared>> -> memref<128x128xf32, #tpu.memory_space<vmem_shared>>
      %dma_wait3A_48 = arith.constant 0 : i32
      %dma_wait3A_49 = tpu.memref_slice %arg9[%add3A_12, %dma_wait3A_48] : memref<10240x128xf32, #tpu.memory_space<vmem_shared>> -> memref<128x128xf32, #tpu.memory_space<vmem_shared>>
      %dma_wait3A_50 = arith.constant 0 : i32
      %dma_wait3A_51 = arith.constant 0 : i32
      %dma_wait3A_52 = tpu.memref_slice %arg8[%run_scoped3A_13, %dma_wait3A_50, %dma_wait3A_51] : memref<2x128x128xf32, #tpu.memory_space<vmem>> -> memref<1x128x128xf32, #tpu.memory_space<vmem>>
      %dma_wait3A_53 = tpu.memref_squeeze %dma_wait3A_52 : memref<1x128x128xf32, #tpu.memory_space<vmem>> -> memref<128x128xf32, #tpu.memory_space<vmem>>
      tpu.wait_dma2 semaphore(%run_scoped3A_31 : memref<!tpu.dma_semaphore, #tpu.memory_space<semaphore_mem>>) src(%dma_wait3A_53 : memref<128x128xf32, #tpu.memory_space<vmem>>) dst(%dma_wait3A_49 : memref<128x128xf32, #tpu.memory_space<vmem_shared>>)
      tpu.yield
    }) : () -> ()
    %add3A_14 = arith.constant 384 : i32
    %add3A_15 = arith.addi %mul3A_6, %add3A_14 : i32
    %run_scoped3A_16 = arith.constant 0 : i32
    "tpu.region"() ({
      %run_scoped3A_31 = tpu.sem_alloc : memref<!tpu.dma_semaphore, #tpu.memory_space<semaphore_mem>>
      %dma_start3A = arith.constant 0 : i32
      %dma_start3A_32 = arith.constant 0 : i32
      %dma_start3A_33 = tpu.memref_slice %arg8[%run_scoped3A_16, %dma_start3A, %dma_start3A_32] : memref<2x128x128xf32, #tpu.memory_space<vmem>> -> memref<1x128x128xf32, #tpu.memory_space<vmem>>
      %dma_start3A_34 = tpu.memref_squeeze %dma_start3A_33 : memref<1x128x128xf32, #tpu.memory_space<vmem>> -> memref<128x128xf32, #tpu.memory_space<vmem>>
      %dma_start3A_35 = arith.constant 0 : i32
      %dma_start3A_36 = tpu.memref_slice %arg9[%add3A_15, %dma_start3A_35] : memref<10240x128xf32, #tpu.memory_space<vmem_shared>> -> memref<128x128xf32, #tpu.memory_space<vmem_shared>>
      %dma_start3A_37 = arith.constant 0 : i32
      %dma_start3A_38 = tpu.memref_slice %arg9[%add3A_15, %dma_start3A_37] : memref<10240x128xf32, #tpu.memory_space<vmem_shared>> -> memref<128x128xf32, #tpu.memory_space<vmem_shared>>
      %dma_start3A_39 = arith.constant 0 : i32
      %dma_start3A_40 = arith.constant 0 : i32
      %dma_start3A_41 = tpu.memref_slice %arg8[%run_scoped3A_16, %dma_start3A_39, %dma_start3A_40] : memref<2x128x128xf32, #tpu.memory_space<vmem>> -> memref<1x128x128xf32, #tpu.memory_space<vmem>>
      %dma_start3A_42 = tpu.memref_squeeze %dma_start3A_41 : memref<1x128x128xf32, #tpu.memory_space<vmem>> -> memref<128x128xf32, #tpu.memory_space<vmem>>
      tpu.enqueue_dma source(%dma_start3A_42 : memref<128x128xf32, #tpu.memory_space<vmem>>) target(%dma_start3A_38 : memref<128x128xf32, #tpu.memory_space<vmem_shared>>) target_semaphore(%run_scoped3A_31 : memref<!tpu.dma_semaphore, #tpu.memory_space<semaphore_mem>>)
      %dma_wait3A = arith.constant 0 : i32
      %dma_wait3A_43 = arith.constant 0 : i32
      %dma_wait3A_44 = tpu.memref_slice %arg8[%run_scoped3A_16, %dma_wait3A, %dma_wait3A_43] : memref<2x128x128xf32, #tpu.memory_space<vmem>> -> memref<1x128x128xf32, #tpu.memory_space<vmem>>
      %dma_wait3A_45 = tpu.memref_squeeze %dma_wait3A_44 : memref<1x128x128xf32, #tpu.memory_space<vmem>> -> memref<128x128xf32, #tpu.memory_space<vmem>>
      %dma_wait3A_46 = arith.constant 0 : i32
      %dma_wait3A_47 = tpu.memref_slice %arg9[%add3A_15, %dma_wait3A_46] : memref<10240x128xf32, #tpu.memory_space<vmem_shared>> -> memref<128x128xf32, #tpu.memory_space<vmem_shared>>
      %dma_wait3A_48 = arith.constant 0 : i32
      %dma_wait3A_49 = tpu.memref_slice %arg9[%add3A_15, %dma_wait3A_48] : memref<10240x128xf32, #tpu.memory_space<vmem_shared>> -> memref<128x128xf32, #tpu.memory_space<vmem_shared>>
      %dma_wait3A_50 = arith.constant 0 : i32
      %dma_wait3A_51 = arith.constant 0 : i32
      %dma_wait3A_52 = tpu.memref_slice %arg8[%run_scoped3A_16, %dma_wait3A_50, %dma_wait3A_51] : memref<2x128x128xf32, #tpu.memory_space<vmem>> -> memref<1x128x128xf32, #tpu.memory_space<vmem>>
      %dma_wait3A_53 = tpu.memref_squeeze %dma_wait3A_52 : memref<1x128x128xf32, #tpu.memory_space<vmem>> -> memref<128x128xf32, #tpu.memory_space<vmem>>
      tpu.wait_dma2 semaphore(%run_scoped3A_31 : memref<!tpu.dma_semaphore, #tpu.memory_space<semaphore_mem>>) src(%dma_wait3A_53 : memref<128x128xf32, #tpu.memory_space<vmem>>) dst(%dma_wait3A_49 : memref<128x128xf32, #tpu.memory_space<vmem_shared>>)
      tpu.yield
    }) : () -> ()
    %add3A_17 = arith.constant 512 : i32
    %add3A_18 = arith.addi %mul3A_6, %add3A_17 : i32
    %run_scoped3A_19 = arith.constant 0 : i32
    "tpu.region"() ({
      %run_scoped3A_31 = tpu.sem_alloc : memref<!tpu.dma_semaphore, #tpu.memory_space<semaphore_mem>>
      %dma_start3A = arith.constant 0 : i32
      %dma_start3A_32 = arith.constant 0 : i32
      %dma_start3A_33 = tpu.memref_slice %arg8[%run_scoped3A_19, %dma_start3A, %dma_start3A_32] : memref<2x128x128xf32, #tpu.memory_space<vmem>> -> memref<1x128x128xf32, #tpu.memory_space<vmem>>
      %dma_start3A_34 = tpu.memref_squeeze %dma_start3A_33 : memref<1x128x128xf32, #tpu.memory_space<vmem>> -> memref<128x128xf32, #tpu.memory_space<vmem>>
      %dma_start3A_35 = arith.constant 0 : i32
      %dma_start3A_36 = tpu.memref_slice %arg9[%add3A_18, %dma_start3A_35] : memref<10240x128xf32, #tpu.memory_space<vmem_shared>> -> memref<128x128xf32, #tpu.memory_space<vmem_shared>>
      %dma_start3A_37 = arith.constant 0 : i32
      %dma_start3A_38 = tpu.memref_slice %arg9[%add3A_18, %dma_start3A_37] : memref<10240x128xf32, #tpu.memory_space<vmem_shared>> -> memref<128x128xf32, #tpu.memory_space<vmem_shared>>
      %dma_start3A_39 = arith.constant 0 : i32
      %dma_start3A_40 = arith.constant 0 : i32
      %dma_start3A_41 = tpu.memref_slice %arg8[%run_scoped3A_19, %dma_start3A_39, %dma_start3A_40] : memref<2x128x128xf32, #tpu.memory_space<vmem>> -> memref<1x128x128xf32, #tpu.memory_space<vmem>>
      %dma_start3A_42 = tpu.memref_squeeze %dma_start3A_41 : memref<1x128x128xf32, #tpu.memory_space<vmem>> -> memref<128x128xf32, #tpu.memory_space<vmem>>
      tpu.enqueue_dma source(%dma_start3A_42 : memref<128x128xf32, #tpu.memory_space<vmem>>) target(%dma_start3A_38 : memref<128x128xf32, #tpu.memory_space<vmem_shared>>) target_semaphore(%run_scoped3A_31 : memref<!tpu.dma_semaphore, #tpu.memory_space<semaphore_mem>>)
      %dma_wait3A = arith.constant 0 : i32
      %dma_wait3A_43 = arith.constant 0 : i32
      %dma_wait3A_44 = tpu.memref_slice %arg8[%run_scoped3A_19, %dma_wait3A, %dma_wait3A_43] : memref<2x128x128xf32, #tpu.memory_space<vmem>> -> memref<1x128x128xf32, #tpu.memory_space<vmem>>
      %dma_wait3A_45 = tpu.memref_squeeze %dma_wait3A_44 : memref<1x128x128xf32, #tpu.memory_space<vmem>> -> memref<128x128xf32, #tpu.memory_space<vmem>>
      %dma_wait3A_46 = arith.constant 0 : i32
      %dma_wait3A_47 = tpu.memref_slice %arg9[%add3A_18, %dma_wait3A_46] : memref<10240x128xf32, #tpu.memory_space<vmem_shared>> -> memref<128x128xf32, #tpu.memory_space<vmem_shared>>
      %dma_wait3A_48 = arith.constant 0 : i32
      %dma_wait3A_49 = tpu.memref_slice %arg9[%add3A_18, %dma_wait3A_48] : memref<10240x128xf32, #tpu.memory_space<vmem_shared>> -> memref<128x128xf32, #tpu.memory_space<vmem_shared>>
      %dma_wait3A_50 = arith.constant 0 : i32
      %dma_wait3A_51 = arith.constant 0 : i32
      %dma_wait3A_52 = tpu.memref_slice %arg8[%run_scoped3A_19, %dma_wait3A_50, %dma_wait3A_51] : memref<2x128x128xf32, #tpu.memory_space<vmem>> -> memref<1x128x128xf32, #tpu.memory_space<vmem>>
      %dma_wait3A_53 = tpu.memref_squeeze %dma_wait3A_52 : memref<1x128x128xf32, #tpu.memory_space<vmem>> -> memref<128x128xf32, #tpu.memory_space<vmem>>
      tpu.wait_dma2 semaphore(%run_scoped3A_31 : memref<!tpu.dma_semaphore, #tpu.memory_space<semaphore_mem>>) src(%dma_wait3A_53 : memref<128x128xf32, #tpu.memory_space<vmem>>) dst(%dma_wait3A_49 : memref<128x128xf32, #tpu.memory_space<vmem_shared>>)
      tpu.yield
    }) : () -> ()
    %barrier3A = arith.constant 0 : index
    tpu.barrier barrier_id(%barrier3A)
    %mul3A_20 = arith.constant 2 : i32
    %mul3A_21 = arith.muli %arg1, %mul3A_20 : i32
    %add3A_22 = arith.addi %mul3A_21, %arg0 : i32
    %scan3A_23 = arith.constant 0 : i32
    %scan3A_24 = arith.constant 0 : i32
    %scan3A_25 = arith.constant 10 : i32
    %scan3A_26 = arith.addi %scan3A_24, %scan3A_25 : i32
    %scan3A_27 = arith.constant 1 : i32
    %scan3A_28 = scf.for %scan3A_31 = %scan3A_24 to %scan3A_26 step %scan3A_27 iter_args(%scan3A_32 = %scan3A_23) -> (i32)  : i32 {
      %mul3A_33 = arith.constant 80 : i32
      %mul3A_34 = arith.muli %add3A_22, %mul3A_33 : i32
      %mul3A_35 = arith.constant 8 : i32
      %mul3A_36 = arith.muli %scan3A_31, %mul3A_35 : i32
      %add3A_37 = arith.addi %mul3A_34, %mul3A_36 : i32
      "tpu.region"() ({
        %run_scoped3A_250 = tpu.sem_alloc : memref<!tpu.dma_semaphore, #tpu.memory_space<semaphore_mem>>
        %dma_start3A_251 = arith.constant 0 : i32
        %dma_start3A_252 = tpu.memref_slice %arg3[%add3A_37, %dma_start3A_251] : memref<2560x128xi32, #tpu.memory_space<hbm>> -> memref<8x128xi32, #tpu.memory_space<hbm>>
        %dma_start3A_253 = arith.constant 0 : i32
        %dma_start3A_254 = tpu.memref_slice %arg3[%add3A_37, %dma_start3A_253] : memref<2560x128xi32, #tpu.memory_space<hbm>> -> memref<8x128xi32, #tpu.memory_space<hbm>>
        tpu.enqueue_dma source(%dma_start3A_254 : memref<8x128xi32, #tpu.memory_space<hbm>>) target(%arg6 : memref<8x128xi32, #tpu.memory_space<vmem>>) target_semaphore(%run_scoped3A_250 : memref<!tpu.dma_semaphore, #tpu.memory_space<semaphore_mem>>)
        %dma_wait3A_255 = arith.constant 0 : i32
        %dma_wait3A_256 = tpu.memref_slice %arg3[%add3A_37, %dma_wait3A_255] : memref<2560x128xi32, #tpu.memory_space<hbm>> -> memref<8x128xi32, #tpu.memory_space<hbm>>
        %dma_wait3A_257 = arith.constant 0 : i32
        %dma_wait3A_258 = tpu.memref_slice %arg3[%add3A_37, %dma_wait3A_257] : memref<2560x128xi32, #tpu.memory_space<hbm>> -> memref<8x128xi32, #tpu.memory_space<hbm>>
        tpu.wait_dma2 semaphore(%run_scoped3A_250 : memref<!tpu.dma_semaphore, #tpu.memory_space<semaphore_mem>>) src(%dma_wait3A_258 : memref<8x128xi32, #tpu.memory_space<hbm>>) dst(%arg6 : memref<8x128xi32, #tpu.memory_space<vmem>>)
        tpu.yield
      }) : () -> ()
      %mul3A_38 = arith.constant 80 : i32
      %mul3A_39 = arith.muli %add3A_22, %mul3A_38 : i32
      %mul3A_40 = arith.constant 8 : i32
      %mul3A_41 = arith.muli %scan3A_31, %mul3A_40 : i32
      %add3A_42 = arith.addi %mul3A_39, %mul3A_41 : i32
      "tpu.region"() ({
        %run_scoped3A_250 = tpu.sem_alloc : memref<!tpu.dma_semaphore, #tpu.memory_space<semaphore_mem>>
        %dma_start3A_251 = arith.constant 0 : i32
        %dma_start3A_252 = tpu.memref_slice %arg4[%add3A_42, %dma_start3A_251] : memref<2560x128xi32, #tpu.memory_space<hbm>> -> memref<8x128xi32, #tpu.memory_space<hbm>>
        %dma_start3A_253 = arith.constant 0 : i32
        %dma_start3A_254 = tpu.memref_slice %arg4[%add3A_42, %dma_start3A_253] : memref<2560x128xi32, #tpu.memory_space<hbm>> -> memref<8x128xi32, #tpu.memory_space<hbm>>
        tpu.enqueue_dma source(%dma_start3A_254 : memref<8x128xi32, #tpu.memory_space<hbm>>) target(%arg7 : memref<8x128xi32, #tpu.memory_space<vmem>>) target_semaphore(%run_scoped3A_250 : memref<!tpu.dma_semaphore, #tpu.memory_space<semaphore_mem>>)
        %dma_wait3A_255 = arith.constant 0 : i32
        %dma_wait3A_256 = tpu.memref_slice %arg4[%add3A_42, %dma_wait3A_255] : memref<2560x128xi32, #tpu.memory_space<hbm>> -> memref<8x128xi32, #tpu.memory_space<hbm>>
        %dma_wait3A_257 = arith.constant 0 : i32
        %dma_wait3A_258 = tpu.memref_slice %arg4[%add3A_42, %dma_wait3A_257] : memref<2560x128xi32, #tpu.memory_space<hbm>> -> memref<8x128xi32, #tpu.memory_space<hbm>>
        tpu.wait_dma2 semaphore(%run_scoped3A_250 : memref<!tpu.dma_semaphore, #tpu.memory_space<semaphore_mem>>) src(%dma_wait3A_258 : memref<8x128xi32, #tpu.memory_space<hbm>>) dst(%arg7 : memref<8x128xi32, #tpu.memory_space<vmem>>)
        tpu.yield
      }) : () -> ()
      %dma_start3A = arith.constant 0 : i32
      %dma_start3A_43 = arith.constant 0 : i32
      %dma_start3A_44 = arith.constant 0 : i32
      %dma_start3A_45 = arith.constant 0 : i32
      %dma_start3A_46 = tpu.memref_slice %arg8[%dma_start3A_43, %dma_start3A_44, %dma_start3A_45] : memref<2x128x128xf32, #tpu.memory_space<vmem>> -> memref<1x128x128xf32, #tpu.memory_space<vmem>>
      %dma_start3A_47 = tpu.memref_squeeze %dma_start3A_46 : memref<1x128x128xf32, #tpu.memory_space<vmem>> -> memref<128x128xf32, #tpu.memory_space<vmem>>
      %dma_start3A_48 = arith.constant 0 : i32
      %dma_start3A_49 = tpu.memref_slice %arg6[%dma_start3A, %dma_start3A_48] : memref<8x128xi32, #tpu.memory_space<vmem>> -> memref<1x128xi32, #tpu.memory_space<vmem>>
      %dma_start3A_50 = tpu.memref_squeeze %dma_start3A_49 : memref<1x128xi32, #tpu.memory_space<vmem>> -> memref<128xi32, #tpu.memory_space<vmem>>
      %dma_start3A_51 = arith.constant 0 : i32
      %dma_start3A_52 = arith.constant 0 : i32
      %dma_start3A_53 = tpu.memref_slice %arg2[%dma_start3A_51, %dma_start3A_52] : memref<10240x128xf32, #tpu.memory_space<hbm>> -> memref<10240x128xf32, #tpu.memory_space<hbm>>
      tpu.enqueue_indirect_dma source(%dma_start3A_53 : memref<10240x128xf32, #tpu.memory_space<hbm>>) target(%dma_start3A_47 : memref<128x128xf32, #tpu.memory_space<vmem>>) offsets(%dma_start3A_50 : memref<128xi32, #tpu.memory_space<vmem>>) semaphore(%arg10 : memref<!tpu.dma_semaphore, #tpu.memory_space<semaphore_mem>>)
      %dma_start3A_54 = arith.constant 1 : i32
      %dma_start3A_55 = arith.constant 1 : i32
      %dma_start3A_56 = arith.constant 0 : i32
      %dma_start3A_57 = arith.constant 0 : i32
      %dma_start3A_58 = tpu.memref_slice %arg8[%dma_start3A_55, %dma_start3A_56, %dma_start3A_57] : memref<2x128x128xf32, #tpu.memory_space<vmem>> -> memref<1x128x128xf32, #tpu.memory_space<vmem>>
      %dma_start3A_59 = tpu.memref_squeeze %dma_start3A_58 : memref<1x128x128xf32, #tpu.memory_space<vmem>> -> memref<128x128xf32, #tpu.memory_space<vmem>>
      %dma_start3A_60 = arith.constant 0 : i32
      %dma_start3A_61 = tpu.memref_slice %arg6[%dma_start3A_54, %dma_start3A_60] : memref<8x128xi32, #tpu.memory_space<vmem>> -> memref<1x128xi32, #tpu.memory_space<vmem>>
      %dma_start3A_62 = tpu.memref_squeeze %dma_start3A_61 : memref<1x128xi32, #tpu.memory_space<vmem>> -> memref<128xi32, #tpu.memory_space<vmem>>
      %dma_start3A_63 = arith.constant 0 : i32
      %dma_start3A_64 = arith.constant 0 : i32
      %dma_start3A_65 = tpu.memref_slice %arg2[%dma_start3A_63, %dma_start3A_64] : memref<10240x128xf32, #tpu.memory_space<hbm>> -> memref<10240x128xf32, #tpu.memory_space<hbm>>
      tpu.enqueue_indirect_dma source(%dma_start3A_65 : memref<10240x128xf32, #tpu.memory_space<hbm>>) target(%dma_start3A_59 : memref<128x128xf32, #tpu.memory_space<vmem>>) offsets(%dma_start3A_62 : memref<128xi32, #tpu.memory_space<vmem>>) semaphore(%arg11 : memref<!tpu.dma_semaphore, #tpu.memory_space<semaphore_mem>>)
      %dma_wait3A = arith.constant 0 : i32
      %dma_wait3A_66 = arith.constant 0 : i32
      %dma_wait3A_67 = arith.constant 0 : i32
      %dma_wait3A_68 = arith.constant 0 : i32
      %dma_wait3A_69 = tpu.memref_slice %arg8[%dma_wait3A_66, %dma_wait3A_67, %dma_wait3A_68] : memref<2x128x128xf32, #tpu.memory_space<vmem>> -> memref<1x128x128xf32, #tpu.memory_space<vmem>>
      %dma_wait3A_70 = tpu.memref_squeeze %dma_wait3A_69 : memref<1x128x128xf32, #tpu.memory_space<vmem>> -> memref<128x128xf32, #tpu.memory_space<vmem>>
      %dma_wait3A_71 = arith.constant 0 : i32
      %dma_wait3A_72 = tpu.memref_slice %arg6[%dma_wait3A, %dma_wait3A_71] : memref<8x128xi32, #tpu.memory_space<vmem>> -> memref<1x128xi32, #tpu.memory_space<vmem>>
      %dma_wait3A_73 = tpu.memref_squeeze %dma_wait3A_72 : memref<1x128xi32, #tpu.memory_space<vmem>> -> memref<128xi32, #tpu.memory_space<vmem>>
      %dma_wait3A_74 = arith.constant 0 : i32
      %dma_wait3A_75 = arith.constant 0 : i32
      %dma_wait3A_76 = tpu.memref_slice %arg2[%dma_wait3A_74, %dma_wait3A_75] : memref<10240x128xf32, #tpu.memory_space<hbm>> -> memref<10240x128xf32, #tpu.memory_space<hbm>>
      tpu.wait_indirect_dma semaphore(%arg10 : memref<!tpu.dma_semaphore, #tpu.memory_space<semaphore_mem>>) src(%dma_wait3A_76 : memref<10240x128xf32, #tpu.memory_space<hbm>>) dst(%dma_wait3A_70 : memref<128x128xf32, #tpu.memory_space<vmem>>)
      %run_scoped3A_77 = arith.constant 0 : i32
      %run_scoped3A_78 = arith.constant 0 : i32
      "tpu.region"() ({
        %run_scoped3A_250 = tpu.sem_alloc : memref<!tpu.dma_semaphore, #tpu.memory_space<semaphore_mem>>
        %dma_start3A_251 = arith.constant 0 : i32
        %dma_start3A_252 = arith.constant 0 : i32
        %dma_start3A_253 = tpu.memref_slice %arg8[%run_scoped3A_77, %dma_start3A_251, %dma_start3A_252] : memref<2x128x128xf32, #tpu.memory_space<vmem>> -> memref<1x128x128xf32, #tpu.memory_space<vmem>>
        %dma_start3A_254 = tpu.memref_squeeze %dma_start3A_253 : memref<1x128x128xf32, #tpu.memory_space<vmem>> -> memref<128x128xf32, #tpu.memory_space<vmem>>
        %dma_start3A_255 = arith.constant 0 : i32
        %dma_start3A_256 = tpu.memref_slice %arg7[%run_scoped3A_78, %dma_start3A_255] : memref<8x128xi32, #tpu.memory_space<vmem>> -> memref<1x128xi32, #tpu.memory_space<vmem>>
        %dma_start3A_257 = tpu.memref_squeeze %dma_start3A_256 : memref<1x128xi32, #tpu.memory_space<vmem>> -> memref<128xi32, #tpu.memory_space<vmem>>
        %dma_start3A_258 = arith.constant 0 : i32
        %dma_start3A_259 = arith.constant 0 : i32
        %dma_start3A_260 = tpu.memref_slice %arg9[%dma_start3A_258, %dma_start3A_259] : memref<10240x128xf32, #tpu.memory_space<vmem_shared>> -> memref<10240x128xf32, #tpu.memory_space<vmem_shared>>
        tpu.enqueue_indirect_dma source(%dma_start3A_254 : memref<128x128xf32, #tpu.memory_space<vmem>>) target(%dma_start3A_260 : memref<10240x128xf32, #tpu.memory_space<vmem_shared>>) offsets(%dma_start3A_257 : memref<128xi32, #tpu.memory_space<vmem>>) semaphore(%run_scoped3A_250 : memref<!tpu.dma_semaphore, #tpu.memory_space<semaphore_mem>>) {add = true}
        %dma_wait3A_261 = arith.constant 0 : i32
        %dma_wait3A_262 = arith.constant 0 : i32
        %dma_wait3A_263 = tpu.memref_slice %arg8[%run_scoped3A_77, %dma_wait3A_261, %dma_wait3A_262] : memref<2x128x128xf32, #tpu.memory_space<vmem>> -> memref<1x128x128xf32, #tpu.memory_space<vmem>>
        %dma_wait3A_264 = tpu.memref_squeeze %dma_wait3A_263 : memref<1x128x128xf32, #tpu.memory_space<vmem>> -> memref<128x128xf32, #tpu.memory_space<vmem>>
        %dma_wait3A_265 = arith.constant 0 : i32
        %dma_wait3A_266 = tpu.memref_slice %arg7[%run_scoped3A_78, %dma_wait3A_265] : memref<8x128xi32, #tpu.memory_space<vmem>> -> memref<1x128xi32, #tpu.memory_space<vmem>>
        %dma_wait3A_267 = tpu.memref_squeeze %dma_wait3A_266 : memref<1x128xi32, #tpu.memory_space<vmem>> -> memref<128xi32, #tpu.memory_space<vmem>>
        %dma_wait3A_268 = arith.constant 0 : i32
        %dma_wait3A_269 = arith.constant 0 : i32
        %dma_wait3A_270 = tpu.memref_slice %arg9[%dma_wait3A_268, %dma_wait3A_269] : memref<10240x128xf32, #tpu.memory_space<vmem_shared>> -> memref<10240x128xf32, #tpu.memory_space<vmem_shared>>
        tpu.wait_indirect_dma semaphore(%run_scoped3A_250 : memref<!tpu.dma_semaphore, #tpu.memory_space<semaphore_mem>>) src(%dma_wait3A_264 : memref<128x128xf32, #tpu.memory_space<vmem>>) dst(%dma_wait3A_270 : memref<10240x128xf32, #tpu.memory_space<vmem_shared>>)
        tpu.yield
      }) : () -> ()
      %dma_start3A_79 = arith.constant 2 : i32
      %dma_start3A_80 = arith.constant 0 : i32
      %dma_start3A_81 = arith.constant 0 : i32
      %dma_start3A_82 = arith.constant 0 : i32
      %dma_start3A_83 = tpu.memref_slice %arg8[%dma_start3A_80, %dma_start3A_81, %dma_start3A_82] : memref<2x128x128xf32, #tpu.memory_space<vmem>> -> memref<1x128x128xf32, #tpu.memory_space<vmem>>
      %dma_start3A_84 = tpu.memref_squeeze %dma_start3A_83 : memref<1x128x128xf32, #tpu.memory_space<vmem>> -> memref<128x128xf32, #tpu.memory_space<vmem>>
      %dma_start3A_85 = arith.constant 0 : i32
      %dma_start3A_86 = tpu.memref_slice %arg6[%dma_start3A_79, %dma_start3A_85] : memref<8x128xi32, #tpu.memory_space<vmem>> -> memref<1x128xi32, #tpu.memory_space<vmem>>
      %dma_start3A_87 = tpu.memref_squeeze %dma_start3A_86 : memref<1x128xi32, #tpu.memory_space<vmem>> -> memref<128xi32, #tpu.memory_space<vmem>>
      %dma_start3A_88 = arith.constant 0 : i32
      %dma_start3A_89 = arith.constant 0 : i32
      %dma_start3A_90 = tpu.memref_slice %arg2[%dma_start3A_88, %dma_start3A_89] : memref<10240x128xf32, #tpu.memory_space<hbm>> -> memref<10240x128xf32, #tpu.memory_space<hbm>>
      tpu.enqueue_indirect_dma source(%dma_start3A_90 : memref<10240x128xf32, #tpu.memory_space<hbm>>) target(%dma_start3A_84 : memref<128x128xf32, #tpu.memory_space<vmem>>) offsets(%dma_start3A_87 : memref<128xi32, #tpu.memory_space<vmem>>) semaphore(%arg10 : memref<!tpu.dma_semaphore, #tpu.memory_space<semaphore_mem>>)
      %dma_wait3A_91 = arith.constant 1 : i32
      %dma_wait3A_92 = arith.constant 1 : i32
      %dma_wait3A_93 = arith.constant 0 : i32
      %dma_wait3A_94 = arith.constant 0 : i32
      %dma_wait3A_95 = tpu.memref_slice %arg8[%dma_wait3A_92, %dma_wait3A_93, %dma_wait3A_94] : memref<2x128x128xf32, #tpu.memory_space<vmem>> -> memref<1x128x128xf32, #tpu.memory_space<vmem>>
      %dma_wait3A_96 = tpu.memref_squeeze %dma_wait3A_95 : memref<1x128x128xf32, #tpu.memory_space<vmem>> -> memref<128x128xf32, #tpu.memory_space<vmem>>
      %dma_wait3A_97 = arith.constant 0 : i32
      %dma_wait3A_98 = tpu.memref_slice %arg6[%dma_wait3A_91, %dma_wait3A_97] : memref<8x128xi32, #tpu.memory_space<vmem>> -> memref<1x128xi32, #tpu.memory_space<vmem>>
      %dma_wait3A_99 = tpu.memref_squeeze %dma_wait3A_98 : memref<1x128xi32, #tpu.memory_space<vmem>> -> memref<128xi32, #tpu.memory_space<vmem>>
      %dma_wait3A_100 = arith.constant 0 : i32
      %dma_wait3A_101 = arith.constant 0 : i32
      %dma_wait3A_102 = tpu.memref_slice %arg2[%dma_wait3A_100, %dma_wait3A_101] : memref<10240x128xf32, #tpu.memory_space<hbm>> -> memref<10240x128xf32, #tpu.memory_space<hbm>>
      tpu.wait_indirect_dma semaphore(%arg11 : memref<!tpu.dma_semaphore, #tpu.memory_space<semaphore_mem>>) src(%dma_wait3A_102 : memref<10240x128xf32, #tpu.memory_space<hbm>>) dst(%dma_wait3A_96 : memref<128x128xf32, #tpu.memory_space<vmem>>)
      %run_scoped3A_103 = arith.constant 1 : i32
      %run_scoped3A_104 = arith.constant 1 : i32
      "tpu.region"() ({
        %run_scoped3A_250 = tpu.sem_alloc : memref<!tpu.dma_semaphore, #tpu.memory_space<semaphore_mem>>
        %dma_start3A_251 = arith.constant 0 : i32
        %dma_start3A_252 = arith.constant 0 : i32
        %dma_start3A_253 = tpu.memref_slice %arg8[%run_scoped3A_103, %dma_start3A_251, %dma_start3A_252] : memref<2x128x128xf32, #tpu.memory_space<vmem>> -> memref<1x128x128xf32, #tpu.memory_space<vmem>>
        %dma_start3A_254 = tpu.memref_squeeze %dma_start3A_253 : memref<1x128x128xf32, #tpu.memory_space<vmem>> -> memref<128x128xf32, #tpu.memory_space<vmem>>
        %dma_start3A_255 = arith.constant 0 : i32
        %dma_start3A_256 = tpu.memref_slice %arg7[%run_scoped3A_104, %dma_start3A_255] : memref<8x128xi32, #tpu.memory_space<vmem>> -> memref<1x128xi32, #tpu.memory_space<vmem>>
        %dma_start3A_257 = tpu.memref_squeeze %dma_start3A_256 : memref<1x128xi32, #tpu.memory_space<vmem>> -> memref<128xi32, #tpu.memory_space<vmem>>
        %dma_start3A_258 = arith.constant 0 : i32
        %dma_start3A_259 = arith.constant 0 : i32
        %dma_start3A_260 = tpu.memref_slice %arg9[%dma_start3A_258, %dma_start3A_259] : memref<10240x128xf32, #tpu.memory_space<vmem_shared>> -> memref<10240x128xf32, #tpu.memory_space<vmem_shared>>
        tpu.enqueue_indirect_dma source(%dma_start3A_254 : memref<128x128xf32, #tpu.memory_space<vmem>>) target(%dma_start3A_260 : memref<10240x128xf32, #tpu.memory_space<vmem_shared>>) offsets(%dma_start3A_257 : memref<128xi32, #tpu.memory_space<vmem>>) semaphore(%run_scoped3A_250 : memref<!tpu.dma_semaphore, #tpu.memory_space<semaphore_mem>>) {add = true}
        %dma_wait3A_261 = arith.constant 0 : i32
        %dma_wait3A_262 = arith.constant 0 : i32
        %dma_wait3A_263 = tpu.memref_slice %arg8[%run_scoped3A_103, %dma_wait3A_261, %dma_wait3A_262] : memref<2x128x128xf32, #tpu.memory_space<vmem>> -> memref<1x128x128xf32, #tpu.memory_space<vmem>>
        %dma_wait3A_264 = tpu.memref_squeeze %dma_wait3A_263 : memref<1x128x128xf32, #tpu.memory_space<vmem>> -> memref<128x128xf32, #tpu.memory_space<vmem>>
        %dma_wait3A_265 = arith.constant 0 : i32
        %dma_wait3A_266 = tpu.memref_slice %arg7[%run_scoped3A_104, %dma_wait3A_265] : memref<8x128xi32, #tpu.memory_space<vmem>> -> memref<1x128xi32, #tpu.memory_space<vmem>>
        %dma_wait3A_267 = tpu.memref_squeeze %dma_wait3A_266 : memref<1x128xi32, #tpu.memory_space<vmem>> -> memref<128xi32, #tpu.memory_space<vmem>>
        %dma_wait3A_268 = arith.constant 0 : i32
        %dma_wait3A_269 = arith.constant 0 : i32
        %dma_wait3A_270 = tpu.memref_slice %arg9[%dma_wait3A_268, %dma_wait3A_269] : memref<10240x128xf32, #tpu.memory_space<vmem_shared>> -> memref<10240x128xf32, #tpu.memory_space<vmem_shared>>
        tpu.wait_indirect_dma semaphore(%run_scoped3A_250 : memref<!tpu.dma_semaphore, #tpu.memory_space<semaphore_mem>>) src(%dma_wait3A_264 : memref<128x128xf32, #tpu.memory_space<vmem>>) dst(%dma_wait3A_270 : memref<10240x128xf32, #tpu.memory_space<vmem_shared>>)
        tpu.yield
      }) : () -> ()
      %dma_start3A_105 = arith.constant 3 : i32
      %dma_start3A_106 = arith.constant 1 : i32
      %dma_start3A_107 = arith.constant 0 : i32
      %dma_start3A_108 = arith.constant 0 : i32
      %dma_start3A_109 = tpu.memref_slice %arg8[%dma_start3A_106, %dma_start3A_107, %dma_start3A_108] : memref<2x128x128xf32, #tpu.memory_space<vmem>> -> memref<1x128x128xf32, #tpu.memory_space<vmem>>
      %dma_start3A_110 = tpu.memref_squeeze %dma_start3A_109 : memref<1x128x128xf32, #tpu.memory_space<vmem>> -> memref<128x128xf32, #tpu.memory_space<vmem>>
      %dma_start3A_111 = arith.constant 0 : i32
      %dma_start3A_112 = tpu.memref_slice %arg6[%dma_start3A_105, %dma_start3A_111] : memref<8x128xi32, #tpu.memory_space<vmem>> -> memref<1x128xi32, #tpu.memory_space<vmem>>
      %dma_start3A_113 = tpu.memref_squeeze %dma_start3A_112 : memref<1x128xi32, #tpu.memory_space<vmem>> -> memref<128xi32, #tpu.memory_space<vmem>>
      %dma_start3A_114 = arith.constant 0 : i32
      %dma_start3A_115 = arith.constant 0 : i32
      %dma_start3A_116 = tpu.memref_slice %arg2[%dma_start3A_114, %dma_start3A_115] : memref<10240x128xf32, #tpu.memory_space<hbm>> -> memref<10240x128xf32, #tpu.memory_space<hbm>>
      tpu.enqueue_indirect_dma source(%dma_start3A_116 : memref<10240x128xf32, #tpu.memory_space<hbm>>) target(%dma_start3A_110 : memref<128x128xf32, #tpu.memory_space<vmem>>) offsets(%dma_start3A_113 : memref<128xi32, #tpu.memory_space<vmem>>) semaphore(%arg11 : memref<!tpu.dma_semaphore, #tpu.memory_space<semaphore_mem>>)
      %dma_wait3A_117 = arith.constant 2 : i32
      %dma_wait3A_118 = arith.constant 0 : i32
      %dma_wait3A_119 = arith.constant 0 : i32
      %dma_wait3A_120 = arith.constant 0 : i32
      %dma_wait3A_121 = tpu.memref_slice %arg8[%dma_wait3A_118, %dma_wait3A_119, %dma_wait3A_120] : memref<2x128x128xf32, #tpu.memory_space<vmem>> -> memref<1x128x128xf32, #tpu.memory_space<vmem>>
      %dma_wait3A_122 = tpu.memref_squeeze %dma_wait3A_121 : memref<1x128x128xf32, #tpu.memory_space<vmem>> -> memref<128x128xf32, #tpu.memory_space<vmem>>
      %dma_wait3A_123 = arith.constant 0 : i32
      %dma_wait3A_124 = tpu.memref_slice %arg6[%dma_wait3A_117, %dma_wait3A_123] : memref<8x128xi32, #tpu.memory_space<vmem>> -> memref<1x128xi32, #tpu.memory_space<vmem>>
      %dma_wait3A_125 = tpu.memref_squeeze %dma_wait3A_124 : memref<1x128xi32, #tpu.memory_space<vmem>> -> memref<128xi32, #tpu.memory_space<vmem>>
      %dma_wait3A_126 = arith.constant 0 : i32
      %dma_wait3A_127 = arith.constant 0 : i32
      %dma_wait3A_128 = tpu.memref_slice %arg2[%dma_wait3A_126, %dma_wait3A_127] : memref<10240x128xf32, #tpu.memory_space<hbm>> -> memref<10240x128xf32, #tpu.memory_space<hbm>>
      tpu.wait_indirect_dma semaphore(%arg10 : memref<!tpu.dma_semaphore, #tpu.memory_space<semaphore_mem>>) src(%dma_wait3A_128 : memref<10240x128xf32, #tpu.memory_space<hbm>>) dst(%dma_wait3A_122 : memref<128x128xf32, #tpu.memory_space<vmem>>)
      %run_scoped3A_129 = arith.constant 0 : i32
      %run_scoped3A_130 = arith.constant 2 : i32
      "tpu.region"() ({
        %run_scoped3A_250 = tpu.sem_alloc : memref<!tpu.dma_semaphore, #tpu.memory_space<semaphore_mem>>
        %dma_start3A_251 = arith.constant 0 : i32
        %dma_start3A_252 = arith.constant 0 : i32
        %dma_start3A_253 = tpu.memref_slice %arg8[%run_scoped3A_129, %dma_start3A_251, %dma_start3A_252] : memref<2x128x128xf32, #tpu.memory_space<vmem>> -> memref<1x128x128xf32, #tpu.memory_space<vmem>>
        %dma_start3A_254 = tpu.memref_squeeze %dma_start3A_253 : memref<1x128x128xf32, #tpu.memory_space<vmem>> -> memref<128x128xf32, #tpu.memory_space<vmem>>
        %dma_start3A_255 = arith.constant 0 : i32
        %dma_start3A_256 = tpu.memref_slice %arg7[%run_scoped3A_130, %dma_start3A_255] : memref<8x128xi32, #tpu.memory_space<vmem>> -> memref<1x128xi32, #tpu.memory_space<vmem>>
        %dma_start3A_257 = tpu.memref_squeeze %dma_start3A_256 : memref<1x128xi32, #tpu.memory_space<vmem>> -> memref<128xi32, #tpu.memory_space<vmem>>
        %dma_start3A_258 = arith.constant 0 : i32
        %dma_start3A_259 = arith.constant 0 : i32
        %dma_start3A_260 = tpu.memref_slice %arg9[%dma_start3A_258, %dma_start3A_259] : memref<10240x128xf32, #tpu.memory_space<vmem_shared>> -> memref<10240x128xf32, #tpu.memory_space<vmem_shared>>
        tpu.enqueue_indirect_dma source(%dma_start3A_254 : memref<128x128xf32, #tpu.memory_space<vmem>>) target(%dma_start3A_260 : memref<10240x128xf32, #tpu.memory_space<vmem_shared>>) offsets(%dma_start3A_257 : memref<128xi32, #tpu.memory_space<vmem>>) semaphore(%run_scoped3A_250 : memref<!tpu.dma_semaphore, #tpu.memory_space<semaphore_mem>>) {add = true}
        %dma_wait3A_261 = arith.constant 0 : i32
        %dma_wait3A_262 = arith.constant 0 : i32
        %dma_wait3A_263 = tpu.memref_slice %arg8[%run_scoped3A_129, %dma_wait3A_261, %dma_wait3A_262] : memref<2x128x128xf32, #tpu.memory_space<vmem>> -> memref<1x128x128xf32, #tpu.memory_space<vmem>>
        %dma_wait3A_264 = tpu.memref_squeeze %dma_wait3A_263 : memref<1x128x128xf32, #tpu.memory_space<vmem>> -> memref<128x128xf32, #tpu.memory_space<vmem>>
        %dma_wait3A_265 = arith.constant 0 : i32
        %dma_wait3A_266 = tpu.memref_slice %arg7[%run_scoped3A_130, %dma_wait3A_265] : memref<8x128xi32, #tpu.memory_space<vmem>> -> memref<1x128xi32, #tpu.memory_space<vmem>>
        %dma_wait3A_267 = tpu.memref_squeeze %dma_wait3A_266 : memref<1x128xi32, #tpu.memory_space<vmem>> -> memref<128xi32, #tpu.memory_space<vmem>>
        %dma_wait3A_268 = arith.constant 0 : i32
        %dma_wait3A_269 = arith.constant 0 : i32
        %dma_wait3A_270 = tpu.memref_slice %arg9[%dma_wait3A_268, %dma_wait3A_269] : memref<10240x128xf32, #tpu.memory_space<vmem_shared>> -> memref<10240x128xf32, #tpu.memory_space<vmem_shared>>
        tpu.wait_indirect_dma semaphore(%run_scoped3A_250 : memref<!tpu.dma_semaphore, #tpu.memory_space<semaphore_mem>>) src(%dma_wait3A_264 : memref<128x128xf32, #tpu.memory_space<vmem>>) dst(%dma_wait3A_270 : memref<10240x128xf32, #tpu.memory_space<vmem_shared>>)
        tpu.yield
      }) : () -> ()
      %dma_start3A_131 = arith.constant 4 : i32
      %dma_start3A_132 = arith.constant 0 : i32
      %dma_start3A_133 = arith.constant 0 : i32
      %dma_start3A_134 = arith.constant 0 : i32
      %dma_start3A_135 = tpu.memref_slice %arg8[%dma_start3A_132, %dma_start3A_133, %dma_start3A_134] : memref<2x128x128xf32, #tpu.memory_space<vmem>> -> memref<1x128x128xf32, #tpu.memory_space<vmem>>
      %dma_start3A_136 = tpu.memref_squeeze %dma_start3A_135 : memref<1x128x128xf32, #tpu.memory_space<vmem>> -> memref<128x128xf32, #tpu.memory_space<vmem>>
      %dma_start3A_137 = arith.constant 0 : i32
      %dma_start3A_138 = tpu.memref_slice %arg6[%dma_start3A_131, %dma_start3A_137] : memref<8x128xi32, #tpu.memory_space<vmem>> -> memref<1x128xi32, #tpu.memory_space<vmem>>
      %dma_start3A_139 = tpu.memref_squeeze %dma_start3A_138 : memref<1x128xi32, #tpu.memory_space<vmem>> -> memref<128xi32, #tpu.memory_space<vmem>>
      %dma_start3A_140 = arith.constant 0 : i32
      %dma_start3A_141 = arith.constant 0 : i32
      %dma_start3A_142 = tpu.memref_slice %arg2[%dma_start3A_140, %dma_start3A_141] : memref<10240x128xf32, #tpu.memory_space<hbm>> -> memref<10240x128xf32, #tpu.memory_space<hbm>>
      tpu.enqueue_indirect_dma source(%dma_start3A_142 : memref<10240x128xf32, #tpu.memory_space<hbm>>) target(%dma_start3A_136 : memref<128x128xf32, #tpu.memory_space<vmem>>) offsets(%dma_start3A_139 : memref<128xi32, #tpu.memory_space<vmem>>) semaphore(%arg10 : memref<!tpu.dma_semaphore, #tpu.memory_space<semaphore_mem>>)
      %dma_wait3A_143 = arith.constant 3 : i32
      %dma_wait3A_144 = arith.constant 1 : i32
      %dma_wait3A_145 = arith.constant 0 : i32
      %dma_wait3A_146 = arith.constant 0 : i32
      %dma_wait3A_147 = tpu.memref_slice %arg8[%dma_wait3A_144, %dma_wait3A_145, %dma_wait3A_146] : memref<2x128x128xf32, #tpu.memory_space<vmem>> -> memref<1x128x128xf32, #tpu.memory_space<vmem>>
      %dma_wait3A_148 = tpu.memref_squeeze %dma_wait3A_147 : memref<1x128x128xf32, #tpu.memory_space<vmem>> -> memref<128x128xf32, #tpu.memory_space<vmem>>
      %dma_wait3A_149 = arith.constant 0 : i32
      %dma_wait3A_150 = tpu.memref_slice %arg6[%dma_wait3A_143, %dma_wait3A_149] : memref<8x128xi32, #tpu.memory_space<vmem>> -> memref<1x128xi32, #tpu.memory_space<vmem>>
      %dma_wait3A_151 = tpu.memref_squeeze %dma_wait3A_150 : memref<1x128xi32, #tpu.memory_space<vmem>> -> memref<128xi32, #tpu.memory_space<vmem>>
      %dma_wait3A_152 = arith.constant 0 : i32
      %dma_wait3A_153 = arith.constant 0 : i32
      %dma_wait3A_154 = tpu.memref_slice %arg2[%dma_wait3A_152, %dma_wait3A_153] : memref<10240x128xf32, #tpu.memory_space<hbm>> -> memref<10240x128xf32, #tpu.memory_space<hbm>>
      tpu.wait_indirect_dma semaphore(%arg11 : memref<!tpu.dma_semaphore, #tpu.memory_space<semaphore_mem>>) src(%dma_wait3A_154 : memref<10240x128xf32, #tpu.memory_space<hbm>>) dst(%dma_wait3A_148 : memref<128x128xf32, #tpu.memory_space<vmem>>)
      %run_scoped3A_155 = arith.constant 1 : i32
      %run_scoped3A_156 = arith.constant 3 : i32
      "tpu.region"() ({
        %run_scoped3A_250 = tpu.sem_alloc : memref<!tpu.dma_semaphore, #tpu.memory_space<semaphore_mem>>
        %dma_start3A_251 = arith.constant 0 : i32
        %dma_start3A_252 = arith.constant 0 : i32
        %dma_start3A_253 = tpu.memref_slice %arg8[%run_scoped3A_155, %dma_start3A_251, %dma_start3A_252] : memref<2x128x128xf32, #tpu.memory_space<vmem>> -> memref<1x128x128xf32, #tpu.memory_space<vmem>>
        %dma_start3A_254 = tpu.memref_squeeze %dma_start3A_253 : memref<1x128x128xf32, #tpu.memory_space<vmem>> -> memref<128x128xf32, #tpu.memory_space<vmem>>
        %dma_start3A_255 = arith.constant 0 : i32
        %dma_start3A_256 = tpu.memref_slice %arg7[%run_scoped3A_156, %dma_start3A_255] : memref<8x128xi32, #tpu.memory_space<vmem>> -> memref<1x128xi32, #tpu.memory_space<vmem>>
        %dma_start3A_257 = tpu.memref_squeeze %dma_start3A_256 : memref<1x128xi32, #tpu.memory_space<vmem>> -> memref<128xi32, #tpu.memory_space<vmem>>
        %dma_start3A_258 = arith.constant 0 : i32
        %dma_start3A_259 = arith.constant 0 : i32
        %dma_start3A_260 = tpu.memref_slice %arg9[%dma_start3A_258, %dma_start3A_259] : memref<10240x128xf32, #tpu.memory_space<vmem_shared>> -> memref<10240x128xf32, #tpu.memory_space<vmem_shared>>
        tpu.enqueue_indirect_dma source(%dma_start3A_254 : memref<128x128xf32, #tpu.memory_space<vmem>>) target(%dma_start3A_260 : memref<10240x128xf32, #tpu.memory_space<vmem_shared>>) offsets(%dma_start3A_257 : memref<128xi32, #tpu.memory_space<vmem>>) semaphore(%run_scoped3A_250 : memref<!tpu.dma_semaphore, #tpu.memory_space<semaphore_mem>>) {add = true}
        %dma_wait3A_261 = arith.constant 0 : i32
        %dma_wait3A_262 = arith.constant 0 : i32
        %dma_wait3A_263 = tpu.memref_slice %arg8[%run_scoped3A_155, %dma_wait3A_261, %dma_wait3A_262] : memref<2x128x128xf32, #tpu.memory_space<vmem>> -> memref<1x128x128xf32, #tpu.memory_space<vmem>>
        %dma_wait3A_264 = tpu.memref_squeeze %dma_wait3A_263 : memref<1x128x128xf32, #tpu.memory_space<vmem>> -> memref<128x128xf32, #tpu.memory_space<vmem>>
        %dma_wait3A_265 = arith.constant 0 : i32
        %dma_wait3A_266 = tpu.memref_slice %arg7[%run_scoped3A_156, %dma_wait3A_265] : memref<8x128xi32, #tpu.memory_space<vmem>> -> memref<1x128xi32, #tpu.memory_space<vmem>>
        %dma_wait3A_267 = tpu.memref_squeeze %dma_wait3A_266 : memref<1x128xi32, #tpu.memory_space<vmem>> -> memref<128xi32, #tpu.memory_space<vmem>>
        %dma_wait3A_268 = arith.constant 0 : i32
        %dma_wait3A_269 = arith.constant 0 : i32
        %dma_wait3A_270 = tpu.memref_slice %arg9[%dma_wait3A_268, %dma_wait3A_269] : memref<10240x128xf32, #tpu.memory_space<vmem_shared>> -> memref<10240x128xf32, #tpu.memory_space<vmem_shared>>
        tpu.wait_indirect_dma semaphore(%run_scoped3A_250 : memref<!tpu.dma_semaphore, #tpu.memory_space<semaphore_mem>>) src(%dma_wait3A_264 : memref<128x128xf32, #tpu.memory_space<vmem>>) dst(%dma_wait3A_270 : memref<10240x128xf32, #tpu.memory_space<vmem_shared>>)
        tpu.yield
      }) : () -> ()
      %dma_start3A_157 = arith.constant 5 : i32
      %dma_start3A_158 = arith.constant 1 : i32
      %dma_start3A_159 = arith.constant 0 : i32
      %dma_start3A_160 = arith.constant 0 : i32
      %dma_start3A_161 = tpu.memref_slice %arg8[%dma_start3A_158, %dma_start3A_159, %dma_start3A_160] : memref<2x128x128xf32, #tpu.memory_space<vmem>> -> memref<1x128x128xf32, #tpu.memory_space<vmem>>
      %dma_start3A_162 = tpu.memref_squeeze %dma_start3A_161 : memref<1x128x128xf32, #tpu.memory_space<vmem>> -> memref<128x128xf32, #tpu.memory_space<vmem>>
      %dma_start3A_163 = arith.constant 0 : i32
      %dma_start3A_164 = tpu.memref_slice %arg6[%dma_start3A_157, %dma_start3A_163] : memref<8x128xi32, #tpu.memory_space<vmem>> -> memref<1x128xi32, #tpu.memory_space<vmem>>
      %dma_start3A_165 = tpu.memref_squeeze %dma_start3A_164 : memref<1x128xi32, #tpu.memory_space<vmem>> -> memref<128xi32, #tpu.memory_space<vmem>>
      %dma_start3A_166 = arith.constant 0 : i32
      %dma_start3A_167 = arith.constant 0 : i32
      %dma_start3A_168 = tpu.memref_slice %arg2[%dma_start3A_166, %dma_start3A_167] : memref<10240x128xf32, #tpu.memory_space<hbm>> -> memref<10240x128xf32, #tpu.memory_space<hbm>>
      tpu.enqueue_indirect_dma source(%dma_start3A_168 : memref<10240x128xf32, #tpu.memory_space<hbm>>) target(%dma_start3A_162 : memref<128x128xf32, #tpu.memory_space<vmem>>) offsets(%dma_start3A_165 : memref<128xi32, #tpu.memory_space<vmem>>) semaphore(%arg11 : memref<!tpu.dma_semaphore, #tpu.memory_space<semaphore_mem>>)
      %dma_wait3A_169 = arith.constant 4 : i32
      %dma_wait3A_170 = arith.constant 0 : i32
      %dma_wait3A_171 = arith.constant 0 : i32
      %dma_wait3A_172 = arith.constant 0 : i32
      %dma_wait3A_173 = tpu.memref_slice %arg8[%dma_wait3A_170, %dma_wait3A_171, %dma_wait3A_172] : memref<2x128x128xf32, #tpu.memory_space<vmem>> -> memref<1x128x128xf32, #tpu.memory_space<vmem>>
      %dma_wait3A_174 = tpu.memref_squeeze %dma_wait3A_173 : memref<1x128x128xf32, #tpu.memory_space<vmem>> -> memref<128x128xf32, #tpu.memory_space<vmem>>
      %dma_wait3A_175 = arith.constant 0 : i32
      %dma_wait3A_176 = tpu.memref_slice %arg6[%dma_wait3A_169, %dma_wait3A_175] : memref<8x128xi32, #tpu.memory_space<vmem>> -> memref<1x128xi32, #tpu.memory_space<vmem>>
      %dma_wait3A_177 = tpu.memref_squeeze %dma_wait3A_176 : memref<1x128xi32, #tpu.memory_space<vmem>> -> memref<128xi32, #tpu.memory_space<vmem>>
      %dma_wait3A_178 = arith.constant 0 : i32
      %dma_wait3A_179 = arith.constant 0 : i32
      %dma_wait3A_180 = tpu.memref_slice %arg2[%dma_wait3A_178, %dma_wait3A_179] : memref<10240x128xf32, #tpu.memory_space<hbm>> -> memref<10240x128xf32, #tpu.memory_space<hbm>>
      tpu.wait_indirect_dma semaphore(%arg10 : memref<!tpu.dma_semaphore, #tpu.memory_space<semaphore_mem>>) src(%dma_wait3A_180 : memref<10240x128xf32, #tpu.memory_space<hbm>>) dst(%dma_wait3A_174 : memref<128x128xf32, #tpu.memory_space<vmem>>)
      %run_scoped3A_181 = arith.constant 0 : i32
      %run_scoped3A_182 = arith.constant 4 : i32
      "tpu.region"() ({
        %run_scoped3A_250 = tpu.sem_alloc : memref<!tpu.dma_semaphore, #tpu.memory_space<semaphore_mem>>
        %dma_start3A_251 = arith.constant 0 : i32
        %dma_start3A_252 = arith.constant 0 : i32
        %dma_start3A_253 = tpu.memref_slice %arg8[%run_scoped3A_181, %dma_start3A_251, %dma_start3A_252] : memref<2x128x128xf32, #tpu.memory_space<vmem>> -> memref<1x128x128xf32, #tpu.memory_space<vmem>>
        %dma_start3A_254 = tpu.memref_squeeze %dma_start3A_253 : memref<1x128x128xf32, #tpu.memory_space<vmem>> -> memref<128x128xf32, #tpu.memory_space<vmem>>
        %dma_start3A_255 = arith.constant 0 : i32
        %dma_start3A_256 = tpu.memref_slice %arg7[%run_scoped3A_182, %dma_start3A_255] : memref<8x128xi32, #tpu.memory_space<vmem>> -> memref<1x128xi32, #tpu.memory_space<vmem>>
        %dma_start3A_257 = tpu.memref_squeeze %dma_start3A_256 : memref<1x128xi32, #tpu.memory_space<vmem>> -> memref<128xi32, #tpu.memory_space<vmem>>
        %dma_start3A_258 = arith.constant 0 : i32
        %dma_start3A_259 = arith.constant 0 : i32
        %dma_start3A_260 = tpu.memref_slice %arg9[%dma_start3A_258, %dma_start3A_259] : memref<10240x128xf32, #tpu.memory_space<vmem_shared>> -> memref<10240x128xf32, #tpu.memory_space<vmem_shared>>
        tpu.enqueue_indirect_dma source(%dma_start3A_254 : memref<128x128xf32, #tpu.memory_space<vmem>>) target(%dma_start3A_260 : memref<10240x128xf32, #tpu.memory_space<vmem_shared>>) offsets(%dma_start3A_257 : memref<128xi32, #tpu.memory_space<vmem>>) semaphore(%run_scoped3A_250 : memref<!tpu.dma_semaphore, #tpu.memory_space<semaphore_mem>>) {add = true}
        %dma_wait3A_261 = arith.constant 0 : i32
        %dma_wait3A_262 = arith.constant 0 : i32
        %dma_wait3A_263 = tpu.memref_slice %arg8[%run_scoped3A_181, %dma_wait3A_261, %dma_wait3A_262] : memref<2x128x128xf32, #tpu.memory_space<vmem>> -> memref<1x128x128xf32, #tpu.memory_space<vmem>>
        %dma_wait3A_264 = tpu.memref_squeeze %dma_wait3A_263 : memref<1x128x128xf32, #tpu.memory_space<vmem>> -> memref<128x128xf32, #tpu.memory_space<vmem>>
        %dma_wait3A_265 = arith.constant 0 : i32
        %dma_wait3A_266 = tpu.memref_slice %arg7[%run_scoped3A_182, %dma_wait3A_265] : memref<8x128xi32, #tpu.memory_space<vmem>> -> memref<1x128xi32, #tpu.memory_space<vmem>>
        %dma_wait3A_267 = tpu.memref_squeeze %dma_wait3A_266 : memref<1x128xi32, #tpu.memory_space<vmem>> -> memref<128xi32, #tpu.memory_space<vmem>>
        %dma_wait3A_268 = arith.constant 0 : i32
        %dma_wait3A_269 = arith.constant 0 : i32
        %dma_wait3A_270 = tpu.memref_slice %arg9[%dma_wait3A_268, %dma_wait3A_269] : memref<10240x128xf32, #tpu.memory_space<vmem_shared>> -> memref<10240x128xf32, #tpu.memory_space<vmem_shared>>
        tpu.wait_indirect_dma semaphore(%run_scoped3A_250 : memref<!tpu.dma_semaphore, #tpu.memory_space<semaphore_mem>>) src(%dma_wait3A_264 : memref<128x128xf32, #tpu.memory_space<vmem>>) dst(%dma_wait3A_270 : memref<10240x128xf32, #tpu.memory_space<vmem_shared>>)
        tpu.yield
      }) : () -> ()
      %dma_start3A_183 = arith.constant 6 : i32
      %dma_start3A_184 = arith.constant 0 : i32
      %dma_start3A_185 = arith.constant 0 : i32
      %dma_start3A_186 = arith.constant 0 : i32
      %dma_start3A_187 = tpu.memref_slice %arg8[%dma_start3A_184, %dma_start3A_185, %dma_start3A_186] : memref<2x128x128xf32, #tpu.memory_space<vmem>> -> memref<1x128x128xf32, #tpu.memory_space<vmem>>
      %dma_start3A_188 = tpu.memref_squeeze %dma_start3A_187 : memref<1x128x128xf32, #tpu.memory_space<vmem>> -> memref<128x128xf32, #tpu.memory_space<vmem>>
      %dma_start3A_189 = arith.constant 0 : i32
      %dma_start3A_190 = tpu.memref_slice %arg6[%dma_start3A_183, %dma_start3A_189] : memref<8x128xi32, #tpu.memory_space<vmem>> -> memref<1x128xi32, #tpu.memory_space<vmem>>
      %dma_start3A_191 = tpu.memref_squeeze %dma_start3A_190 : memref<1x128xi32, #tpu.memory_space<vmem>> -> memref<128xi32, #tpu.memory_space<vmem>>
      %dma_start3A_192 = arith.constant 0 : i32
      %dma_start3A_193 = arith.constant 0 : i32
      %dma_start3A_194 = tpu.memref_slice %arg2[%dma_start3A_192, %dma_start3A_193] : memref<10240x128xf32, #tpu.memory_space<hbm>> -> memref<10240x128xf32, #tpu.memory_space<hbm>>
      tpu.enqueue_indirect_dma source(%dma_start3A_194 : memref<10240x128xf32, #tpu.memory_space<hbm>>) target(%dma_start3A_188 : memref<128x128xf32, #tpu.memory_space<vmem>>) offsets(%dma_start3A_191 : memref<128xi32, #tpu.memory_space<vmem>>) semaphore(%arg10 : memref<!tpu.dma_semaphore, #tpu.memory_space<semaphore_mem>>)
      %dma_wait3A_195 = arith.constant 5 : i32
      %dma_wait3A_196 = arith.constant 1 : i32
      %dma_wait3A_197 = arith.constant 0 : i32
      %dma_wait3A_198 = arith.constant 0 : i32
      %dma_wait3A_199 = tpu.memref_slice %arg8[%dma_wait3A_196, %dma_wait3A_197, %dma_wait3A_198] : memref<2x128x128xf32, #tpu.memory_space<vmem>> -> memref<1x128x128xf32, #tpu.memory_space<vmem>>
      %dma_wait3A_200 = tpu.memref_squeeze %dma_wait3A_199 : memref<1x128x128xf32, #tpu.memory_space<vmem>> -> memref<128x128xf32, #tpu.memory_space<vmem>>
      %dma_wait3A_201 = arith.constant 0 : i32
      %dma_wait3A_202 = tpu.memref_slice %arg6[%dma_wait3A_195, %dma_wait3A_201] : memref<8x128xi32, #tpu.memory_space<vmem>> -> memref<1x128xi32, #tpu.memory_space<vmem>>
      %dma_wait3A_203 = tpu.memref_squeeze %dma_wait3A_202 : memref<1x128xi32, #tpu.memory_space<vmem>> -> memref<128xi32, #tpu.memory_space<vmem>>
      %dma_wait3A_204 = arith.constant 0 : i32
      %dma_wait3A_205 = arith.constant 0 : i32
      %dma_wait3A_206 = tpu.memref_slice %arg2[%dma_wait3A_204, %dma_wait3A_205] : memref<10240x128xf32, #tpu.memory_space<hbm>> -> memref<10240x128xf32, #tpu.memory_space<hbm>>
      tpu.wait_indirect_dma semaphore(%arg11 : memref<!tpu.dma_semaphore, #tpu.memory_space<semaphore_mem>>) src(%dma_wait3A_206 : memref<10240x128xf32, #tpu.memory_space<hbm>>) dst(%dma_wait3A_200 : memref<128x128xf32, #tpu.memory_space<vmem>>)
      %run_scoped3A_207 = arith.constant 1 : i32
      %run_scoped3A_208 = arith.constant 5 : i32
      "tpu.region"() ({
        %run_scoped3A_250 = tpu.sem_alloc : memref<!tpu.dma_semaphore, #tpu.memory_space<semaphore_mem>>
        %dma_start3A_251 = arith.constant 0 : i32
        %dma_start3A_252 = arith.constant 0 : i32
        %dma_start3A_253 = tpu.memref_slice %arg8[%run_scoped3A_207, %dma_start3A_251, %dma_start3A_252] : memref<2x128x128xf32, #tpu.memory_space<vmem>> -> memref<1x128x128xf32, #tpu.memory_space<vmem>>
        %dma_start3A_254 = tpu.memref_squeeze %dma_start3A_253 : memref<1x128x128xf32, #tpu.memory_space<vmem>> -> memref<128x128xf32, #tpu.memory_space<vmem>>
        %dma_start3A_255 = arith.constant 0 : i32
        %dma_start3A_256 = tpu.memref_slice %arg7[%run_scoped3A_208, %dma_start3A_255] : memref<8x128xi32, #tpu.memory_space<vmem>> -> memref<1x128xi32, #tpu.memory_space<vmem>>
        %dma_start3A_257 = tpu.memref_squeeze %dma_start3A_256 : memref<1x128xi32, #tpu.memory_space<vmem>> -> memref<128xi32, #tpu.memory_space<vmem>>
        %dma_start3A_258 = arith.constant 0 : i32
        %dma_start3A_259 = arith.constant 0 : i32
        %dma_start3A_260 = tpu.memref_slice %arg9[%dma_start3A_258, %dma_start3A_259] : memref<10240x128xf32, #tpu.memory_space<vmem_shared>> -> memref<10240x128xf32, #tpu.memory_space<vmem_shared>>
        tpu.enqueue_indirect_dma source(%dma_start3A_254 : memref<128x128xf32, #tpu.memory_space<vmem>>) target(%dma_start3A_260 : memref<10240x128xf32, #tpu.memory_space<vmem_shared>>) offsets(%dma_start3A_257 : memref<128xi32, #tpu.memory_space<vmem>>) semaphore(%run_scoped3A_250 : memref<!tpu.dma_semaphore, #tpu.memory_space<semaphore_mem>>) {add = true}
        %dma_wait3A_261 = arith.constant 0 : i32
        %dma_wait3A_262 = arith.constant 0 : i32
        %dma_wait3A_263 = tpu.memref_slice %arg8[%run_scoped3A_207, %dma_wait3A_261, %dma_wait3A_262] : memref<2x128x128xf32, #tpu.memory_space<vmem>> -> memref<1x128x128xf32, #tpu.memory_space<vmem>>
        %dma_wait3A_264 = tpu.memref_squeeze %dma_wait3A_263 : memref<1x128x128xf32, #tpu.memory_space<vmem>> -> memref<128x128xf32, #tpu.memory_space<vmem>>
        %dma_wait3A_265 = arith.constant 0 : i32
        %dma_wait3A_266 = tpu.memref_slice %arg7[%run_scoped3A_208, %dma_wait3A_265] : memref<8x128xi32, #tpu.memory_space<vmem>> -> memref<1x128xi32, #tpu.memory_space<vmem>>
        %dma_wait3A_267 = tpu.memref_squeeze %dma_wait3A_266 : memref<1x128xi32, #tpu.memory_space<vmem>> -> memref<128xi32, #tpu.memory_space<vmem>>
        %dma_wait3A_268 = arith.constant 0 : i32
        %dma_wait3A_269 = arith.constant 0 : i32
        %dma_wait3A_270 = tpu.memref_slice %arg9[%dma_wait3A_268, %dma_wait3A_269] : memref<10240x128xf32, #tpu.memory_space<vmem_shared>> -> memref<10240x128xf32, #tpu.memory_space<vmem_shared>>
        tpu.wait_indirect_dma semaphore(%run_scoped3A_250 : memref<!tpu.dma_semaphore, #tpu.memory_space<semaphore_mem>>) src(%dma_wait3A_264 : memref<128x128xf32, #tpu.memory_space<vmem>>) dst(%dma_wait3A_270 : memref<10240x128xf32, #tpu.memory_space<vmem_shared>>)
        tpu.yield
      }) : () -> ()
      %dma_start3A_209 = arith.constant 7 : i32
      %dma_start3A_210 = arith.constant 1 : i32
      %dma_start3A_211 = arith.constant 0 : i32
      %dma_start3A_212 = arith.constant 0 : i32
      %dma_start3A_213 = tpu.memref_slice %arg8[%dma_start3A_210, %dma_start3A_211, %dma_start3A_212] : memref<2x128x128xf32, #tpu.memory_space<vmem>> -> memref<1x128x128xf32, #tpu.memory_space<vmem>>
      %dma_start3A_214 = tpu.memref_squeeze %dma_start3A_213 : memref<1x128x128xf32, #tpu.memory_space<vmem>> -> memref<128x128xf32, #tpu.memory_space<vmem>>
      %dma_start3A_215 = arith.constant 0 : i32
      %dma_start3A_216 = tpu.memref_slice %arg6[%dma_start3A_209, %dma_start3A_215] : memref<8x128xi32, #tpu.memory_space<vmem>> -> memref<1x128xi32, #tpu.memory_space<vmem>>
      %dma_start3A_217 = tpu.memref_squeeze %dma_start3A_216 : memref<1x128xi32, #tpu.memory_space<vmem>> -> memref<128xi32, #tpu.memory_space<vmem>>
      %dma_start3A_218 = arith.constant 0 : i32
      %dma_start3A_219 = arith.constant 0 : i32
      %dma_start3A_220 = tpu.memref_slice %arg2[%dma_start3A_218, %dma_start3A_219] : memref<10240x128xf32, #tpu.memory_space<hbm>> -> memref<10240x128xf32, #tpu.memory_space<hbm>>
      tpu.enqueue_indirect_dma source(%dma_start3A_220 : memref<10240x128xf32, #tpu.memory_space<hbm>>) target(%dma_start3A_214 : memref<128x128xf32, #tpu.memory_space<vmem>>) offsets(%dma_start3A_217 : memref<128xi32, #tpu.memory_space<vmem>>) semaphore(%arg11 : memref<!tpu.dma_semaphore, #tpu.memory_space<semaphore_mem>>)
      %dma_wait3A_221 = arith.constant 6 : i32
      %dma_wait3A_222 = arith.constant 0 : i32
      %dma_wait3A_223 = arith.constant 0 : i32
      %dma_wait3A_224 = arith.constant 0 : i32
      %dma_wait3A_225 = tpu.memref_slice %arg8[%dma_wait3A_222, %dma_wait3A_223, %dma_wait3A_224] : memref<2x128x128xf32, #tpu.memory_space<vmem>> -> memref<1x128x128xf32, #tpu.memory_space<vmem>>
      %dma_wait3A_226 = tpu.memref_squeeze %dma_wait3A_225 : memref<1x128x128xf32, #tpu.memory_space<vmem>> -> memref<128x128xf32, #tpu.memory_space<vmem>>
      %dma_wait3A_227 = arith.constant 0 : i32
      %dma_wait3A_228 = tpu.memref_slice %arg6[%dma_wait3A_221, %dma_wait3A_227] : memref<8x128xi32, #tpu.memory_space<vmem>> -> memref<1x128xi32, #tpu.memory_space<vmem>>
      %dma_wait3A_229 = tpu.memref_squeeze %dma_wait3A_228 : memref<1x128xi32, #tpu.memory_space<vmem>> -> memref<128xi32, #tpu.memory_space<vmem>>
      %dma_wait3A_230 = arith.constant 0 : i32
      %dma_wait3A_231 = arith.constant 0 : i32
      %dma_wait3A_232 = tpu.memref_slice %arg2[%dma_wait3A_230, %dma_wait3A_231] : memref<10240x128xf32, #tpu.memory_space<hbm>> -> memref<10240x128xf32, #tpu.memory_space<hbm>>
      tpu.wait_indirect_dma semaphore(%arg10 : memref<!tpu.dma_semaphore, #tpu.memory_space<semaphore_mem>>) src(%dma_wait3A_232 : memref<10240x128xf32, #tpu.memory_space<hbm>>) dst(%dma_wait3A_226 : memref<128x128xf32, #tpu.memory_space<vmem>>)
      %run_scoped3A_233 = arith.constant 0 : i32
      %run_scoped3A_234 = arith.constant 6 : i32
      "tpu.region"() ({
        %run_scoped3A_250 = tpu.sem_alloc : memref<!tpu.dma_semaphore, #tpu.memory_space<semaphore_mem>>
        %dma_start3A_251 = arith.constant 0 : i32
        %dma_start3A_252 = arith.constant 0 : i32
        %dma_start3A_253 = tpu.memref_slice %arg8[%run_scoped3A_233, %dma_start3A_251, %dma_start3A_252] : memref<2x128x128xf32, #tpu.memory_space<vmem>> -> memref<1x128x128xf32, #tpu.memory_space<vmem>>
        %dma_start3A_254 = tpu.memref_squeeze %dma_start3A_253 : memref<1x128x128xf32, #tpu.memory_space<vmem>> -> memref<128x128xf32, #tpu.memory_space<vmem>>
        %dma_start3A_255 = arith.constant 0 : i32
        %dma_start3A_256 = tpu.memref_slice %arg7[%run_scoped3A_234, %dma_start3A_255] : memref<8x128xi32, #tpu.memory_space<vmem>> -> memref<1x128xi32, #tpu.memory_space<vmem>>
        %dma_start3A_257 = tpu.memref_squeeze %dma_start3A_256 : memref<1x128xi32, #tpu.memory_space<vmem>> -> memref<128xi32, #tpu.memory_space<vmem>>
        %dma_start3A_258 = arith.constant 0 : i32
        %dma_start3A_259 = arith.constant 0 : i32
        %dma_start3A_260 = tpu.memref_slice %arg9[%dma_start3A_258, %dma_start3A_259] : memref<10240x128xf32, #tpu.memory_space<vmem_shared>> -> memref<10240x128xf32, #tpu.memory_space<vmem_shared>>
        tpu.enqueue_indirect_dma source(%dma_start3A_254 : memref<128x128xf32, #tpu.memory_space<vmem>>) target(%dma_start3A_260 : memref<10240x128xf32, #tpu.memory_space<vmem_shared>>) offsets(%dma_start3A_257 : memref<128xi32, #tpu.memory_space<vmem>>) semaphore(%run_scoped3A_250 : memref<!tpu.dma_semaphore, #tpu.memory_space<semaphore_mem>>) {add = true}
        %dma_wait3A_261 = arith.constant 0 : i32
        %dma_wait3A_262 = arith.constant 0 : i32
        %dma_wait3A_263 = tpu.memref_slice %arg8[%run_scoped3A_233, %dma_wait3A_261, %dma_wait3A_262] : memref<2x128x128xf32, #tpu.memory_space<vmem>> -> memref<1x128x128xf32, #tpu.memory_space<vmem>>
        %dma_wait3A_264 = tpu.memref_squeeze %dma_wait3A_263 : memref<1x128x128xf32, #tpu.memory_space<vmem>> -> memref<128x128xf32, #tpu.memory_space<vmem>>
        %dma_wait3A_265 = arith.constant 0 : i32
        %dma_wait3A_266 = tpu.memref_slice %arg7[%run_scoped3A_234, %dma_wait3A_265] : memref<8x128xi32, #tpu.memory_space<vmem>> -> memref<1x128xi32, #tpu.memory_space<vmem>>
        %dma_wait3A_267 = tpu.memref_squeeze %dma_wait3A_266 : memref<1x128xi32, #tpu.memory_space<vmem>> -> memref<128xi32, #tpu.memory_space<vmem>>
        %dma_wait3A_268 = arith.constant 0 : i32
        %dma_wait3A_269 = arith.constant 0 : i32
        %dma_wait3A_270 = tpu.memref_slice %arg9[%dma_wait3A_268, %dma_wait3A_269] : memref<10240x128xf32, #tpu.memory_space<vmem_shared>> -> memref<10240x128xf32, #tpu.memory_space<vmem_shared>>
        tpu.wait_indirect_dma semaphore(%run_scoped3A_250 : memref<!tpu.dma_semaphore, #tpu.memory_space<semaphore_mem>>) src(%dma_wait3A_264 : memref<128x128xf32, #tpu.memory_space<vmem>>) dst(%dma_wait3A_270 : memref<10240x128xf32, #tpu.memory_space<vmem_shared>>)
        tpu.yield
      }) : () -> ()
      %dma_wait3A_235 = arith.constant 7 : i32
      %dma_wait3A_236 = arith.constant 1 : i32
      %dma_wait3A_237 = arith.constant 0 : i32
      %dma_wait3A_238 = arith.constant 0 : i32
      %dma_wait3A_239 = tpu.memref_slice %arg8[%dma_wait3A_236, %dma_wait3A_237, %dma_wait3A_238] : memref<2x128x128xf32, #tpu.memory_space<vmem>> -> memref<1x128x128xf32, #tpu.memory_space<vmem>>
      %dma_wait3A_240 = tpu.memref_squeeze %dma_wait3A_239 : memref<1x128x128xf32, #tpu.memory_space<vmem>> -> memref<128x128xf32, #tpu.memory_space<vmem>>
      %dma_wait3A_241 = arith.constant 0 : i32
      %dma_wait3A_242 = tpu.memref_slice %arg6[%dma_wait3A_235, %dma_wait3A_241] : memref<8x128xi32, #tpu.memory_space<vmem>> -> memref<1x128xi32, #tpu.memory_space<vmem>>
      %dma_wait3A_243 = tpu.memref_squeeze %dma_wait3A_242 : memref<1x128xi32, #tpu.memory_space<vmem>> -> memref<128xi32, #tpu.memory_space<vmem>>
      %dma_wait3A_244 = arith.constant 0 : i32
      %dma_wait3A_245 = arith.constant 0 : i32
      %dma_wait3A_246 = tpu.memref_slice %arg2[%dma_wait3A_244, %dma_wait3A_245] : memref<10240x128xf32, #tpu.memory_space<hbm>> -> memref<10240x128xf32, #tpu.memory_space<hbm>>
      tpu.wait_indirect_dma semaphore(%arg11 : memref<!tpu.dma_semaphore, #tpu.memory_space<semaphore_mem>>) src(%dma_wait3A_246 : memref<10240x128xf32, #tpu.memory_space<hbm>>) dst(%dma_wait3A_240 : memref<128x128xf32, #tpu.memory_space<vmem>>)
      %run_scoped3A_247 = arith.constant 1 : i32
      %run_scoped3A_248 = arith.constant 7 : i32
      "tpu.region"() ({
        %run_scoped3A_250 = tpu.sem_alloc : memref<!tpu.dma_semaphore, #tpu.memory_space<semaphore_mem>>
        %dma_start3A_251 = arith.constant 0 : i32
        %dma_start3A_252 = arith.constant 0 : i32
        %dma_start3A_253 = tpu.memref_slice %arg8[%run_scoped3A_247, %dma_start3A_251, %dma_start3A_252] : memref<2x128x128xf32, #tpu.memory_space<vmem>> -> memref<1x128x128xf32, #tpu.memory_space<vmem>>
        %dma_start3A_254 = tpu.memref_squeeze %dma_start3A_253 : memref<1x128x128xf32, #tpu.memory_space<vmem>> -> memref<128x128xf32, #tpu.memory_space<vmem>>
        %dma_start3A_255 = arith.constant 0 : i32
        %dma_start3A_256 = tpu.memref_slice %arg7[%run_scoped3A_248, %dma_start3A_255] : memref<8x128xi32, #tpu.memory_space<vmem>> -> memref<1x128xi32, #tpu.memory_space<vmem>>
        %dma_start3A_257 = tpu.memref_squeeze %dma_start3A_256 : memref<1x128xi32, #tpu.memory_space<vmem>> -> memref<128xi32, #tpu.memory_space<vmem>>
        %dma_start3A_258 = arith.constant 0 : i32
        %dma_start3A_259 = arith.constant 0 : i32
        %dma_start3A_260 = tpu.memref_slice %arg9[%dma_start3A_258, %dma_start3A_259] : memref<10240x128xf32, #tpu.memory_space<vmem_shared>> -> memref<10240x128xf32, #tpu.memory_space<vmem_shared>>
        tpu.enqueue_indirect_dma source(%dma_start3A_254 : memref<128x128xf32, #tpu.memory_space<vmem>>) target(%dma_start3A_260 : memref<10240x128xf32, #tpu.memory_space<vmem_shared>>) offsets(%dma_start3A_257 : memref<128xi32, #tpu.memory_space<vmem>>) semaphore(%run_scoped3A_250 : memref<!tpu.dma_semaphore, #tpu.memory_space<semaphore_mem>>) {add = true}
        %dma_wait3A_261 = arith.constant 0 : i32
        %dma_wait3A_262 = arith.constant 0 : i32
        %dma_wait3A_263 = tpu.memref_slice %arg8[%run_scoped3A_247, %dma_wait3A_261, %dma_wait3A_262] : memref<2x128x128xf32, #tpu.memory_space<vmem>> -> memref<1x128x128xf32, #tpu.memory_space<vmem>>
        %dma_wait3A_264 = tpu.memref_squeeze %dma_wait3A_263 : memref<1x128x128xf32, #tpu.memory_space<vmem>> -> memref<128x128xf32, #tpu.memory_space<vmem>>
        %dma_wait3A_265 = arith.constant 0 : i32
        %dma_wait3A_266 = tpu.memref_slice %arg7[%run_scoped3A_248, %dma_wait3A_265] : memref<8x128xi32, #tpu.memory_space<vmem>> -> memref<1x128xi32, #tpu.memory_space<vmem>>
        %dma_wait3A_267 = tpu.memref_squeeze %dma_wait3A_266 : memref<1x128xi32, #tpu.memory_space<vmem>> -> memref<128xi32, #tpu.memory_space<vmem>>
        %dma_wait3A_268 = arith.constant 0 : i32
        %dma_wait3A_269 = arith.constant 0 : i32
        %dma_wait3A_270 = tpu.memref_slice %arg9[%dma_wait3A_268, %dma_wait3A_269] : memref<10240x128xf32, #tpu.memory_space<vmem_shared>> -> memref<10240x128xf32, #tpu.memory_space<vmem_shared>>
        tpu.wait_indirect_dma semaphore(%run_scoped3A_250 : memref<!tpu.dma_semaphore, #tpu.memory_space<semaphore_mem>>) src(%dma_wait3A_264 : memref<128x128xf32, #tpu.memory_space<vmem>>) dst(%dma_wait3A_270 : memref<10240x128xf32, #tpu.memory_space<vmem_shared>>)
        tpu.yield
      }) : () -> ()
      %scan3A_249 = arith.constant 0 : i32
      scf.yield %scan3A_249 : i32
    }
    %scan3A_29 = arith.constant 10 : i32
    %barrier3A_30 = arith.constant 0 : index
    tpu.barrier barrier_id(%barrier3A_30)
    "tpu.region"() ({
      %run_scoped3A_31 = tpu.sem_alloc : memref<!tpu.dma_semaphore, #tpu.memory_space<semaphore_mem>>
      %dma_start3A = arith.constant 0 : i32
      %dma_start3A_32 = tpu.memref_slice %arg5[%arg0, %mul3A_6, %dma_start3A] : memref<2x10240x128xf32, #tpu.memory_space<hbm>> -> memref<1x640x128xf32, #tpu.memory_space<hbm>>
      %dma_start3A_33 = tpu.memref_squeeze %dma_start3A_32 : memref<1x640x128xf32, #tpu.memory_space<hbm>> -> memref<640x128xf32, #tpu.memory_space<hbm>>
      %dma_start3A_34 = arith.constant 0 : i32
      %dma_start3A_35 = tpu.memref_slice %arg9[%mul3A_6, %dma_start3A_34] : memref<10240x128xf32, #tpu.memory_space<vmem_shared>> -> memref<640x128xf32, #tpu.memory_space<vmem_shared>>
      tpu.enqueue_dma source(%dma_start3A_35 : memref<640x128xf32, #tpu.memory_space<vmem_shared>>) target(%dma_start3A_33 : memref<640x128xf32, #tpu.memory_space<hbm>>) target_semaphore(%run_scoped3A_31 : memref<!tpu.dma_semaphore, #tpu.memory_space<semaphore_mem>>)
      %dma_wait3A = arith.constant 0 : i32
      %dma_wait3A_36 = tpu.memref_slice %arg5[%arg0, %mul3A_6, %dma_wait3A] : memref<2x10240x128xf32, #tpu.memory_space<hbm>> -> memref<1x640x128xf32, #tpu.memory_space<hbm>>
      %dma_wait3A_37 = tpu.memref_squeeze %dma_wait3A_36 : memref<1x640x128xf32, #tpu.memory_space<hbm>> -> memref<640x128xf32, #tpu.memory_space<hbm>>
      %dma_wait3A_38 = arith.constant 0 : i32
      %dma_wait3A_39 = tpu.memref_slice %arg9[%mul3A_6, %dma_wait3A_38] : memref<10240x128xf32, #tpu.memory_space<vmem_shared>> -> memref<640x128xf32, #tpu.memory_space<vmem_shared>>
      tpu.wait_dma2 semaphore(%run_scoped3A_31 : memref<!tpu.dma_semaphore, #tpu.memory_space<semaphore_mem>>) src(%dma_wait3A_39 : memref<640x128xf32, #tpu.memory_space<vmem_shared>>) dst(%dma_wait3A_37 : memref<640x128xf32, #tpu.memory_space<hbm>>)
      tpu.yield
    }) : () -> ()
    return
  }
}

module attributes {stable_mosaic.version = 14 : i64} {
  func.func @_tc1_body(%arg0: i32, %arg1: memref<1024x128xf32, #tpu.memory_space<vmem>>, %arg2: memref<128x128xf32, #tpu.memory_space<vmem>>, %arg3: memref<32x2x1024xf32, #tpu.memory_space<vmem>>, %arg4: memref<1024x128xf32, #tpu.memory_space<vmem>>, %arg5: memref<1024xf32, #tpu.memory_space<vmem>>, %arg6: memref<1024xf32, #tpu.memory_space<vmem>>) attributes {dimension_semantics = [#tpu.dimension_semantics<arbitrary>], iteration_bounds = array<i64: 10>, scalar_prefetch = 0 : i64, scratch_operands = 0 : i64, tpu.core_type = #tpu.core_type<tc>, window_params = [{transform_indices = @transform_0, window_bounds = array<i64: 1024, 128>}, {pipeline_mode = #tpu.pipeline_mode<synchronous>, transform_indices = @transform_1, window_bounds = array<i64: 128, 128>}, {transform_indices = @transform_2, window_bounds = array<i64: 32, 2, 1024>}, {transform_indices = @transform_3, window_bounds = array<i64: 1024, 128>}, {transform_indices = @transform_4, window_bounds = array<i64: 1024>}, {transform_indices = @transform_5, window_bounds = array<i64: 1024>}]} {
    %get3A = arith.constant 0 : index
    %get3A_0 = arith.constant 0 : index
    %get3A_1 = arith.constant 0 : index
    %get3A_2 = vector.load %arg3[%get3A, %get3A_0, %get3A_1] : memref<32x2x1024xf32, #tpu.memory_space<vmem>>, vector<32x1x1024xf32>
    %get3A_3 = vector.shape_cast %get3A_2 : vector<32x1x1024xf32> to vector<32x1024xf32>
    %reduce_sum3A = arith.constant dense<0.000000e+00> : vector<1024xf32>
    %reduce_sum3A_4 = vector.multi_reduction <add>, %get3A_3, %reduce_sum3A [0] : vector<32x1024xf32> to vector<1024xf32>
    %get3A_5 = arith.constant 0 : index
    %get3A_6 = arith.constant 1 : index
    %get3A_7 = arith.constant 0 : index
    %get3A_8 = vector.load %arg3[%get3A_5, %get3A_6, %get3A_7] : memref<32x2x1024xf32, #tpu.memory_space<vmem>>, vector<32x1x1024xf32>
    %get3A_9 = vector.shape_cast %get3A_8 : vector<32x1x1024xf32> to vector<32x1024xf32>
    %reduce_sum3A_10 = arith.constant dense<0.000000e+00> : vector<1024xf32>
    %reduce_sum3A_11 = vector.multi_reduction <add>, %get3A_9, %reduce_sum3A_10 [0] : vector<32x1024xf32> to vector<1024xf32>
    %max3A = arith.constant 1.000000e+00 : f32
    %max3A_12 = vector.broadcast %max3A : f32 to vector<1024xf32>
    %max3A_13 = arith.maximumf %reduce_sum3A_4, %max3A_12 : vector<1024xf32>
    %rsqrt3A = math.rsqrt %max3A_13 : vector<1024xf32>
    %max3A_14 = arith.constant 1.000000e+00 : f32
    %max3A_15 = vector.broadcast %max3A_14 : f32 to vector<1024xf32>
    %max3A_16 = arith.maximumf %reduce_sum3A_11, %max3A_15 : vector<1024xf32>
    %rsqrt3A_17 = math.rsqrt %max3A_16 : vector<1024xf32>
    %swap3A = arith.constant 0 : index
    %swap3A_18 = vector.load %arg5[%swap3A] : memref<1024xf32, #tpu.memory_space<vmem>>, vector<1024xf32>
    tpu.vector_store %arg5[%swap3A], %rsqrt3A {strides = array<i32>} : memref<1024xf32, #tpu.memory_space<vmem>>, vector<1024xf32>,
    %swap3A_19 = arith.constant 0 : index
    %swap3A_20 = vector.load %arg6[%swap3A_19] : memref<1024xf32, #tpu.memory_space<vmem>>, vector<1024xf32>
    tpu.vector_store %arg6[%swap3A_19], %rsqrt3A_17 {strides = array<i32>} : memref<1024xf32, #tpu.memory_space<vmem>>, vector<1024xf32>,
    %get3A_21 = arith.constant 0 : index
    %get3A_22 = arith.constant 0 : index
    %get3A_23 = vector.load %arg1[%get3A_21, %get3A_22] : memref<1024x128xf32, #tpu.memory_space<vmem>>, vector<1024x128xf32>
    %get3A_24 = arith.constant 0 : index
    %get3A_25 = arith.constant 0 : index
    %get3A_26 = vector.load %arg2[%get3A_24, %get3A_25] : memref<128x128xf32, #tpu.memory_space<vmem>>, vector<128x128xf32>
    %dot_general3A = arith.constant dense<0.000000e+00> : vector<1024x128xf32>
    %dot_general3A_27 = tpu.matmul %get3A_23, %get3A_26, %dot_general3A {dimension_numbers = #tpu.dot_dimension_numbers<[1], [0], [0], [1], [0, 0, 1, 1], [], []>, transpose_lhs_hint = false} : vector<1024x128xf32>, vector<128x128xf32>, vector<1024x128xf32> -> vector<1024x128xf32>
    %broadcast_in_dim3A = vector.shape_cast %rsqrt3A : vector<1024xf32> to vector<1024x1xf32>
    %mul3A = vector.broadcast %broadcast_in_dim3A : vector<1024x1xf32> to vector<1024x128xf32>
    %mul3A_28 = arith.mulf %dot_general3A_27, %mul3A : vector<1024x128xf32>
    %swap3A_29 = arith.constant 0 : index
    %swap3A_30 = arith.constant 0 : index
    %swap3A_31 = vector.load %arg4[%swap3A_29, %swap3A_30] : memref<1024x128xf32, #tpu.memory_space<vmem>>, vector<1024x128xf32>
    tpu.vector_store %arg4[%swap3A_29, %swap3A_30], %mul3A_28 {strides = array<i32>} : memref<1024x128xf32, #tpu.memory_space<vmem>>, vector<1024x128xf32>,
    return
  }
  func.func @transform_0(%arg0: i32) -> (i32, i32) {
    %c0_i32 = arith.constant 0 : i32
    %c0_i32_0 = arith.constant 0 : i32
    return %arg0, %c0_i32 : i32, i32
  }
  func.func @transform_1(%arg0: i32) -> (i32, i32) {
    %c0_i32 = arith.constant 0 : i32
    %c0_i32_0 = arith.constant 0 : i32
    %c0_i32_1 = arith.constant 0 : i32
    return %c0_i32, %c0_i32_0 : i32, i32
  }
  func.func @transform_2(%arg0: i32) -> (i32, i32, i32) {
    %c0_i32 = arith.constant 0 : i32
    %c0_i32_0 = arith.constant 0 : i32
    %c0_i32_1 = arith.constant 0 : i32
    return %c0_i32, %c0_i32_0, %arg0 : i32, i32, i32
  }
  func.func @transform_3(%arg0: i32) -> (i32, i32) {
    %c0_i32 = arith.constant 0 : i32
    %c0_i32_0 = arith.constant 0 : i32
    return %arg0, %c0_i32 : i32, i32
  }
  func.func @transform_4(%arg0: i32) -> i32 {
    %c0_i32 = arith.constant 0 : i32
    return %arg0 : i32
  }
  func.func @transform_5(%arg0: i32) -> i32 {
    %c0_i32 = arith.constant 0 : i32
    return %arg0 : i32
  }
}

module attributes {stable_mosaic.version = 14 : i64} {
  func.func @_tc2_body(%arg0: i32, %arg1: memref<2x1024x128xf32, #tpu.memory_space<vmem>>, %arg2: memref<1024xf32, #tpu.memory_space<vmem>>, %arg3: memref<1024xf32, #tpu.memory_space<vmem>>, %arg4: memref<128xf32, #tpu.memory_space<vmem>>, %arg5: memref<128x128xf32, #tpu.memory_space<vmem>>, %arg6: memref<1024x128xf32, #tpu.memory_space<vmem>>) attributes {dimension_semantics = [#tpu.dimension_semantics<arbitrary>], iteration_bounds = array<i64: 10>, scalar_prefetch = 0 : i64, scratch_operands = 0 : i64, tpu.core_type = #tpu.core_type<tc>, window_params = [{transform_indices = @transform_0, window_bounds = array<i64: 2, 1024, 128>}, {transform_indices = @transform_1, window_bounds = array<i64: 1024>}, {transform_indices = @transform_2, window_bounds = array<i64: 1024>}, {pipeline_mode = #tpu.pipeline_mode<synchronous>, transform_indices = @transform_3, window_bounds = array<i64: 128>}, {pipeline_mode = #tpu.pipeline_mode<synchronous>, transform_indices = @transform_4, window_bounds = array<i64: 128, 128>}, {transform_indices = @transform_5, window_bounds = array<i64: 1024, 128>}]} {
    %get3A = arith.constant 0 : index
    %get3A_0 = arith.constant 0 : index
    %get3A_1 = arith.constant 0 : index
    %get3A_2 = vector.load %arg1[%get3A, %get3A_0, %get3A_1] : memref<2x1024x128xf32, #tpu.memory_space<vmem>>, vector<1x1024x128xf32>
    %get3A_3 = vector.shape_cast %get3A_2 : vector<1x1024x128xf32> to vector<1024x128xf32>
    %get3A_4 = arith.constant 1 : index
    %get3A_5 = arith.constant 0 : index
    %get3A_6 = arith.constant 0 : index
    %get3A_7 = vector.load %arg1[%get3A_4, %get3A_5, %get3A_6] : memref<2x1024x128xf32, #tpu.memory_space<vmem>>, vector<1x1024x128xf32>
    %get3A_8 = vector.shape_cast %get3A_7 : vector<1x1024x128xf32> to vector<1024x128xf32>
    %add3A = arith.addf %get3A_3, %get3A_8 : vector<1024x128xf32>
    %get3A_9 = arith.constant 0 : index
    %get3A_10 = vector.load %arg2[%get3A_9] : memref<1024xf32, #tpu.memory_space<vmem>>, vector<1024xf32>
    %broadcast_in_dim3A = vector.shape_cast %get3A_10 : vector<1024xf32> to vector<1024x1xf32>
    %mul3A = vector.broadcast %broadcast_in_dim3A : vector<1024x1xf32> to vector<1024x128xf32>
    %mul3A_11 = arith.mulf %add3A, %mul3A : vector<1024x128xf32>
    %get3A_12 = arith.constant 0 : index
    %get3A_13 = vector.load %arg4[%get3A_12] : memref<128xf32, #tpu.memory_space<vmem>>, vector<128xf32>
    %broadcast_in_dim3A_14 = vector.shape_cast %get3A_13 : vector<128xf32> to vector<1x128xf32>
    %add3A_15 = vector.broadcast %broadcast_in_dim3A_14 : vector<1x128xf32> to vector<1024x128xf32>
    %add3A_16 = arith.addf %mul3A_11, %add3A_15 : vector<1024x128xf32>
    %max3A = arith.constant 0.000000e+00 : f32
    %max3A_17 = vector.broadcast %max3A : f32 to vector<1024x128xf32>
    %max3A_18 = arith.maximumf %add3A_16, %max3A_17 : vector<1024x128xf32>
    %get3A_19 = arith.constant 0 : index
    %get3A_20 = arith.constant 0 : index
    %get3A_21 = vector.load %arg5[%get3A_19, %get3A_20] : memref<128x128xf32, #tpu.memory_space<vmem>>, vector<128x128xf32>
    %dot_general3A = arith.constant dense<0.000000e+00> : vector<1024x128xf32>
    %dot_general3A_22 = tpu.matmul %max3A_18, %get3A_21, %dot_general3A {dimension_numbers = #tpu.dot_dimension_numbers<[1], [0], [0], [1], [0, 0, 1, 1], [], []>, transpose_lhs_hint = false} : vector<1024x128xf32>, vector<128x128xf32>, vector<1024x128xf32> -> vector<1024x128xf32>
    %get3A_23 = arith.constant 0 : index
    %get3A_24 = vector.load %arg3[%get3A_23] : memref<1024xf32, #tpu.memory_space<vmem>>, vector<1024xf32>
    %broadcast_in_dim3A_25 = vector.shape_cast %get3A_24 : vector<1024xf32> to vector<1024x1xf32>
    %mul3A_26 = vector.broadcast %broadcast_in_dim3A_25 : vector<1024x1xf32> to vector<1024x128xf32>
    %mul3A_27 = arith.mulf %dot_general3A_22, %mul3A_26 : vector<1024x128xf32>
    %mul3A_28 = arith.constant 1024 : i32
    %mul3A_29 = arith.muli %arg0, %mul3A_28 : i32
    %iota3A = tpu.iota {dimensions = array<i32: 0>} : vector<1024x1xi32>
    %add3A_30 = vector.broadcast %mul3A_29 : i32 to vector<1024x1xi32>
    %add3A_31 = arith.addi %add3A_30, %iota3A : vector<1024x1xi32>
    %lt3A = arith.constant 10000 : i32
    %lt3A_32 = vector.broadcast %lt3A : i32 to vector<1024x1xi32>
    %lt3A_33 = arith.cmpi slt, %add3A_31, %lt3A_32 : vector<1024x1xi32>
    %jit3A = arith.constant 0.000000e+00 : f32
    %broadcast_in_dim3A_34 = vector.shape_cast %lt3A_33 : vector<1024x1xi1> to vector<1024x1xi1>
    %broadcast_in_dim3A_35 = vector.broadcast %broadcast_in_dim3A_34 : vector<1024x1xi1> to vector<1024x128xi1>
    %broadcast_in_dim3A_36 = vector.broadcast %jit3A : f32 to vector<1024x128xf32>
    %select_n3A = arith.select %broadcast_in_dim3A_35, %mul3A_27, %broadcast_in_dim3A_36 : vector<1024x128xi1>, vector<1024x128xf32>
    %swap3A = arith.constant 0 : index
    %swap3A_37 = arith.constant 0 : index
    %swap3A_38 = vector.load %arg6[%swap3A, %swap3A_37] : memref<1024x128xf32, #tpu.memory_space<vmem>>, vector<1024x128xf32>
    tpu.vector_store %arg6[%swap3A, %swap3A_37], %select_n3A {strides = array<i32>} : memref<1024x128xf32, #tpu.memory_space<vmem>>, vector<1024x128xf32>,
    return
  }
  func.func @transform_0(%arg0: i32) -> (i32, i32, i32) {
    %c0_i32 = arith.constant 0 : i32
    %c0_i32_0 = arith.constant 0 : i32
    %c0_i32_1 = arith.constant 0 : i32
    return %c0_i32, %arg0, %c0_i32_0 : i32, i32, i32
  }
  func.func @transform_1(%arg0: i32) -> i32 {
    %c0_i32 = arith.constant 0 : i32
    return %arg0 : i32
  }
  func.func @transform_2(%arg0: i32) -> i32 {
    %c0_i32 = arith.constant 0 : i32
    return %arg0 : i32
  }
  func.func @transform_3(%arg0: i32) -> i32 {
    %c0_i32 = arith.constant 0 : i32
    %c0_i32_0 = arith.constant 0 : i32
    return %c0_i32 : i32
  }
  func.func @transform_4(%arg0: i32) -> (i32, i32) {
    %c0_i32 = arith.constant 0 : i32
    %c0_i32_0 = arith.constant 0 : i32
    %c0_i32_1 = arith.constant 0 : i32
    return %c0_i32, %c0_i32_0 : i32, i32
  }
  func.func @transform_5(%arg0: i32) -> (i32, i32) {
    %c0_i32 = arith.constant 0 : i32
    %c0_i32_0 = arith.constant 0 : i32
    return %arg0, %c0_i32 : i32, i32
  }
}

module attributes {stable_mosaic.version = 14 : i64} {
  func.func @_tc3_body(%arg0: i32, %arg1: memref<2x1024x128xf32, #tpu.memory_space<vmem>>, %arg2: memref<1024xf32, #tpu.memory_space<vmem>>, %arg3: memref<128xf32, #tpu.memory_space<vmem>>, %arg4: memref<8x128xf32, #tpu.memory_space<vmem>>) attributes {dimension_semantics = [#tpu.dimension_semantics<arbitrary>], iteration_bounds = array<i64: 10>, scalar_prefetch = 0 : i64, scratch_operands = 0 : i64, tpu.core_type = #tpu.core_type<tc>, window_params = [{transform_indices = @transform_0, window_bounds = array<i64: 2, 1024, 128>}, {transform_indices = @transform_1, window_bounds = array<i64: 1024>}, {pipeline_mode = #tpu.pipeline_mode<synchronous>, transform_indices = @transform_2, window_bounds = array<i64: 128>}, {pipeline_mode = #tpu.pipeline_mode<synchronous>, transform_indices = @transform_3, window_bounds = array<i64: 8, 128>}]} {
    %get3A = arith.constant 0 : index
    %get3A_0 = arith.constant 0 : index
    %get3A_1 = arith.constant 0 : index
    %get3A_2 = vector.load %arg1[%get3A, %get3A_0, %get3A_1] : memref<2x1024x128xf32, #tpu.memory_space<vmem>>, vector<1x1024x128xf32>
    %get3A_3 = vector.shape_cast %get3A_2 : vector<1x1024x128xf32> to vector<1024x128xf32>
    %get3A_4 = arith.constant 1 : index
    %get3A_5 = arith.constant 0 : index
    %get3A_6 = arith.constant 0 : index
    %get3A_7 = vector.load %arg1[%get3A_4, %get3A_5, %get3A_6] : memref<2x1024x128xf32, #tpu.memory_space<vmem>>, vector<1x1024x128xf32>
    %get3A_8 = vector.shape_cast %get3A_7 : vector<1x1024x128xf32> to vector<1024x128xf32>
    %add3A = arith.addf %get3A_3, %get3A_8 : vector<1024x128xf32>
    %get3A_9 = arith.constant 0 : index
    %get3A_10 = vector.load %arg2[%get3A_9] : memref<1024xf32, #tpu.memory_space<vmem>>, vector<1024xf32>
    %broadcast_in_dim3A = vector.shape_cast %get3A_10 : vector<1024xf32> to vector<1024x1xf32>
    %mul3A = vector.broadcast %broadcast_in_dim3A : vector<1024x1xf32> to vector<1024x128xf32>
    %mul3A_11 = arith.mulf %add3A, %mul3A : vector<1024x128xf32>
    %get3A_12 = arith.constant 0 : index
    %get3A_13 = vector.load %arg3[%get3A_12] : memref<128xf32, #tpu.memory_space<vmem>>, vector<128xf32>
    %broadcast_in_dim3A_14 = vector.shape_cast %get3A_13 : vector<128xf32> to vector<1x128xf32>
    %add3A_15 = vector.broadcast %broadcast_in_dim3A_14 : vector<1x128xf32> to vector<1024x128xf32>
    %add3A_16 = arith.addf %mul3A_11, %add3A_15 : vector<1024x128xf32>
    %max3A = arith.constant 0.000000e+00 : f32
    %max3A_17 = vector.broadcast %max3A : f32 to vector<1024x128xf32>
    %max3A_18 = arith.maximumf %add3A_16, %max3A_17 : vector<1024x128xf32>
    %mul3A_19 = arith.constant 1024 : i32
    %mul3A_20 = arith.muli %arg0, %mul3A_19 : i32
    %iota3A = tpu.iota {dimensions = array<i32: 0>} : vector<1024x128xi32>
    %add3A_21 = vector.broadcast %mul3A_20 : i32 to vector<1024x128xi32>
    %add3A_22 = arith.addi %add3A_21, %iota3A : vector<1024x128xi32>
    %ge3A = arith.constant 2 : i32
    %ge3A_23 = vector.broadcast %ge3A : i32 to vector<1024x128xi32>
    %ge3A_24 = arith.cmpi sge, %add3A_22, %ge3A_23 : vector<1024x128xi32>
    %lt3A = arith.constant 10000 : i32
    %lt3A_25 = vector.broadcast %lt3A : i32 to vector<1024x128xi32>
    %lt3A_26 = arith.cmpi slt, %add3A_22, %lt3A_25 : vector<1024x128xi32>
    %and3A = arith.andi %ge3A_24, %lt3A_26 : vector<1024x128xi1>
    %jit3A = arith.constant 0.000000e+00 : f32
    %broadcast_in_dim3A_27 = vector.broadcast %jit3A : f32 to vector<1024x128xf32>
    %select_n3A = arith.select %and3A, %max3A_18, %broadcast_in_dim3A_27 : vector<1024x128xi1>, vector<1024x128xf32>
    %reduce_sum3A = arith.constant dense<0.000000e+00> : vector<128xf32>
    %reduce_sum3A_28 = vector.multi_reduction <add>, %select_n3A, %reduce_sum3A [0] : vector<1024x128xf32> to vector<128xf32>
    %broadcast_in_dim3A_29 = vector.shape_cast %reduce_sum3A_28 : vector<128xf32> to vector<1x128xf32>
    %jit3A_30 = arith.constant 0xFF800000 : f32
    %broadcast_in_dim3A_31 = vector.broadcast %jit3A_30 : f32 to vector<1024x128xf32>
    %select_n3A_32 = arith.select %and3A, %max3A_18, %broadcast_in_dim3A_31 : vector<1024x128xi1>, vector<1024x128xf32>
    %reduce_max3A = arith.constant dense<0xFF800000> : vector<128xf32>
    %reduce_max3A_33 = vector.multi_reduction <maximumf>, %select_n3A_32, %reduce_max3A [0] : vector<1024x128xf32> to vector<128xf32>
    %broadcast_in_dim3A_34 = vector.shape_cast %reduce_max3A_33 : vector<128xf32> to vector<1x128xf32>
    %jit3A_35 = arith.constant 0x7F800000 : f32
    %broadcast_in_dim3A_36 = vector.broadcast %jit3A_35 : f32 to vector<1024x128xf32>
    %select_n3A_37 = arith.select %and3A, %max3A_18, %broadcast_in_dim3A_36 : vector<1024x128xi1>, vector<1024x128xf32>
    %reduce_min3A = arith.constant dense<0x7F800000> : vector<128xf32>
    %reduce_min3A_38 = vector.multi_reduction <minimumf>, %select_n3A_37, %reduce_min3A [0] : vector<1024x128xf32> to vector<128xf32>
    %broadcast_in_dim3A_39 = vector.shape_cast %reduce_min3A_38 : vector<128xf32> to vector<1x128xf32>
    %eq3A = arith.constant 0 : i32
    %eq3A_40 = arith.cmpi eq, %arg0, %eq3A : i32
    %convert_element_type3A = arith.extui %eq3A_40 : i1 to i32
    %cond3A = arith.constant 0 : i32
    %cond3A_41 = arith.cmpi ne, %convert_element_type3A, %cond3A : i32
    scf.if %cond3A_41 {
      %broadcast_in_dim3A_66 = arith.constant 0.000000e+00 : f32
      %broadcast_in_dim3A_67 = vector.broadcast %broadcast_in_dim3A_66 : f32 to vector<8x128xf32>
      %swap3A_68 = arith.constant 0 : index
      %swap3A_69 = arith.constant 0 : index
      %swap3A_70 = vector.load %arg4[%swap3A_68, %swap3A_69] : memref<8x128xf32, #tpu.memory_space<vmem>>, vector<8x128xf32>
      tpu.vector_store %arg4[%swap3A_68, %swap3A_69], %broadcast_in_dim3A_67 {strides = array<i32>} : memref<8x128xf32, #tpu.memory_space<vmem>>, vector<8x128xf32>,
      %slice3A = vector.extract_strided_slice %max3A_18 {offsets = [0, 0], sizes = [2, 128], strides = [1, 1]} : vector<1024x128xf32> to vector<2x128xf32>
      %swap3A_71 = arith.constant 0 : index
      %swap3A_72 = arith.constant 0 : index
      %swap3A_73 = vector.load %arg4[%swap3A_71, %swap3A_72] : memref<8x128xf32, #tpu.memory_space<vmem>>, vector<2x128xf32>
      tpu.vector_store %arg4[%swap3A_71, %swap3A_72], %slice3A {strides = array<i32>} : memref<8x128xf32, #tpu.memory_space<vmem>>, vector<2x128xf32>,
      %broadcast_in_dim3A_74 = arith.constant 0xFF800000 : f32
      %broadcast_in_dim3A_75 = vector.broadcast %broadcast_in_dim3A_74 : f32 to vector<1x128xf32>
      %swap3A_76 = arith.constant 3 : index
      %swap3A_77 = arith.constant 0 : index
      %swap3A_78 = vector.load %arg4[%swap3A_76, %swap3A_77] : memref<8x128xf32, #tpu.memory_space<vmem>>, vector<1x128xf32>
      tpu.vector_store %arg4[%swap3A_76, %swap3A_77], %broadcast_in_dim3A_75 {strides = array<i32>} : memref<8x128xf32, #tpu.memory_space<vmem>>, vector<1x128xf32>,
      %broadcast_in_dim3A_79 = arith.constant 0x7F800000 : f32
      %broadcast_in_dim3A_80 = vector.broadcast %broadcast_in_dim3A_79 : f32 to vector<1x128xf32>
      %swap3A_81 = arith.constant 4 : index
      %swap3A_82 = arith.constant 0 : index
      %swap3A_83 = vector.load %arg4[%swap3A_81, %swap3A_82] : memref<8x128xf32, #tpu.memory_space<vmem>>, vector<1x128xf32>
      tpu.vector_store %arg4[%swap3A_81, %swap3A_82], %broadcast_in_dim3A_80 {strides = array<i32>} : memref<8x128xf32, #tpu.memory_space<vmem>>, vector<1x128xf32>,
    } else {
    }
    %get3A_42 = arith.constant 2 : index
    %get3A_43 = arith.constant 0 : index
    %get3A_44 = vector.load %arg4[%get3A_42, %get3A_43] : memref<8x128xf32, #tpu.memory_space<vmem>>, vector<1x128xf32>
    %add3A_45 = arith.addf %get3A_44, %broadcast_in_dim3A_29 : vector<1x128xf32>
    %swap3A = arith.constant 2 : index
    %swap3A_46 = arith.constant 0 : index
    %swap3A_47 = vector.load %arg4[%swap3A, %swap3A_46] : memref<8x128xf32, #tpu.memory_space<vmem>>, vector<1x128xf32>
    tpu.vector_store %arg4[%swap3A, %swap3A_46], %add3A_45 {strides = array<i32>} : memref<8x128xf32, #tpu.memory_space<vmem>>, vector<1x128xf32>,
    %get3A_48 = arith.constant 3 : index
    %get3A_49 = arith.constant 0 : index
    %get3A_50 = vector.load %arg4[%get3A_48, %get3A_49] : memref<8x128xf32, #tpu.memory_space<vmem>>, vector<1x128xf32>
    %max3A_51 = arith.maximumf %get3A_50, %broadcast_in_dim3A_34 : vector<1x128xf32>
    %swap3A_52 = arith.constant 3 : index
    %swap3A_53 = arith.constant 0 : index
    %swap3A_54 = vector.load %arg4[%swap3A_52, %swap3A_53] : memref<8x128xf32, #tpu.memory_space<vmem>>, vector<1x128xf32>
    tpu.vector_store %arg4[%swap3A_52, %swap3A_53], %max3A_51 {strides = array<i32>} : memref<8x128xf32, #tpu.memory_space<vmem>>, vector<1x128xf32>,
    %get3A_55 = arith.constant 4 : index
    %get3A_56 = arith.constant 0 : index
    %get3A_57 = vector.load %arg4[%get3A_55, %get3A_56] : memref<8x128xf32, #tpu.memory_space<vmem>>, vector<1x128xf32>
    %min3A = arith.minimumf %get3A_57, %broadcast_in_dim3A_39 : vector<1x128xf32>
    %swap3A_58 = arith.constant 4 : index
    %swap3A_59 = arith.constant 0 : index
    %swap3A_60 = vector.load %arg4[%swap3A_58, %swap3A_59] : memref<8x128xf32, #tpu.memory_space<vmem>>, vector<1x128xf32>
    tpu.vector_store %arg4[%swap3A_58, %swap3A_59], %min3A {strides = array<i32>} : memref<8x128xf32, #tpu.memory_space<vmem>>, vector<1x128xf32>,
    %eq3A_61 = arith.constant 9 : i32
    %eq3A_62 = arith.cmpi eq, %arg0, %eq3A_61 : i32
    %convert_element_type3A_63 = arith.extui %eq3A_62 : i1 to i32
    %cond3A_64 = arith.constant 0 : i32
    %cond3A_65 = arith.cmpi ne, %convert_element_type3A_63, %cond3A_64 : i32
    scf.if %cond3A_65 {
      %get3A_66 = arith.constant 2 : index
      %get3A_67 = arith.constant 0 : index
      %get3A_68 = vector.load %arg4[%get3A_66, %get3A_67] : memref<8x128xf32, #tpu.memory_space<vmem>>, vector<1x128xf32>
      %div3A = arith.constant 9.998000e+03 : f32
      %div3A_69 = vector.broadcast %div3A : f32 to vector<1x128xf32>
      %div3A_70 = arith.divf %get3A_68, %div3A_69 : vector<1x128xf32>
      %swap3A_71 = arith.constant 2 : index
      %swap3A_72 = arith.constant 0 : index
      %swap3A_73 = vector.load %arg4[%swap3A_71, %swap3A_72] : memref<8x128xf32, #tpu.memory_space<vmem>>, vector<1x128xf32>
      tpu.vector_store %arg4[%swap3A_71, %swap3A_72], %div3A_70 {strides = array<i32>} : memref<8x128xf32, #tpu.memory_space<vmem>>, vector<1x128xf32>,
    } else {
    }
    return
  }
  func.func @transform_0(%arg0: i32) -> (i32, i32, i32) {
    %c0_i32 = arith.constant 0 : i32
    %c0_i32_0 = arith.constant 0 : i32
    %c0_i32_1 = arith.constant 0 : i32
    return %c0_i32, %arg0, %c0_i32_0 : i32, i32, i32
  }
  func.func @transform_1(%arg0: i32) -> i32 {
    %c0_i32 = arith.constant 0 : i32
    return %arg0 : i32
  }
  func.func @transform_2(%arg0: i32) -> i32 {
    %c0_i32 = arith.constant 0 : i32
    %c0_i32_0 = arith.constant 0 : i32
    return %c0_i32 : i32
  }
  func.func @transform_3(%arg0: i32) -> (i32, i32) {
    %c0_i32 = arith.constant 0 : i32
    %c0_i32_0 = arith.constant 0 : i32
    %c0_i32_1 = arith.constant 0 : i32
    return %c0_i32, %c0_i32_0 : i32, i32
  }
}

</mosaic_0001>

<sc_bundles>
// kernel: kernel.11.cloned.1.call-start
scs
__scs_entry_jumppad:
0x0: {  	(pc) =	sbr.rel $0x88, $3  }
0x1: {  	(tag) =	ssettag $0x0;
	lr =	simm.s32 $0x1  }
0x2: {  	[smem:$0x3F9B] =	sst lr;
	_ =	strace $0xD0000000  }
0x3: {  	_ = 	snop  }
0x4: {  	_ = 	snop  }
0x5: {  	_ = 	snop  }
0x6: {  	_ = 	snop  }
0x7: {  	_ = 	snop  }
__scs_overlays_trampoline_lowered:
0x8: {  	[smem:$0x3FAA] =	sst s0  }
0x9: {  	[smem:$0x3FAB] =	sst s1  }
0xa: {  	[smem:$0x3FAC] =	sst s2  }
0xb: {  	[smem:$0x3FAD] =	sst s3  }
0xc: {  	[smem:$0x3FAE] =	sst s4  }
0xd: {  	[smem:$0x3FAF] =	sst s5  }
0xe: {  	[smem:$0x3FB0] =	sst s6  }
0xf: {  	[smem:$0x3FB1] =	sst s7  }
0x10: {  	[smem:$0x3FB2] =	sst s8  }
0x11: {  	[smem:$0x3FB3] =	sst s9;
	s0 =	simm.s32 @!p0 $0x0  }
0x12: {  	s1 =	sld [smem:$0x3F99];
	s0 =	simm.s32 @p0 $0x1  }
0x13: {  	[smem:$0x3FB4] =	sst s0;
	s0 =	simm.s32 @!p1 $0x0  }
0x14: {  	s2 =	sld [smem:$0x3F98];
	s0 =	simm.s32 @p1 $0x1  }
0x15: {  	[smem:$0x3FB5] =	sst s0;
	s0 =	simm.s32 @!p2 $0x0  }
0x16: {  	s3 =	sld [smem:$0x3FDB];
	s0 =	simm.s32 @p2 $0x1  }
0x17: {  	s4 =	simm.s32 $0x1BF5;
	[smem:$0x3FB7] =	sst s0  }
0x18: {  	s0 =	sld [smem:$0x3F9A];
	_ =	swait.ge [sflag:s4], $0x0  }
0x19: {  	s7 =	sld [smem:$0x3F9B]  }
0x1a: {  	s8 =	sadd.s32 $0xFFFFE003, lr  }
0x1b: {  	s9 =	sadd.s32 $0xFFFFFEF7, lr;
	s5 =	simm.s32 $0xFFFFFFFF;
	p2 =	slt.u32 s8, $0xFFFFF086  }
0x1c: {  	p1 =	slt.u32 s9, $0xF7A;
	s5 =	simm.s32 @!p2 $0x0  }
0x1d: {  	s5 =	simm.s32 @p1 $0x1;
	p0 =	seq.s32 s7, s2  }
0x1e: {  	s7 =	smul.u32 @!p0 $0xF7A, s2;
	p2 =	seq.s32 @!p0 s5, $0x0  }
0x1f: {  	s9 =	smul.u32 $0xF7A, s1;
	s8 =	simm.s32 @!p0 $0x1BF5;
	p2 =	por !p2, p0  }
0x20: {  	[sflag:s8] =	ssyncset.s32 @!p0 $0xFFFFF086;
	s6 =	sadd.s32 @!p0 s3, s7;
	s7 =	simm.s32 @!p0 $0x108  }
0x21: {  	s3 =	sadd.s32 s3, s9;
	s6 =	sadd.s32 @!p0 $0x88, s6;
	s7 =	simm.s32 @p2 $0x1082  }
0x22: {  	[simem:s7], [sflag:s8] =	dma.local @!p0 [hbm:s6], $0xF7A  }
0x23: {  	s9 =	sor.u32 $0xD0000000, s2;
	s6 =	simm.s32 $0x108;
	_ =	swait.ge @!p0 [sflag:s8], $0x0  }
0x24: {  	s3 =	sadd.s32 $0x88, s3;
	s6 =	simm.s32 @!p1 $0x1082;
	[sflag:s4] =	ssyncset.s32 $0xFFFFF086  }
0x25: {  	[simem:s6], [sflag:s4] =	dma.local [hbm:s3], $0xF7A  }
0x26: {  	[smem:$0x3F9B] =	sst s1;
	(tag) =	ssettag s2;
	_ =	strace s9  }
0x27: {  	s1 =	sld [smem:$0x3FAB]  }
0x28: {  	s2 =	sld [smem:$0x3FAC]  }
0x29: {  	s4 =	sld [smem:$0x3FAE]  }
0x2a: {  	p0 =	seq.s32 s5, $0x0;
	s5 =	sld [smem:$0x3FAF]  }
0x2b: {  	s6 =	sld [smem:$0x3FB0]  }
0x2c: {  	s7 =	sld [smem:$0x3FB1]  }
0x2d: {  	s3 =	simm.s32 $0x108;
	s8 =	sld [smem:$0x3FB2]  }
0x2e: {  	s3 =	simm.s32 @!p0 $0x1082;
	s9 =	sld [smem:$0x3FB3]  }
0x2f: {  	lr =	sadd.s32 s0, s3;
	s0 =	sld [smem:$0x3FAA]  }
0x30: {  	s3 =	sld [smem:$0x3FAD]  }
0x31: {  	[smem:$0x3FB6] =	sst s10  }
0x32: {  	s10 =	sld [smem:$0x3FB4];
	_ =	sdelay $0x3  }
0x33: {  	p0 =	seq.s32 s10, $0x1;
	s10 =	sld [smem:$0x3FB6];
	_ =	sdelay $0x3  }
0x34: {  	[smem:$0x3FB6] =	sst s10  }
0x35: {  	s10 =	sld [smem:$0x3FB5];
	_ =	sdelay $0x3  }
0x36: {  	p1 =	seq.s32 s10, $0x1;
	s10 =	sld [smem:$0x3FB6];
	_ =	sdelay $0x3  }
0x37: {  	[smem:$0x3FB6] =	sst s10  }
0x38: {  	s10 =	sld [smem:$0x3FB7]  }
0x39: {  	_ = 	snop;
	(pc) =	sbr.ind lr, $3  }
0x3a: {  	_ = 	snop  }
0x3b: {  	_ = 	snop  }
0x3c: {  	p2 =	seq.s32 s10, $0x1;
	s10 =	sld [smem:$0x3FB6]  }
0x3d: {  	_ =	shalt  }
0x3e: {  	_ =	shalt  }
0x3f: {  	_ =	shalt  }
0x40: {  	_ =	shalt  }
0x41: {  	_ =	shalt  }
0x42: {  	_ =	shalt  }
0x43: {  	_ =	shalt  }
0x44: {  	_ =	shalt  }
0x45: {  	_ =	shalt  }
0x46: {  	_ =	shalt  }
0x47: {  	_ =	shalt  }
0x48: {  	_ =	shalt  }
0x49: {  	_ =	shalt  }
0x4a: {  	_ =	shalt  }
0x4b: {  	_ =	shalt  }
0x4c: {  	_ =	shalt  }
0x4d: {  	_ =	shalt  }
0x4e: {  	_ =	shalt  }
0x4f: {  	_ =	shalt  }
0x50: {  	_ =	shalt  }
0x51: {  	_ =	shalt  }
0x52: {  	_ =	shalt  }
0x53: {  	_ =	shalt  }
0x54: {  	_ =	shalt  }
0x55: {  	_ =	shalt  }
0x56: {  	_ =	shalt  }
0x57: {  	_ =	shalt  }
0x58: {  	_ =	shalt  }
0x59: {  	_ =	shalt  }
0x5a: {  	_ =	shalt  }
0x5b: {  	_ =	shalt  }
0x5c: {  	_ =	shalt  }
0x5d: {  	_ =	shalt  }
0x5e: {  	_ =	shalt  }
0x5f: {  	_ =	shalt  }
0x60: {  	_ =	shalt  }
0x61: {  	_ =	shalt  }
0x62: {  	_ =	shalt  }
0x63: {  	_ =	shalt  }
0x64: {  	_ =	shalt  }
0x65: {  	_ =	shalt  }
0x66: {  	_ =	shalt  }
0x67: {  	_ =	shalt  }
0x68: {  	_ =	shalt  }
0x69: {  	_ =	shalt  }
0x6a: {  	_ =	shalt  }
0x6b: {  	_ =	shalt  }
0x6c: {  	_ =	shalt  }
0x6d: {  	_ =	shalt  }
0x6e: {  	_ =	shalt  }
0x6f: {  	_ =	shalt  }
0x70: {  	_ =	shalt  }
0x71: {  	_ =	shalt  }
0x72: {  	_ =	shalt  }
0x73: {  	_ =	shalt  }
0x74: {  	_ =	shalt  }
0x75: {  	_ =	shalt  }
0x76: {  	_ =	shalt  }
0x77: {  	_ =	shalt  }
0x78: {  	_ =	shalt  }
0x79: {  	_ =	shalt  }
0x7a: {  	_ =	shalt  }
0x7b: {  	_ =	shalt  }
0x7c: {  	_ =	shalt  }
0x7d: {  	_ =	shalt  }
0x7e: {  	_ =	shalt  }
0x7f: {  	_ =	shalt  }
0x80: {  	_ =	shalt  }
0x81: {  	_ =	shalt  }
0x82: {  	_ =	shalt  }
0x83: {  	_ =	shalt  }
0x84: {  	_ =	shalt  }
0x85: {  	_ =	shalt  }
0x86: {  	_ =	shalt  }
0x87: {  	_ =	shalt  }
.Lfunc_end0:
.L_simem_size_0:
called_computation.1_lowered:
.L_overlay_start_0:
0x88: {  	s2 =	sld [smem:$0x3FD9]  }
0x89: {  	s3 =	sld [smem:$0x3FFE];
	_ =	sdelay $0x1  }
0x8a: {  	s1 =	srdreg.scid  }
0x8b: {  	s0 =	sand.u32 $0x1, s1  }
0x8c: {  	s16 =	sshll.u32 s0, $0xA;
	s2 =	sadd.s32 s3, s2  }
0x8d: {  	s2 =	sadd.s32 s2, s16  }
0x8e: {  	[smem:$0x3FC2] =	sst s2  }
0x8f: {  	_ = 	snop  }
0x90: {  	(tm) =	ssettm $0x1  }
0x91: {  	s17 =	sld [smem:$0x3FFB];
	_ =	sdelay $0x3  }
0x92: {  	_ =	strace s17  }
0x93: {  	s2 =	sld [smem:$0x3FFC];
	_ =	sdelay $0x3  }
0x94: {  	_ =	strace s2  }
0x95: {  	s2 =	sld [smem:$0x3FFD];
	_ =	sdelay $0x3  }
0x96: {  	_ =	strace s2  }
0x97: {  	_ =	strace $0x8FFFFFFF  }
0x98: {  	s18 =	sld [smem:$0x3FDB];
	_ =	sdelay $0x1  }
0x99: {  	s19 =	simm.s32 $_scs_section_size  }
0x9a: {  	s4 =	simm.s32 $_size__tile_overlayer_lowered;
	s5 =	simm.s32 $_tile_overlayer_lowered  }
0x9b: {  	s22 =	simm.s32 $0x1BFF;
	s21 =	sshll.u32 s5, $0x1;
	s2 =	sadd.s32 s19, s18  }
0x9c: {  	s6 =	simm.s32 $0x0;
	s20 =	sshll.u32 s4, $0x1;
	s4 =	sadd.s32 s21, s2  }
0x9d: {  	[timem:s6], [sflag:s22] =	dma.local [hbm:s4], s20  }
0x9e: {  	_ =	swait.ge [sflag:s22], s20  }
0x9f: {  	s3 =	ssub.s32 $0x0, s20;
	[sflag:s22] =	ssyncset.done $0x0  }
0xa0: {  	[sflag:s22] =	ssyncadd.s32 s3;
	_ =	sdelay $0x1  }
0xa1: {  	s23 =	simm.s32 $0x1B8B  }
0xa2: {  	_ =	swait.ge [sflag:s23], $0x1  }
0xa3: {  	[sflag:s23] =	ssyncset.done $0x0  }
0xa4: {  	s25 =	simm.s32 $0x1B8E;
	s24 =	sld [smem:$0x3FFE];
	[sflag:s23] =	ssyncadd.s32 $0xFFFFFFFF  }
0xa5: {  	s26 =	simm.s32 $execute0_lowered;
	[smem:$0x3FD2] =	sst s25  }
0xa6: {  	s4 =	sshll.u32 s26, $0x1;
	_ =	strace $0x80000049;
	[dreg:$0x1] =	wrdreg $0xFFFFFFFF  }
0xa7: {  	s28 =	simm.s32 $_size_execute0_lowered;
	s2 =	sadd.s32 s2, s4;
	[dreg:$0x0] =	wrdreg $0x0  }
0xa8: {  	s4 =	sshll.u32 s28, $0x1;
	[dreg:$0x2] =	wrdreg s2  }
0xa9: {  	[dreg:$0x3] =	wrdreg s4  }
0xaa: {  	[dreg:$0x4] =	wrdreg $0xC0  }
0xab: {  	_ =	task [dreg:s6], $0x5FFFF  }
0xac: {  	[dreg:$0x1] =	wrdreg $0xFFFFFFFF  }
0xad: {  	[dreg:$0x0] =	wrdreg $0x60  }
0xae: {  	[dreg:$0x2] =	wrdreg s24  }
0xaf: {  	[dreg:$0x3] =	wrdreg $0x88000  }
0xb0: {  	[dreg:$0x4] =	wrdreg $0x9  }
0xb1: {  	_ =	task.clear_ibuf [dreg:s6], $0x5FFFF;
	_ =	strace $0x90000049  }
0xb2: {  	s29 =	simm.s32 $0x9;
	_ =	strace $0x8000004B  }
0xb3: {  	_ =	swait.ge [sflag:s29], $0x1  }
0xb4: {  	[sflag:s29] =	ssyncadd.s32 $0xFFFFFFFF  }
0xb5: {  	_ =	strace $0x9000004B  }
0xb6: {  	_ =	sfence  }
0xb7: {  	s30 =	sld [smem:$0x0];
	_ =	sdelay $0x2  }
0xb8: {  	s31 =	sshll.u32 s1, $0xD;
	s1 =	sshrl.u32 s1, $0x2  }
0xb9: {  	s3 =	sand.u32 $0x4000, s31;
	s1 =	sadd.s32 s1, s30  }
0xba: {  	s0 =	sor.u32 s3, s0;
	s1 =	sshll.u32 s1, $0x11  }
0xbb: {  	s0 =	sor.u32 s1, s0  }
0xbc: {  	s0 =	sadd.s32 $0x8F2B, s0  }
0xbd: {  	[sflag:s0] =	ssyncadd.remote.s32 $0x1  }
0xbe: {  	_ =	sfence.sel $0xFFFF  }
0xbf: {  	[dreg:$0x0] =	wrdreg $0xFFFFFFFF;
	(pc) =	sbr.abs _section_cstart, $3  }
0xc0: {  	[dreg:$0x1] =	wrdreg $0xFFFFFFFF  }
0xc1: {  	_ =	task.clear_ibuf [dreg:s6], $0x2FFFF;
	_ =	strace $0x9FFFFFFF  }
0xc2: {  	(tm) =	ssettm $0x7FFFFFFF  }
0xc3: {  	_ =	shalt  }
tec
execute0_lowered:
.L_overlay_start_1:
0x0: {  	(tag) =	ssettag $0x1  }
0x1: {  	s0 =	rddreg [dreg:$0x0]  }
0x2: {  	s1 =	rddreg [dreg:$0x1];
	s2 =	srdreg.scid  }
0x3: {  	s3 =	simm.s32 $0x0;
	s8 =	stileid.u32;
	s14 =	simm.s32 $0x800  }
0x4: {  	s15 =	simm.s32 $0x3;
	s16 =	simm.s32 $0x400;
	s17 =	simm.s32 $0x80  }
0x5: {  	s28 =	simm.s32 $0x280;
	s29 =	simm.s32 $0x600;
	s6 =	smul.u32 $0x14000, s8  }
0x6: {  	s30 =	simm.s32 $0x300;
	s31 =	simm.s32 $0x680;
	s7 =	smul.u32 $0xA00, s8  }
0x7: {  	s2 =	sand.u32 $0x1, s2;
	[smem:$0x7FF] =	sst s3;
	s18 =	smul.u32 $0x50000, s8  }
0x8: {  	s4 =	sadd.s32 $0x16200, s0;
	s5 =	smul.u32 $0x140000, s2;
	_ =	strace $0x8000004A  }
0x9: {  	s19 =	ssub.s32 $0x2, s2;
	s2 =	smul.u32 $0x500, s2;
	s7 =	sadd.s32 s7, s0  }
0xa: {  	s20 =	sshrl.u32 s19, $0x1;
	s5 =	sadd.s32 s6, s5;
	s6 =	sshrl.u32 s18, $0x2  }
0xb: {  	s8 =	ssub.s32 s19, s20;
	s25 =	sadd.s32 s2, s7;
	s18 =	simm.s32 $0x4800  }
0xc: {  	s19 =	simm.s32 $0x1;
	s20 =	simm.s32 $0x100;
	s2 =	simm.s32 $0x700  }
0xd: {  	s7 =	simm.s32 $0x0;
	s5 =	sshrl.u32 s5, $0x3;
	s26 =	smax.u32 s8, $0x1  }
0xe: {  	s10 =	sadd.s32 s6, s1;
	s12 =	sadd.s32 $0x2200, s25;
	[dreg:$0x9] =	wrdreg s26  }
0xf: {  	s13 =	sadd.s32 $0xC200, s25;
	s21 =	sadd.s32 $0x4000, s10;
	[dreg:$0x3] =	wrdreg s10  }
0x10: {  	s25 =	simm.s32 $0x200;
	s22 =	sadd.s32 $0x8000, s10;
	[dreg:$0x4] =	wrdreg s21  }
0x11: {  	s6 =	simm.s32 $0x780;
	s23 =	sadd.s32 $0xC000, s10;
	[dreg:$0x5] =	wrdreg s22  }
0x12: {  	s0 =	sadd.s32 s5, s0;
	s24 =	sadd.s32 $0x10000, s10;
	[dreg:$0x6] =	wrdreg s23  }
0x13: {  	s26 =	simm.s32 $0x580;
	[dreg:$0x7] =	wrdreg s24;
	s0 =	sadd.s32 $0x3E200, s0  }
0x14: {  	s21 =	simm.s32 $0x2;
	s22 =	simm.s32 $0x480;
	s23 =	simm.s32 $0x180  }
0x15: {  	v0 =	vimm.f32 $0.0e+00;
	s24 =	simm.s32 $0x500;
	[dreg:$0x8] =	wrdreg s0;
	s0 =	simm.s32 $0x380  }
.LBB2_1:
0x16: {  	s8 =	simm.s32 $0x0;
	s9 =	simm.s32 $0x200  }
.LBB2_2:
0x17: {  	p0 =	sne.s32 s9, $0xFE00;
	[tilespmem:s8+$0x870] =	vst v0  }
0x18: {  	[tilespmem:s8+$0x800] =	vst v0  }
0x19: {  	[tilespmem:s8+$0x810] =	vst v0  }
.Ltmp0:
0x1a: {  	[tilespmem:s8+$0x820] =	vst v0;
	(pc) =	sbr.rel @p0 .LBB2_2-.Ltmp0, $4  }
0x1b: {  	[tilespmem:s8+$0x830] =	vst v0  }
0x1c: {  	[tilespmem:s8+$0x840] =	vst v0  }
0x1d: {  	[tilespmem:s8+$0x850] =	vst v0  }
0x1e: {  	[tilespmem:s8+$0x860] =	vst v0;
	s8 =	sshra.s32 s9, $0x2;
	s9 =	sadd.s32 $0x200, s9  }
0x1f: {  	[tilespmem:s8+$0x870] =	vst v0  }
0x20: {  	[tilespmem:s8+$0x800] =	vst v0  }
0x21: {  	[tilespmem:s8+$0x810] =	vst v0  }
0x22: {  	[tilespmem:s8+$0x820] =	vst v0  }
0x23: {  	[tilespmem:s8+$0x830] =	vst v0  }
0x24: {  	[tilespmem:s8+$0x840] =	vst v0  }
0x25: {  	[tilespmem:s8+$0x850] =	vst v0  }
0x26: {  	[tilespmem:s8+$0x860] =	vst v0  }
0x27: {  	[spmem:s10] =	stream.linear.scatter [tilespmem:s14], [sflag:$0x3], $0x4000, $0x38;
	[tilespmem:$0x1C800] =	vst v63  }
0x28: {  	_ =	swait.ge [sflag:s15], $0x4000  }
0x29: {  	[sflag:s15] =	ssyncset.done $0x0  }
0x2a: {  	s5 =	rddreg [dreg:$0x4];
	[sflag:s15] =	ssyncadd.s32 $0xFFFFC000  }
0x2b: {  	[spmem:s5] =	stream.linear.scatter [tilespmem:s14], [sflag:$0x3], $0x4000, $0x38;
	[tilespmem:$0x1C800] =	vst v63  }
0x2c: {  	_ =	swait.ge [sflag:s15], $0x4000  }
0x2d: {  	[sflag:s15] =	ssyncset.done $0x0  }
0x2e: {  	s11 =	rddreg [dreg:$0x5];
	[sflag:s15] =	ssyncadd.s32 $0xFFFFC000  }
0x2f: {  	[spmem:s11] =	stream.linear.scatter [tilespmem:s14], [sflag:$0x3], $0x4000, $0x38;
	[tilespmem:$0x1C800] =	vst v63  }
0x30: {  	_ =	swait.ge [sflag:s15], $0x4000  }
0x31: {  	[sflag:s15] =	ssyncset.done $0x0  }
0x32: {  	s8 =	rddreg [dreg:$0x6];
	[sflag:s15] =	ssyncadd.s32 $0xFFFFC000  }
0x33: {  	[spmem:s8] =	stream.linear.scatter [tilespmem:s14], [sflag:$0x3], $0x4000, $0x38;
	[tilespmem:$0x1C800] =	vst v63  }
0x34: {  	_ =	swait.ge [sflag:s15], $0x4000  }
0x35: {  	[sflag:s15] =	ssyncset.done $0x0  }
0x36: {  	s9 =	rddreg [dreg:$0x7];
	[sflag:s15] =	ssyncadd.s32 $0xFFFFC000  }
0x37: {  	[spmem:s9] =	stream.linear.scatter [tilespmem:s14], [sflag:$0x3], $0x4000, $0x38;
	[tilespmem:$0x1C800] =	vst v63  }
0x38: {  	_ =	swait.ge [sflag:s15], $0x4000  }
0x39: {  	[sflag:s15] =	ssyncset.done $0x0  }
0x3a: {  	[sflag:s15] =	ssyncadd.s32 $0xFFFFC000  }
0x3b: {  	s10 =	sadd.s32 $0x0, s13;
	[bflag:$0x0] =	sbarrier.arrive $0xFFFF  }
0x3c: {  	[tilespmem:s3], [sflag:$0x3] =	stream.linear.gather [hbm4b:s10+s3], $0x400, $0x38;
	[tilespmem:$0x1C800] =	vst v63  }
0x3d: {  	_ =	swait.ge [sflag:s15], $0x400  }
0x3e: {  	[sflag:s15] =	ssyncset.done $0x0  }
0x3f: {  	s11 =	sadd.s32 $0x0, s12;
	[sflag:s15] =	ssyncadd.s32 $0xFFFFFC00  }
0x40: {  	[tilespmem:s16], [sflag:$0x3] =	stream.linear.gather [hbm4b:s11+s3], $0x400, $0x38;
	[tilespmem:$0x1C800] =	vst v63  }
0x41: {  	_ =	swait.ge [sflag:s15], $0x400  }
0x42: {  	[sflag:s15] =	ssyncset.done $0x0  }
0x43: {  	[sflag:s15] =	ssyncadd.s32 $0xFFFFFC00  }
0x44: {  	[tilespmem:s14], [sflag:$0x1] =	stream.indirect.gather [hbm4b:s4+s17], $0x80, s3, s17, $0xb8;
	[tilespmem:$0x1C800] =	vst v63  }
0x45: {  	_ = 	snop  }
0x46: {  	[tilespmem:s18], [sflag:$0x2] =	stream.indirect.gather [hbm4b:s4+s17], $0x80, s17, s17, $0xb8;
	[tilespmem:$0x1C800] =	vst v63  }
0x47: {  	_ =	swait.ge [sflag:s19], $0x4000  }
0x48: {  	[sflag:s19] =	ssyncset.done $0x0  }
0x49: {  	[sflag:s19] =	ssyncadd.s32 $0xFFFFC000  }
0x4a: {  	[spmem:s1] =	stream.indirect.scatter.add.f32 [tilespmem:s14], [sflag:$0x3], $0x80, s16, s17, $0xb8;
	[tilespmem:$0x1C800] =	vst v63  }
0x4b: {  	_ =	swait.ge [sflag:s15], $0x4000  }
0x4c: {  	[sflag:s15] =	ssyncset.done $0x0  }
0x4d: {  	[sflag:s15] =	ssyncadd.s32 $0xFFFFC000  }
0x4e: {  	[tilespmem:s14], [sflag:$0x1] =	stream.indirect.gather [hbm4b:s4+s17], $0x80, s20, s17, $0xb8;
	[tilespmem:$0x1C800] =	vst v63  }
0x4f: {  	_ =	swait.ge [sflag:s21], $0x4000  }
0x50: {  	[sflag:s21] =	ssyncset.done $0x0  }
0x51: {  	[sflag:s21] =	ssyncadd.s32 $0xFFFFC000  }
0x52: {  	[spmem:s1] =	stream.indirect.scatter.add.f32 [tilespmem:s18], [sflag:$0x3], $0x80, s22, s17, $0xb8;
	[tilespmem:$0x1C800] =	vst v63  }
0x53: {  	_ =	swait.ge [sflag:s15], $0x4000  }
0x54: {  	[sflag:s15] =	ssyncset.done $0x0  }
0x55: {  	[sflag:s15] =	ssyncadd.s32 $0xFFFFC000  }
0x56: {  	[tilespmem:s18], [sflag:$0x2] =	stream.indirect.gather [hbm4b:s4+s17], $0x80, s23, s17, $0xb8;
	[tilespmem:$0x1C800] =	vst v63  }
0x57: {  	_ =	swait.ge [sflag:s19], $0x4000  }
0x58: {  	[sflag:s19] =	ssyncset.done $0x0  }
0x59: {  	[sflag:s19] =	ssyncadd.s32 $0xFFFFC000  }
0x5a: {  	[spmem:s1] =	stream.indirect.scatter.add.f32 [tilespmem:s14], [sflag:$0x3], $0x80, s24, s17, $0xb8;
	[tilespmem:$0x1C800] =	vst v63  }
0x5b: {  	_ =	swait.ge [sflag:s15], $0x4000  }
0x5c: {  	[sflag:s15] =	ssyncset.done $0x0  }
0x5d: {  	[sflag:s15] =	ssyncadd.s32 $0xFFFFC000  }
0x5e: {  	[tilespmem:s14], [sflag:$0x1] =	stream.indirect.gather [hbm4b:s4+s17], $0x80, s25, s17, $0xb8;
	[tilespmem:$0x1C800] =	vst v63  }
0x5f: {  	_ =	swait.ge [sflag:s21], $0x4000  }
0x60: {  	[sflag:s21] =	ssyncset.done $0x0  }
0x61: {  	[sflag:s21] =	ssyncadd.s32 $0xFFFFC000  }
0x62: {  	[spmem:s1] =	stream.indirect.scatter.add.f32 [tilespmem:s18], [sflag:$0x3], $0x80, s26, s17, $0xb8;
	[tilespmem:$0x1C800] =	vst v63  }
0x63: {  	_ =	swait.ge [sflag:s15], $0x4000  }
0x64: {  	[sflag:s15] =	ssyncset.done $0x0  }
0x65: {  	[sflag:s15] =	ssyncadd.s32 $0xFFFFC000  }
0x66: {  	[tilespmem:s18], [sflag:$0x2] =	stream.indirect.gather [hbm4b:s4+s17], $0x80, s28, s17, $0xb8;
	[tilespmem:$0x1C800] =	vst v63  }
0x67: {  	_ =	swait.ge [sflag:s19], $0x4000  }
0x68: {  	[sflag:s19] =	ssyncset.done $0x0  }
0x69: {  	[sflag:s19] =	ssyncadd.s32 $0xFFFFC000  }
0x6a: {  	[spmem:s1] =	stream.indirect.scatter.add.f32 [tilespmem:s14], [sflag:$0x3], $0x80, s29, s17, $0xb8;
	[tilespmem:$0x1C800] =	vst v63  }
0x6b: {  	_ =	swait.ge [sflag:s15], $0x4000  }
0x6c: {  	[sflag:s15] =	ssyncset.done $0x0  }
0x6d: {  	[sflag:s15] =	ssyncadd.s32 $0xFFFFC000  }
0x6e: {  	[tilespmem:s14], [sflag:$0x1] =	stream.indirect.gather [hbm4b:s4+s17], $0x80, s30, s17, $0xb8;
	[tilespmem:$0x1C800] =	vst v63  }
0x6f: {  	_ =	swait.ge [sflag:s21], $0x4000  }
0x70: {  	[sflag:s21] =	ssyncset.done $0x0  }
0x71: {  	[sflag:s21] =	ssyncadd.s32 $0xFFFFC000  }
0x72: {  	[spmem:s1] =	stream.indirect.scatter.add.f32 [tilespmem:s18], [sflag:$0x3], $0x80, s31, s17, $0xb8;
	[tilespmem:$0x1C800] =	vst v63  }
0x73: {  	_ =	swait.ge [sflag:s15], $0x4000  }
0x74: {  	[sflag:s15] =	ssyncset.done $0x0  }
0x75: {  	[sflag:s15] =	ssyncadd.s32 $0xFFFFC000  }
0x76: {  	[tilespmem:s18], [sflag:$0x2] =	stream.indirect.gather [hbm4b:s4+s17], $0x80, s0, s17, $0xb8;
	[tilespmem:$0x1C800] =	vst v63  }
0x77: {  	_ =	swait.ge [sflag:s19], $0x4000  }
0x78: {  	[sflag:s19] =	ssyncset.done $0x0  }
0x79: {  	[sflag:s19] =	ssyncadd.s32 $0xFFFFC000  }
0x7a: {  	[spmem:s1] =	stream.indirect.scatter.add.f32 [tilespmem:s14], [sflag:$0x3], $0x80, s2, s17, $0xb8;
	[tilespmem:$0x1C800] =	vst v63  }
0x7b: {  	_ =	swait.ge [sflag:s15], $0x4000  }
0x7c: {  	[sflag:s15] =	ssyncset.done $0x0  }
0x7d: {  	[sflag:s15] =	ssyncadd.s32 $0xFFFFC000  }
0x7e: {  	_ =	swait.ge [sflag:s21], $0x4000  }
0x7f: {  	[sflag:s21] =	ssyncset.done $0x0  }
0x80: {  	[sflag:s21] =	ssyncadd.s32 $0xFFFFC000  }
0x81: {  	[spmem:s1] =	stream.indirect.scatter.add.f32 [tilespmem:s18], [sflag:$0x3], $0x80, s6, s17, $0xb8;
	[tilespmem:$0x1C800] =	vst v63  }
0x82: {  	_ =	swait.ge [sflag:s15], $0x4000  }
0x83: {  	s8 =	simm.s32 $0x80;
	s9 =	simm.s32 $0x100;
	[sflag:s15] =	ssyncset.done $0x0  }
.LBB2_4:
0x84: {  	s11 =	sadd.s32 s8, s13  }
0x85: {  	[sflag:s15] =	ssyncadd.s32 $0xFFFFC000;
	s5 =	smov.u32 s9;
	s10 =	sadd.s32 $0x80, s9  }
0x86: {  	[tilespmem:s3], [sflag:$0x3] =	stream.linear.gather [hbm4b:s11+s3], $0x400, $0x38;
	[tilespmem:$0x1C800] =	vst v63  }
0x87: {  	p0 =	sne.s32 s9, $0x480;
	_ =	swait.ge [sflag:s15], $0x400  }
0x88: {  	[sflag:s15] =	ssyncset.done $0x0  }
0x89: {  	s9 =	sadd.s32 s8, s12;
	s8 =	smov.u32 s5;
	[sflag:s15] =	ssyncadd.s32 $0xFFFFFC00  }
0x8a: {  	[tilespmem:s16], [sflag:$0x3] =	stream.linear.gather [hbm4b:s9+s3], $0x400, $0x38;
	[tilespmem:$0x1C800] =	vst v63  }
0x8b: {  	_ =	swait.ge [sflag:s15], $0x400  }
0x8c: {  	[sflag:s15] =	ssyncset.done $0x0  }
0x8d: {  	[sflag:s15] =	ssyncadd.s32 $0xFFFFFC00  }
0x8e: {  	[tilespmem:s14], [sflag:$0x1] =	stream.indirect.gather [hbm4b:s4+s17], $0x80, s3, s17, $0xb8;
	[tilespmem:$0x1C800] =	vst v63  }
0x8f: {  	_ = 	snop  }
0x90: {  	[tilespmem:s18], [sflag:$0x2] =	stream.indirect.gather [hbm4b:s4+s17], $0x80, s17, s17, $0xb8;
	[tilespmem:$0x1C800] =	vst v63  }
0x91: {  	_ =	swait.ge [sflag:s19], $0x4000  }
0x92: {  	[sflag:s19] =	ssyncset.done $0x0  }
0x93: {  	[sflag:s19] =	ssyncadd.s32 $0xFFFFC000  }
0x94: {  	[spmem:s1] =	stream.indirect.scatter.add.f32 [tilespmem:s14], [sflag:$0x3], $0x80, s16, s17, $0xb8;
	[tilespmem:$0x1C800] =	vst v63  }
0x95: {  	_ =	swait.ge [sflag:s15], $0x4000  }
0x96: {  	[sflag:s15] =	ssyncset.done $0x0  }
0x97: {  	[sflag:s15] =	ssyncadd.s32 $0xFFFFC000  }
0x98: {  	[tilespmem:s14], [sflag:$0x1] =	stream.indirect.gather [hbm4b:s4+s17], $0x80, s20, s17, $0xb8;
	[tilespmem:$0x1C800] =	vst v63  }
0x99: {  	_ =	swait.ge [sflag:s21], $0x4000  }
0x9a: {  	[sflag:s21] =	ssyncset.done $0x0  }
0x9b: {  	[sflag:s21] =	ssyncadd.s32 $0xFFFFC000  }
0x9c: {  	[spmem:s1] =	stream.indirect.scatter.add.f32 [tilespmem:s18], [sflag:$0x3], $0x80, s22, s17, $0xb8;
	[tilespmem:$0x1C800] =	vst v63  }
0x9d: {  	_ =	swait.ge [sflag:s15], $0x4000  }
0x9e: {  	[sflag:s15] =	ssyncset.done $0x0  }
0x9f: {  	[sflag:s15] =	ssyncadd.s32 $0xFFFFC000  }
0xa0: {  	[tilespmem:s18], [sflag:$0x2] =	stream.indirect.gather [hbm4b:s4+s17], $0x80, s23, s17, $0xb8;
	[tilespmem:$0x1C800] =	vst v63  }
0xa1: {  	_ =	swait.ge [sflag:s19], $0x4000  }
0xa2: {  	[sflag:s19] =	ssyncset.done $0x0  }
0xa3: {  	[sflag:s19] =	ssyncadd.s32 $0xFFFFC000  }
0xa4: {  	[spmem:s1] =	stream.indirect.scatter.add.f32 [tilespmem:s14], [sflag:$0x3], $0x80, s24, s17, $0xb8;
	[tilespmem:$0x1C800] =	vst v63  }
0xa5: {  	_ =	swait.ge [sflag:s15], $0x4000  }
0xa6: {  	[sflag:s15] =	ssyncset.done $0x0  }
0xa7: {  	[sflag:s15] =	ssyncadd.s32 $0xFFFFC000  }
0xa8: {  	[tilespmem:s14], [sflag:$0x1] =	stream.indirect.gather [hbm4b:s4+s17], $0x80, s25, s17, $0xb8;
	[tilespmem:$0x1C800] =	vst v63  }
0xa9: {  	_ =	swait.ge [sflag:s21], $0x4000  }
0xaa: {  	[sflag:s21] =	ssyncset.done $0x0  }
0xab: {  	[sflag:s21] =	ssyncadd.s32 $0xFFFFC000  }
0xac: {  	[spmem:s1] =	stream.indirect.scatter.add.f32 [tilespmem:s18], [sflag:$0x3], $0x80, s26, s17, $0xb8;
	[tilespmem:$0x1C800] =	vst v63  }
0xad: {  	_ =	swait.ge [sflag:s15], $0x4000  }
0xae: {  	[sflag:s15] =	ssyncset.done $0x0  }
0xaf: {  	[sflag:s15] =	ssyncadd.s32 $0xFFFFC000  }
0xb0: {  	[tilespmem:s18], [sflag:$0x2] =	stream.indirect.gather [hbm4b:s4+s17], $0x80, s28, s17, $0xb8;
	[tilespmem:$0x1C800] =	vst v63  }
0xb1: {  	_ =	swait.ge [sflag:s19], $0x4000  }
0xb2: {  	[sflag:s19] =	ssyncset.done $0x0  }
0xb3: {  	[sflag:s19] =	ssyncadd.s32 $0xFFFFC000  }
0xb4: {  	[spmem:s1] =	stream.indirect.scatter.add.f32 [tilespmem:s14], [sflag:$0x3], $0x80, s29, s17, $0xb8;
	[tilespmem:$0x1C800] =	vst v63  }
0xb5: {  	_ =	swait.ge [sflag:s15], $0x4000  }
0xb6: {  	[sflag:s15] =	ssyncset.done $0x0  }
0xb7: {  	[sflag:s15] =	ssyncadd.s32 $0xFFFFC000  }
0xb8: {  	[tilespmem:s14], [sflag:$0x1] =	stream.indirect.gather [hbm4b:s4+s17], $0x80, s30, s17, $0xb8;
	[tilespmem:$0x1C800] =	vst v63  }
0xb9: {  	_ =	swait.ge [sflag:s21], $0x4000  }
0xba: {  	[sflag:s21] =	ssyncset.done $0x0  }
0xbb: {  	[sflag:s21] =	ssyncadd.s32 $0xFFFFC000  }
0xbc: {  	[spmem:s1] =	stream.indirect.scatter.add.f32 [tilespmem:s18], [sflag:$0x3], $0x80, s31, s17, $0xb8;
	[tilespmem:$0x1C800] =	vst v63  }
0xbd: {  	_ =	swait.ge [sflag:s15], $0x4000  }
0xbe: {  	[sflag:s15] =	ssyncset.done $0x0  }
0xbf: {  	[sflag:s15] =	ssyncadd.s32 $0xFFFFC000  }
0xc0: {  	[tilespmem:s18], [sflag:$0x2] =	stream.indirect.gather [hbm4b:s4+s17], $0x80, s0, s17, $0xb8;
	[tilespmem:$0x1C800] =	vst v63  }
0xc1: {  	_ =	swait.ge [sflag:s19], $0x4000  }
0xc2: {  	[sflag:s19] =	ssyncset.done $0x0  }
0xc3: {  	[sflag:s19] =	ssyncadd.s32 $0xFFFFC000  }
0xc4: {  	[spmem:s1] =	stream.indirect.scatter.add.f32 [tilespmem:s14], [sflag:$0x3], $0x80, s2, s17, $0xb8;
	[tilespmem:$0x1C800] =	vst v63  }
0xc5: {  	_ =	swait.ge [sflag:s15], $0x4000  }
0xc6: {  	[sflag:s15] =	ssyncset.done $0x0  }
0xc7: {  	[sflag:s15] =	ssyncadd.s32 $0xFFFFC000  }
0xc8: {  	_ =	swait.ge [sflag:s21], $0x4000  }
.Ltmp1:
0xc9: {  	[sflag:s21] =	ssyncset.done $0x0;
	(pc) =	sbr.rel @p0 .LBB2_4-.Ltmp1, $4  }
0xca: {  	[sflag:s21] =	ssyncadd.s32 $0xFFFFC000  }
0xcb: {  	[spmem:s1] =	stream.indirect.scatter.add.f32 [tilespmem:s18], [sflag:$0x3], $0x80, s6, s17, $0xb8;
	[tilespmem:$0x1C800] =	vst v63  }
0xcc: {  	_ =	swait.ge [sflag:s15], $0x4000  }
0xcd: {  	s9 =	smov.u32 s10;
	[sflag:s15] =	ssyncset.done $0x0  }
0xce: {  	s5 =	sadd.s32 s8, s13;
	[sflag:s15] =	ssyncadd.s32 $0xFFFFC000  }
0xcf: {  	[tilespmem:s3], [sflag:$0x3] =	stream.linear.gather [hbm4b:s5+s3], $0x400, $0x38;
	[tilespmem:$0x1C800] =	vst v63  }
0xd0: {  	_ =	swait.ge [sflag:s15], $0x400  }
0xd1: {  	[sflag:s15] =	ssyncset.done $0x0  }
0xd2: {  	s9 =	sadd.s32 s8, s12;
	[sflag:s15] =	ssyncadd.s32 $0xFFFFFC00  }
0xd3: {  	[tilespmem:s16], [sflag:$0x3] =	stream.linear.gather [hbm4b:s9+s3], $0x400, $0x38;
	[tilespmem:$0x1C800] =	vst v63  }
0xd4: {  	_ =	swait.ge [sflag:s15], $0x400  }
0xd5: {  	[sflag:s15] =	ssyncset.done $0x0  }
0xd6: {  	[sflag:s15] =	ssyncadd.s32 $0xFFFFFC00  }
0xd7: {  	[tilespmem:s14], [sflag:$0x1] =	stream.indirect.gather [hbm4b:s4+s17], $0x80, s3, s17, $0xb8;
	[tilespmem:$0x1C800] =	vst v63  }
0xd8: {  	_ = 	snop  }
0xd9: {  	[tilespmem:s18], [sflag:$0x2] =	stream.indirect.gather [hbm4b:s4+s17], $0x80, s17, s17, $0xb8;
	[tilespmem:$0x1C800] =	vst v63  }
0xda: {  	_ =	swait.ge [sflag:s19], $0x4000  }
0xdb: {  	[sflag:s19] =	ssyncset.done $0x0  }
0xdc: {  	[sflag:s19] =	ssyncadd.s32 $0xFFFFC000  }
0xdd: {  	[spmem:s1] =	stream.indirect.scatter.add.f32 [tilespmem:s14], [sflag:$0x3], $0x80, s16, s17, $0xb8;
	[tilespmem:$0x1C800] =	vst v63  }
0xde: {  	_ =	swait.ge [sflag:s15], $0x4000  }
0xdf: {  	[sflag:s15] =	ssyncset.done $0x0  }
0xe0: {  	[sflag:s15] =	ssyncadd.s32 $0xFFFFC000  }
0xe1: {  	[tilespmem:s14], [sflag:$0x1] =	stream.indirect.gather [hbm4b:s4+s17], $0x80, s20, s17, $0xb8;
	[tilespmem:$0x1C800] =	vst v63  }
0xe2: {  	_ =	swait.ge [sflag:s21], $0x4000  }
0xe3: {  	[sflag:s21] =	ssyncset.done $0x0  }
0xe4: {  	[sflag:s21] =	ssyncadd.s32 $0xFFFFC000  }
0xe5: {  	[spmem:s1] =	stream.indirect.scatter.add.f32 [tilespmem:s18], [sflag:$0x3], $0x80, s22, s17, $0xb8;
	[tilespmem:$0x1C800] =	vst v63  }
0xe6: {  	_ =	swait.ge [sflag:s15], $0x4000  }
0xe7: {  	[sflag:s15] =	ssyncset.done $0x0  }
0xe8: {  	[sflag:s15] =	ssyncadd.s32 $0xFFFFC000  }
0xe9: {  	[tilespmem:s18], [sflag:$0x2] =	stream.indirect.gather [hbm4b:s4+s17], $0x80, s23, s17, $0xb8;
	[tilespmem:$0x1C800] =	vst v63  }
0xea: {  	_ =	swait.ge [sflag:s19], $0x4000  }
0xeb: {  	[sflag:s19] =	ssyncset.done $0x0  }
0xec: {  	[sflag:s19] =	ssyncadd.s32 $0xFFFFC000  }
0xed: {  	[spmem:s1] =	stream.indirect.scatter.add.f32 [tilespmem:s14], [sflag:$0x3], $0x80, s24, s17, $0xb8;
	[tilespmem:$0x1C800] =	vst v63  }
0xee: {  	_ =	swait.ge [sflag:s15], $0x4000  }
0xef: {  	[sflag:s15] =	ssyncset.done $0x0  }
0xf0: {  	[sflag:s15] =	ssyncadd.s32 $0xFFFFC000  }
0xf1: {  	[tilespmem:s14], [sflag:$0x1] =	stream.indirect.gather [hbm4b:s4+s17], $0x80, s25, s17, $0xb8;
	[tilespmem:$0x1C800] =	vst v63  }
0xf2: {  	_ =	swait.ge [sflag:s21], $0x4000  }
0xf3: {  	[sflag:s21] =	ssyncset.done $0x0  }
0xf4: {  	[sflag:s21] =	ssyncadd.s32 $0xFFFFC000  }
0xf5: {  	[spmem:s1] =	stream.indirect.scatter.add.f32 [tilespmem:s18], [sflag:$0x3], $0x80, s26, s17, $0xb8;
	[tilespmem:$0x1C800] =	vst v63  }
0xf6: {  	_ =	swait.ge [sflag:s15], $0x4000  }
0xf7: {  	[sflag:s15] =	ssyncset.done $0x0  }
0xf8: {  	[sflag:s15] =	ssyncadd.s32 $0xFFFFC000  }
0xf9: {  	[tilespmem:s18], [sflag:$0x2] =	stream.indirect.gather [hbm4b:s4+s17], $0x80, s28, s17, $0xb8;
	[tilespmem:$0x1C800] =	vst v63  }
0xfa: {  	_ =	swait.ge [sflag:s19], $0x4000  }
0xfb: {  	[sflag:s19] =	ssyncset.done $0x0  }
0xfc: {  	[sflag:s19] =	ssyncadd.s32 $0xFFFFC000  }
0xfd: {  	[spmem:s1] =	stream.indirect.scatter.add.f32 [tilespmem:s14], [sflag:$0x3], $0x80, s29, s17, $0xb8;
	[tilespmem:$0x1C800] =	vst v63  }
0xfe: {  	_ =	swait.ge [sflag:s15], $0x4000  }
0xff: {  	[sflag:s15] =	ssyncset.done $0x0  }
0x100: {  	[sflag:s15] =	ssyncadd.s32 $0xFFFFC000  }
0x101: {  	[tilespmem:s14], [sflag:$0x1] =	stream.indirect.gather [hbm4b:s4+s17], $0x80, s30, s17, $0xb8;
	[tilespmem:$0x1C800] =	vst v63  }
0x102: {  	_ =	swait.ge [sflag:s21], $0x4000  }
0x103: {  	[sflag:s21] =	ssyncset.done $0x0  }
0x104: {  	[sflag:s21] =	ssyncadd.s32 $0xFFFFC000  }
0x105: {  	[spmem:s1] =	stream.indirect.scatter.add.f32 [tilespmem:s18], [sflag:$0x3], $0x80, s31, s17, $0xb8;
	[tilespmem:$0x1C800] =	vst v63  }
0x106: {  	_ =	swait.ge [sflag:s15], $0x4000  }
0x107: {  	[sflag:s15] =	ssyncset.done $0x0  }
0x108: {  	[sflag:s15] =	ssyncadd.s32 $0xFFFFC000  }
0x109: {  	[tilespmem:s18], [sflag:$0x2] =	stream.indirect.gather [hbm4b:s4+s17], $0x80, s0, s17, $0xb8;
	[tilespmem:$0x1C800] =	vst v63  }
0x10a: {  	_ =	swait.ge [sflag:s19], $0x4000  }
0x10b: {  	[sflag:s19] =	ssyncset.done $0x0  }
0x10c: {  	[sflag:s19] =	ssyncadd.s32 $0xFFFFC000  }
0x10d: {  	[spmem:s1] =	stream.indirect.scatter.add.f32 [tilespmem:s14], [sflag:$0x3], $0x80, s2, s17, $0xb8;
	[tilespmem:$0x1C800] =	vst v63  }
0x10e: {  	_ =	swait.ge [sflag:s15], $0x4000  }
0x10f: {  	[sflag:s15] =	ssyncset.done $0x0  }
0x110: {  	[sflag:s15] =	ssyncadd.s32 $0xFFFFC000  }
0x111: {  	_ =	swait.ge [sflag:s21], $0x4000  }
0x112: {  	[sflag:s21] =	ssyncset.done $0x0  }
0x113: {  	[sflag:s21] =	ssyncadd.s32 $0xFFFFC000  }
0x114: {  	[spmem:s1] =	stream.indirect.scatter.add.f32 [tilespmem:s18], [sflag:$0x3], $0x80, s6, s17, $0xb8;
	[tilespmem:$0x1C800] =	vst v63  }
0x115: {  	_ =	swait.ge [sflag:s15], $0x4000  }
0x116: {  	[sflag:s15] =	ssyncset.done $0x0  }
0x117: {  	[sflag:s15] =	ssyncadd.s32 $0xFFFFC000  }
0x118: {  	s10 =	stileid.u32;
	[bflag:$0x0] =	sbarrier.arrive $0xFFFF  }
0x119: {  	s5 =	sshll.u32 s10, $0x6;
	s10 =	rddreg [dreg:$0x3]  }
0x11a: {  	s5 =	sor.u32 $0x1C03, s5;
	s9 =	rddreg [dreg:$0x8];
	s11 =	sshrl.u32 s10, $0x3  }
0x11b: {  	[hbm:s9], [sflag:s5] =	dma.local [spmem:s11], $0x2800  }
0x11c: {  	_ =	swait.ge [sflag:s15], $0x2800  }
0x11d: {  	s7 =	sadd.s32 $0x1, s7;
	s11 =	rddreg [dreg:$0x9]  }
0x11e: {  	p0 =	sne.s32 s7, s11  }
.Ltmp2:
0x11f: {  	_ = 	snop;
	(pc) =	sbr.rel @p0 .LBB2_1-.Ltmp2, $3  }
0x120: {  	_ =	sdelay $0x1  }
0x121: {  	[sflag:s15] =	ssyncset.done $0x0  }
0x122: {  	[sflag:s15] =	ssyncadd.s32 $0xFFFFD800  }
0x123: {  	_ =	sfence.sel $0x180000  }
0x124: {  	[bflag:$0x0] =	sbarrier.arrive $0xFFFF  }
0x125: {  	_ =	strace $0x9000004A  }
0x126: {  	s0 =	stileid.u32;
	[bflag:$0x2] =	sbarrier.arrive $0xFFFF  }
0x127: {  	p0 =	sne.s32 s0, $0x0;
	s0 =	rddreg [dreg:$0x2]  }
0x128: {  	s0 =	sadd.s32 @!p0 $0x100000, s0  }
0x129: {  	[sflag:s0] =	ssyncadd.tile.s32 @!p0 $0x1;
	_ =	shalt  }
.Lfunc_end2:
_tile_overlayer_lowered:
.L_overlay_start_2:
0x12a: {  	(tag) =	ssettag $0x2  }
0x12b: {  	s0 =	rddreg [dreg:$0x0];
	s2 =	stileid.u32  }
0x12c: {  	s1 =	rddreg [dreg:$0x1];
	p0 =	sne.s32 s2, $0x0  }
0x12d: {  	s3 =	rddreg [dreg:$0x2];
	[bflag:$0x3] =	sbarrier.arrive $0xFFFF;
	s2 =	simm.s32 @!p0 $0x1C03  }
0x12e: {  	[timem:s3], [sflag:s2] =	dma.local @!p0 [hbm:s0], s1  }
0x12f: {  	s0 =	simm.s32 @!p0 $0x3  }
0x130: {  	_ =	swait.ge @!p0 [sflag:s0], s1  }
0x131: {  	s1 =	ssub.s32 @!p0 $0x0, s1;
	[sflag:s0] =	ssyncset.done @!p0 $0x0  }
0x132: {  	[sflag:s0] =	ssyncadd.s32 @!p0 s1  }
0x133: {  	[bflag:$0x3] =	sbarrier.arrive $0xFFFF  }
0x134: {  	_ =	shalt  }

// kernel: kernel.14.cloned.1.call-start
scs
__scs_entry_jumppad:
0x0: {  	(pc) =	sbr.rel $0x88, $3  }
0x1: {  	(tag) =	ssettag $0x0;
	lr =	simm.s32 $0x1  }
0x2: {  	[smem:$0x3F9B] =	sst lr;
	_ =	strace $0xD0000000  }
0x3: {  	_ = 	snop  }
0x4: {  	_ = 	snop  }
0x5: {  	_ = 	snop  }
0x6: {  	_ = 	snop  }
0x7: {  	_ = 	snop  }
__scs_overlays_trampoline_lowered:
0x8: {  	[smem:$0x3FAA] =	sst s0  }
0x9: {  	[smem:$0x3FAB] =	sst s1  }
0xa: {  	[smem:$0x3FAC] =	sst s2  }
0xb: {  	[smem:$0x3FAD] =	sst s3  }
0xc: {  	[smem:$0x3FAE] =	sst s4  }
0xd: {  	[smem:$0x3FAF] =	sst s5  }
0xe: {  	[smem:$0x3FB0] =	sst s6  }
0xf: {  	[smem:$0x3FB1] =	sst s7  }
0x10: {  	[smem:$0x3FB2] =	sst s8  }
0x11: {  	[smem:$0x3FB3] =	sst s9;
	s0 =	simm.s32 @!p0 $0x0  }
0x12: {  	s1 =	sld [smem:$0x3F99];
	s0 =	simm.s32 @p0 $0x1  }
0x13: {  	[smem:$0x3FB4] =	sst s0;
	s0 =	simm.s32 @!p1 $0x0  }
0x14: {  	s2 =	sld [smem:$0x3F98];
	s0 =	simm.s32 @p1 $0x1  }
0x15: {  	[smem:$0x3FB5] =	sst s0;
	s0 =	simm.s32 @!p2 $0x0  }
0x16: {  	s3 =	sld [smem:$0x3FDB];
	s0 =	simm.s32 @p2 $0x1  }
0x17: {  	s4 =	simm.s32 $0x1BF5;
	[smem:$0x3FB7] =	sst s0  }
0x18: {  	s0 =	sld [smem:$0x3F9A];
	_ =	swait.ge [sflag:s4], $0x0  }
0x19: {  	s7 =	sld [smem:$0x3F9B]  }
0x1a: {  	s8 =	sadd.s32 $0xFFFFE003, lr  }
0x1b: {  	s9 =	sadd.s32 $0xFFFFFEF7, lr;
	s5 =	simm.s32 $0xFFFFFFFF;
	p2 =	slt.u32 s8, $0xFFFFF086  }
0x1c: {  	p1 =	slt.u32 s9, $0xF7A;
	s5 =	simm.s32 @!p2 $0x0  }
0x1d: {  	s5 =	simm.s32 @p1 $0x1;
	p0 =	seq.s32 s7, s2  }
0x1e: {  	s7 =	smul.u32 @!p0 $0xF7A, s2;
	p2 =	seq.s32 @!p0 s5, $0x0  }
0x1f: {  	s9 =	smul.u32 $0xF7A, s1;
	s8 =	simm.s32 @!p0 $0x1BF5;
	p2 =	por !p2, p0  }
0x20: {  	[sflag:s8] =	ssyncset.s32 @!p0 $0xFFFFF086;
	s6 =	sadd.s32 @!p0 s3, s7;
	s7 =	simm.s32 @!p0 $0x108  }
0x21: {  	s3 =	sadd.s32 s3, s9;
	s6 =	sadd.s32 @!p0 $0x88, s6;
	s7 =	simm.s32 @p2 $0x1082  }
0x22: {  	[simem:s7], [sflag:s8] =	dma.local @!p0 [hbm:s6], $0xF7A  }
0x23: {  	s9 =	sor.u32 $0xD0000000, s2;
	s6 =	simm.s32 $0x108;
	_ =	swait.ge @!p0 [sflag:s8], $0x0  }
0x24: {  	s3 =	sadd.s32 $0x88, s3;
	s6 =	simm.s32 @!p1 $0x1082;
	[sflag:s4] =	ssyncset.s32 $0xFFFFF086  }
0x25: {  	[simem:s6], [sflag:s4] =	dma.local [hbm:s3], $0xF7A  }
0x26: {  	[smem:$0x3F9B] =	sst s1;
	(tag) =	ssettag s2;
	_ =	strace s9  }
0x27: {  	s1 =	sld [smem:$0x3FAB]  }
0x28: {  	s2 =	sld [smem:$0x3FAC]  }
0x29: {  	s4 =	sld [smem:$0x3FAE]  }
0x2a: {  	p0 =	seq.s32 s5, $0x0;
	s5 =	sld [smem:$0x3FAF]  }
0x2b: {  	s6 =	sld [smem:$0x3FB0]  }
0x2c: {  	s7 =	sld [smem:$0x3FB1]  }
0x2d: {  	s3 =	simm.s32 $0x108;
	s8 =	sld [smem:$0x3FB2]  }
0x2e: {  	s3 =	simm.s32 @!p0 $0x1082;
	s9 =	sld [smem:$0x3FB3]  }
0x2f: {  	lr =	sadd.s32 s0, s3;
	s0 =	sld [smem:$0x3FAA]  }
0x30: {  	s3 =	sld [smem:$0x3FAD]  }
0x31: {  	[smem:$0x3FB6] =	sst s10  }
0x32: {  	s10 =	sld [smem:$0x3FB4];
	_ =	sdelay $0x3  }
0x33: {  	p0 =	seq.s32 s10, $0x1;
	s10 =	sld [smem:$0x3FB6];
	_ =	sdelay $0x3  }
0x34: {  	[smem:$0x3FB6] =	sst s10  }
0x35: {  	s10 =	sld [smem:$0x3FB5];
	_ =	sdelay $0x3  }
0x36: {  	p1 =	seq.s32 s10, $0x1;
	s10 =	sld [smem:$0x3FB6];
	_ =	sdelay $0x3  }
0x37: {  	[smem:$0x3FB6] =	sst s10  }
0x38: {  	s10 =	sld [smem:$0x3FB7]  }
0x39: {  	_ = 	snop;
	(pc) =	sbr.ind lr, $3  }
0x3a: {  	_ = 	snop  }
0x3b: {  	_ = 	snop  }
0x3c: {  	p2 =	seq.s32 s10, $0x1;
	s10 =	sld [smem:$0x3FB6]  }
0x3d: {  	_ =	shalt  }
0x3e: {  	_ =	shalt  }
0x3f: {  	_ =	shalt  }
0x40: {  	_ =	shalt  }
0x41: {  	_ =	shalt  }
0x42: {  	_ =	shalt  }
0x43: {  	_ =	shalt  }
0x44: {  	_ =	shalt  }
0x45: {  	_ =	shalt  }
0x46: {  	_ =	shalt  }
0x47: {  	_ =	shalt  }
0x48: {  	_ =	shalt  }
0x49: {  	_ =	shalt  }
0x4a: {  	_ =	shalt  }
0x4b: {  	_ =	shalt  }
0x4c: {  	_ =	shalt  }
0x4d: {  	_ =	shalt  }
0x4e: {  	_ =	shalt  }
0x4f: {  	_ =	shalt  }
0x50: {  	_ =	shalt  }
0x51: {  	_ =	shalt  }
0x52: {  	_ =	shalt  }
0x53: {  	_ =	shalt  }
0x54: {  	_ =	shalt  }
0x55: {  	_ =	shalt  }
0x56: {  	_ =	shalt  }
0x57: {  	_ =	shalt  }
0x58: {  	_ =	shalt  }
0x59: {  	_ =	shalt  }
0x5a: {  	_ =	shalt  }
0x5b: {  	_ =	shalt  }
0x5c: {  	_ =	shalt  }
0x5d: {  	_ =	shalt  }
0x5e: {  	_ =	shalt  }
0x5f: {  	_ =	shalt  }
0x60: {  	_ =	shalt  }
0x61: {  	_ =	shalt  }
0x62: {  	_ =	shalt  }
0x63: {  	_ =	shalt  }
0x64: {  	_ =	shalt  }
0x65: {  	_ =	shalt  }
0x66: {  	_ =	shalt  }
0x67: {  	_ =	shalt  }
0x68: {  	_ =	shalt  }
0x69: {  	_ =	shalt  }
0x6a: {  	_ =	shalt  }
0x6b: {  	_ =	shalt  }
0x6c: {  	_ =	shalt  }
0x6d: {  	_ =	shalt  }
0x6e: {  	_ =	shalt  }
0x6f: {  	_ =	shalt  }
0x70: {  	_ =	shalt  }
0x71: {  	_ =	shalt  }
0x72: {  	_ =	shalt  }
0x73: {  	_ =	shalt  }
0x74: {  	_ =	shalt  }
0x75: {  	_ =	shalt  }
0x76: {  	_ =	shalt  }
0x77: {  	_ =	shalt  }
0x78: {  	_ =	shalt  }
0x79: {  	_ =	shalt  }
0x7a: {  	_ =	shalt  }
0x7b: {  	_ =	shalt  }
0x7c: {  	_ =	shalt  }
0x7d: {  	_ =	shalt  }
0x7e: {  	_ =	shalt  }
0x7f: {  	_ =	shalt  }
0x80: {  	_ =	shalt  }
0x81: {  	_ =	shalt  }
0x82: {  	_ =	shalt  }
0x83: {  	_ =	shalt  }
0x84: {  	_ =	shalt  }
0x85: {  	_ =	shalt  }
0x86: {  	_ =	shalt  }
0x87: {  	_ =	shalt  }
.Lfunc_end0:
.L_simem_size_0:
called_computation.2_lowered:
.L_overlay_start_0:
0x88: {  	s2 =	sld [smem:$0x3FD9]  }
0x89: {  	s3 =	sld [smem:$0x3FFE];
	_ =	sdelay $0x1  }
0x8a: {  	s1 =	srdreg.scid  }
0x8b: {  	s0 =	sand.u32 $0x1, s1  }
0x8c: {  	s16 =	sshll.u32 s0, $0xA;
	s2 =	sadd.s32 s3, s2  }
0x8d: {  	s2 =	sadd.s32 s2, s16  }
0x8e: {  	[smem:$0x3FC2] =	sst s2  }
0x8f: {  	_ = 	snop  }
0x90: {  	(tm) =	ssettm $0x1  }
0x91: {  	s17 =	sld [smem:$0x3FFB];
	_ =	sdelay $0x3  }
0x92: {  	_ =	strace s17  }
0x93: {  	s2 =	sld [smem:$0x3FFC];
	_ =	sdelay $0x3  }
0x94: {  	_ =	strace s2  }
0x95: {  	s2 =	sld [smem:$0x3FFD];
	_ =	sdelay $0x3  }
0x96: {  	_ =	strace s2  }
0x97: {  	_ =	strace $0x8FFFFFFF  }
0x98: {  	s18 =	sld [smem:$0x3FDB];
	_ =	sdelay $0x1  }
0x99: {  	s19 =	simm.s32 $_scs_section_size  }
0x9a: {  	s4 =	simm.s32 $_size__tile_overlayer_lowered;
	s5 =	simm.s32 $_tile_overlayer_lowered  }
0x9b: {  	s22 =	simm.s32 $0x1BFF;
	s21 =	sshll.u32 s5, $0x1;
	s2 =	sadd.s32 s19, s18  }
0x9c: {  	s6 =	simm.s32 $0x0;
	s20 =	sshll.u32 s4, $0x1;
	s4 =	sadd.s32 s21, s2  }
0x9d: {  	[timem:s6], [sflag:s22] =	dma.local [hbm:s4], s20  }
0x9e: {  	_ =	swait.ge [sflag:s22], s20  }
0x9f: {  	s3 =	ssub.s32 $0x0, s20;
	[sflag:s22] =	ssyncset.done $0x0  }
0xa0: {  	[sflag:s22] =	ssyncadd.s32 s3;
	_ =	sdelay $0x1  }
0xa1: {  	s23 =	simm.s32 $0x1B8B  }
0xa2: {  	_ =	swait.ge [sflag:s23], $0x1  }
0xa3: {  	[sflag:s23] =	ssyncset.done $0x0  }
0xa4: {  	s25 =	simm.s32 $0x1B8E;
	s24 =	sld [smem:$0x3FFE];
	[sflag:s23] =	ssyncadd.s32 $0xFFFFFFFF  }
0xa5: {  	s26 =	simm.s32 $execute0_lowered;
	[smem:$0x3FD2] =	sst s25  }
0xa6: {  	s4 =	sshll.u32 s26, $0x1;
	_ =	strace $0x8000004C;
	[dreg:$0x1] =	wrdreg $0xFFFFFFFF  }
0xa7: {  	s28 =	simm.s32 $_size_execute0_lowered;
	s2 =	sadd.s32 s2, s4;
	[dreg:$0x0] =	wrdreg $0x0  }
0xa8: {  	s4 =	sshll.u32 s28, $0x1;
	[dreg:$0x2] =	wrdreg s2  }
0xa9: {  	[dreg:$0x3] =	wrdreg s4  }
0xaa: {  	[dreg:$0x4] =	wrdreg $0xC0  }
0xab: {  	_ =	task [dreg:s6], $0x5FFFF  }
0xac: {  	[dreg:$0x1] =	wrdreg $0xFFFFFFFF  }
0xad: {  	[dreg:$0x0] =	wrdreg $0x60  }
0xae: {  	[dreg:$0x2] =	wrdreg s24  }
0xaf: {  	[dreg:$0x3] =	wrdreg $0x88000  }
0xb0: {  	[dreg:$0x4] =	wrdreg $0x9  }
0xb1: {  	_ =	task.clear_ibuf [dreg:s6], $0x5FFFF;
	_ =	strace $0x9000004C  }
0xb2: {  	s29 =	simm.s32 $0x9;
	_ =	strace $0x8000004E  }
0xb3: {  	_ =	swait.ge [sflag:s29], $0x1  }
0xb4: {  	[sflag:s29] =	ssyncadd.s32 $0xFFFFFFFF  }
0xb5: {  	_ =	strace $0x9000004E  }
0xb6: {  	_ =	sfence  }
0xb7: {  	s30 =	sld [smem:$0x0];
	_ =	sdelay $0x2  }
0xb8: {  	s31 =	sshll.u32 s1, $0xD;
	s1 =	sshrl.u32 s1, $0x2  }
0xb9: {  	s3 =	sand.u32 $0x4000, s31;
	s1 =	sadd.s32 s1, s30  }
0xba: {  	s0 =	sor.u32 s3, s0;
	s1 =	sshll.u32 s1, $0x11  }
0xbb: {  	s0 =	sor.u32 s1, s0  }
0xbc: {  	s0 =	sadd.s32 $0x8F2B, s0  }
0xbd: {  	[sflag:s0] =	ssyncadd.remote.s32 $0x1  }
0xbe: {  	_ =	sfence.sel $0xFFFF  }
0xbf: {  	[dreg:$0x0] =	wrdreg $0xFFFFFFFF;
	(pc) =	sbr.abs _section_cstart, $3  }
0xc0: {  	[dreg:$0x1] =	wrdreg $0xFFFFFFFF  }
0xc1: {  	_ =	task.clear_ibuf [dreg:s6], $0x2FFFF;
	_ =	strace $0x9FFFFFFF  }
0xc2: {  	(tm) =	ssettm $0x7FFFFFFF  }
0xc3: {  	_ =	shalt  }
tec
execute0_lowered:
.L_overlay_start_1:
0x0: {  	(tag) =	ssettag $0x1  }
0x1: {  	s0 =	rddreg [dreg:$0x0]  }
0x2: {  	s1 =	rddreg [dreg:$0x1];
	s2 =	srdreg.scid  }
0x3: {  	s3 =	simm.s32 $0x0;
	s8 =	stileid.u32;
	s14 =	simm.s32 $0x800  }
0x4: {  	s15 =	simm.s32 $0x3;
	s16 =	simm.s32 $0x400;
	s17 =	simm.s32 $0x80  }
0x5: {  	s28 =	simm.s32 $0x280;
	s29 =	simm.s32 $0x600;
	s6 =	smul.u32 $0x14000, s8  }
0x6: {  	s30 =	simm.s32 $0x300;
	s31 =	simm.s32 $0x680;
	s7 =	smul.u32 $0xA00, s8  }
0x7: {  	s2 =	sand.u32 $0x1, s2;
	[smem:$0x7FF] =	sst s3;
	s18 =	smul.u32 $0x50000, s8  }
0x8: {  	s4 =	sadd.s32 $0x16200, s0;
	s5 =	smul.u32 $0x140000, s2;
	_ =	strace $0x8000004D  }
0x9: {  	s19 =	ssub.s32 $0x2, s2;
	s2 =	smul.u32 $0x500, s2;
	s7 =	sadd.s32 s7, s0  }
0xa: {  	s20 =	sshrl.u32 s19, $0x1;
	s5 =	sadd.s32 s6, s5;
	s6 =	sshrl.u32 s18, $0x2  }
0xb: {  	s8 =	ssub.s32 s19, s20;
	s25 =	sadd.s32 s2, s7;
	s18 =	simm.s32 $0x4800  }
0xc: {  	s19 =	simm.s32 $0x1;
	s20 =	simm.s32 $0x100;
	s2 =	simm.s32 $0x700  }
0xd: {  	s7 =	simm.s32 $0x0;
	s5 =	sshrl.u32 s5, $0x3;
	s26 =	smax.u32 s8, $0x1  }
0xe: {  	s10 =	sadd.s32 s6, s1;
	s12 =	sadd.s32 $0x2200, s25;
	[dreg:$0x9] =	wrdreg s26  }
0xf: {  	s13 =	sadd.s32 $0xC200, s25;
	s21 =	sadd.s32 $0x4000, s10;
	[dreg:$0x3] =	wrdreg s10  }
0x10: {  	s25 =	simm.s32 $0x200;
	s22 =	sadd.s32 $0x8000, s10;
	[dreg:$0x4] =	wrdreg s21  }
0x11: {  	s6 =	simm.s32 $0x780;
	s23 =	sadd.s32 $0xC000, s10;
	[dreg:$0x5] =	wrdreg s22  }
0x12: {  	s0 =	sadd.s32 s5, s0;
	s24 =	sadd.s32 $0x10000, s10;
	[dreg:$0x6] =	wrdreg s23  }
0x13: {  	s26 =	simm.s32 $0x580;
	[dreg:$0x7] =	wrdreg s24;
	s0 =	sadd.s32 $0x3E200, s0  }
0x14: {  	s21 =	simm.s32 $0x2;
	s22 =	simm.s32 $0x480;
	s23 =	simm.s32 $0x180  }
0x15: {  	v0 =	vimm.f32 $0.0e+00;
	s24 =	simm.s32 $0x500;
	[dreg:$0x8] =	wrdreg s0;
	s0 =	simm.s32 $0x380  }
.LBB2_1:
0x16: {  	s8 =	simm.s32 $0x0;
	s9 =	simm.s32 $0x200  }
.LBB2_2:
0x17: {  	p0 =	sne.s32 s9, $0xFE00;
	[tilespmem:s8+$0x870] =	vst v0  }
0x18: {  	[tilespmem:s8+$0x800] =	vst v0  }
0x19: {  	[tilespmem:s8+$0x810] =	vst v0  }
.Ltmp0:
0x1a: {  	[tilespmem:s8+$0x820] =	vst v0;
	(pc) =	sbr.rel @p0 .LBB2_2-.Ltmp0, $4  }
0x1b: {  	[tilespmem:s8+$0x830] =	vst v0  }
0x1c: {  	[tilespmem:s8+$0x840] =	vst v0  }
0x1d: {  	[tilespmem:s8+$0x850] =	vst v0  }
0x1e: {  	[tilespmem:s8+$0x860] =	vst v0;
	s8 =	sshra.s32 s9, $0x2;
	s9 =	sadd.s32 $0x200, s9  }
0x1f: {  	[tilespmem:s8+$0x870] =	vst v0  }
0x20: {  	[tilespmem:s8+$0x800] =	vst v0  }
0x21: {  	[tilespmem:s8+$0x810] =	vst v0  }
0x22: {  	[tilespmem:s8+$0x820] =	vst v0  }
0x23: {  	[tilespmem:s8+$0x830] =	vst v0  }
0x24: {  	[tilespmem:s8+$0x840] =	vst v0  }
0x25: {  	[tilespmem:s8+$0x850] =	vst v0  }
0x26: {  	[tilespmem:s8+$0x860] =	vst v0  }
0x27: {  	[spmem:s10] =	stream.linear.scatter [tilespmem:s14], [sflag:$0x3], $0x4000, $0x38;
	[tilespmem:$0x1C800] =	vst v63  }
0x28: {  	_ =	swait.ge [sflag:s15], $0x4000  }
0x29: {  	[sflag:s15] =	ssyncset.done $0x0  }
0x2a: {  	s5 =	rddreg [dreg:$0x4];
	[sflag:s15] =	ssyncadd.s32 $0xFFFFC000  }
0x2b: {  	[spmem:s5] =	stream.linear.scatter [tilespmem:s14], [sflag:$0x3], $0x4000, $0x38;
	[tilespmem:$0x1C800] =	vst v63  }
0x2c: {  	_ =	swait.ge [sflag:s15], $0x4000  }
0x2d: {  	[sflag:s15] =	ssyncset.done $0x0  }
0x2e: {  	s11 =	rddreg [dreg:$0x5];
	[sflag:s15] =	ssyncadd.s32 $0xFFFFC000  }
0x2f: {  	[spmem:s11] =	stream.linear.scatter [tilespmem:s14], [sflag:$0x3], $0x4000, $0x38;
	[tilespmem:$0x1C800] =	vst v63  }
0x30: {  	_ =	swait.ge [sflag:s15], $0x4000  }
0x31: {  	[sflag:s15] =	ssyncset.done $0x0  }
0x32: {  	s8 =	rddreg [dreg:$0x6];
	[sflag:s15] =	ssyncadd.s32 $0xFFFFC000  }
0x33: {  	[spmem:s8] =	stream.linear.scatter [tilespmem:s14], [sflag:$0x3], $0x4000, $0x38;
	[tilespmem:$0x1C800] =	vst v63  }
0x34: {  	_ =	swait.ge [sflag:s15], $0x4000  }
0x35: {  	[sflag:s15] =	ssyncset.done $0x0  }
0x36: {  	s9 =	rddreg [dreg:$0x7];
	[sflag:s15] =	ssyncadd.s32 $0xFFFFC000  }
0x37: {  	[spmem:s9] =	stream.linear.scatter [tilespmem:s14], [sflag:$0x3], $0x4000, $0x38;
	[tilespmem:$0x1C800] =	vst v63  }
0x38: {  	_ =	swait.ge [sflag:s15], $0x4000  }
0x39: {  	[sflag:s15] =	ssyncset.done $0x0  }
0x3a: {  	[sflag:s15] =	ssyncadd.s32 $0xFFFFC000  }
0x3b: {  	s10 =	sadd.s32 $0x0, s13;
	[bflag:$0x0] =	sbarrier.arrive $0xFFFF  }
0x3c: {  	[tilespmem:s3], [sflag:$0x3] =	stream.linear.gather [hbm4b:s10+s3], $0x400, $0x38;
	[tilespmem:$0x1C800] =	vst v63  }
0x3d: {  	_ =	swait.ge [sflag:s15], $0x400  }
0x3e: {  	[sflag:s15] =	ssyncset.done $0x0  }
0x3f: {  	s11 =	sadd.s32 $0x0, s12;
	[sflag:s15] =	ssyncadd.s32 $0xFFFFFC00  }
0x40: {  	[tilespmem:s16], [sflag:$0x3] =	stream.linear.gather [hbm4b:s11+s3], $0x400, $0x38;
	[tilespmem:$0x1C800] =	vst v63  }
0x41: {  	_ =	swait.ge [sflag:s15], $0x400  }
0x42: {  	[sflag:s15] =	ssyncset.done $0x0  }
0x43: {  	[sflag:s15] =	ssyncadd.s32 $0xFFFFFC00  }
0x44: {  	[tilespmem:s14], [sflag:$0x1] =	stream.indirect.gather [hbm4b:s4+s17], $0x80, s3, s17, $0xb8;
	[tilespmem:$0x1C800] =	vst v63  }
0x45: {  	_ = 	snop  }
0x46: {  	[tilespmem:s18], [sflag:$0x2] =	stream.indirect.gather [hbm4b:s4+s17], $0x80, s17, s17, $0xb8;
	[tilespmem:$0x1C800] =	vst v63  }
0x47: {  	_ =	swait.ge [sflag:s19], $0x4000  }
0x48: {  	[sflag:s19] =	ssyncset.done $0x0  }
0x49: {  	[sflag:s19] =	ssyncadd.s32 $0xFFFFC000  }
0x4a: {  	[spmem:s1] =	stream.indirect.scatter.add.f32 [tilespmem:s14], [sflag:$0x3], $0x80, s16, s17, $0xb8;
	[tilespmem:$0x1C800] =	vst v63  }
0x4b: {  	_ =	swait.ge [sflag:s15], $0x4000  }
0x4c: {  	[sflag:s15] =	ssyncset.done $0x0  }
0x4d: {  	[sflag:s15] =	ssyncadd.s32 $0xFFFFC000  }
0x4e: {  	[tilespmem:s14], [sflag:$0x1] =	stream.indirect.gather [hbm4b:s4+s17], $0x80, s20, s17, $0xb8;
	[tilespmem:$0x1C800] =	vst v63  }
0x4f: {  	_ =	swait.ge [sflag:s21], $0x4000  }
0x50: {  	[sflag:s21] =	ssyncset.done $0x0  }
0x51: {  	[sflag:s21] =	ssyncadd.s32 $0xFFFFC000  }
0x52: {  	[spmem:s1] =	stream.indirect.scatter.add.f32 [tilespmem:s18], [sflag:$0x3], $0x80, s22, s17, $0xb8;
	[tilespmem:$0x1C800] =	vst v63  }
0x53: {  	_ =	swait.ge [sflag:s15], $0x4000  }
0x54: {  	[sflag:s15] =	ssyncset.done $0x0  }
0x55: {  	[sflag:s15] =	ssyncadd.s32 $0xFFFFC000  }
0x56: {  	[tilespmem:s18], [sflag:$0x2] =	stream.indirect.gather [hbm4b:s4+s17], $0x80, s23, s17, $0xb8;
	[tilespmem:$0x1C800] =	vst v63  }
0x57: {  	_ =	swait.ge [sflag:s19], $0x4000  }
0x58: {  	[sflag:s19] =	ssyncset.done $0x0  }
0x59: {  	[sflag:s19] =	ssyncadd.s32 $0xFFFFC000  }
0x5a: {  	[spmem:s1] =	stream.indirect.scatter.add.f32 [tilespmem:s14], [sflag:$0x3], $0x80, s24, s17, $0xb8;
	[tilespmem:$0x1C800] =	vst v63  }
0x5b: {  	_ =	swait.ge [sflag:s15], $0x4000  }
0x5c: {  	[sflag:s15] =	ssyncset.done $0x0  }
0x5d: {  	[sflag:s15] =	ssyncadd.s32 $0xFFFFC000  }
0x5e: {  	[tilespmem:s14], [sflag:$0x1] =	stream.indirect.gather [hbm4b:s4+s17], $0x80, s25, s17, $0xb8;
	[tilespmem:$0x1C800] =	vst v63  }
0x5f: {  	_ =	swait.ge [sflag:s21], $0x4000  }
0x60: {  	[sflag:s21] =	ssyncset.done $0x0  }
0x61: {  	[sflag:s21] =	ssyncadd.s32 $0xFFFFC000  }
0x62: {  	[spmem:s1] =	stream.indirect.scatter.add.f32 [tilespmem:s18], [sflag:$0x3], $0x80, s26, s17, $0xb8;
	[tilespmem:$0x1C800] =	vst v63  }
0x63: {  	_ =	swait.ge [sflag:s15], $0x4000  }
0x64: {  	[sflag:s15] =	ssyncset.done $0x0  }
0x65: {  	[sflag:s15] =	ssyncadd.s32 $0xFFFFC000  }
0x66: {  	[tilespmem:s18], [sflag:$0x2] =	stream.indirect.gather [hbm4b:s4+s17], $0x80, s28, s17, $0xb8;
	[tilespmem:$0x1C800] =	vst v63  }
0x67: {  	_ =	swait.ge [sflag:s19], $0x4000  }
0x68: {  	[sflag:s19] =	ssyncset.done $0x0  }
0x69: {  	[sflag:s19] =	ssyncadd.s32 $0xFFFFC000  }
0x6a: {  	[spmem:s1] =	stream.indirect.scatter.add.f32 [tilespmem:s14], [sflag:$0x3], $0x80, s29, s17, $0xb8;
	[tilespmem:$0x1C800] =	vst v63  }
0x6b: {  	_ =	swait.ge [sflag:s15], $0x4000  }
0x6c: {  	[sflag:s15] =	ssyncset.done $0x0  }
0x6d: {  	[sflag:s15] =	ssyncadd.s32 $0xFFFFC000  }
0x6e: {  	[tilespmem:s14], [sflag:$0x1] =	stream.indirect.gather [hbm4b:s4+s17], $0x80, s30, s17, $0xb8;
	[tilespmem:$0x1C800] =	vst v63  }
0x6f: {  	_ =	swait.ge [sflag:s21], $0x4000  }
0x70: {  	[sflag:s21] =	ssyncset.done $0x0  }
0x71: {  	[sflag:s21] =	ssyncadd.s32 $0xFFFFC000  }
0x72: {  	[spmem:s1] =	stream.indirect.scatter.add.f32 [tilespmem:s18], [sflag:$0x3], $0x80, s31, s17, $0xb8;
	[tilespmem:$0x1C800] =	vst v63  }
0x73: {  	_ =	swait.ge [sflag:s15], $0x4000  }
0x74: {  	[sflag:s15] =	ssyncset.done $0x0  }
0x75: {  	[sflag:s15] =	ssyncadd.s32 $0xFFFFC000  }
0x76: {  	[tilespmem:s18], [sflag:$0x2] =	stream.indirect.gather [hbm4b:s4+s17], $0x80, s0, s17, $0xb8;
	[tilespmem:$0x1C800] =	vst v63  }
0x77: {  	_ =	swait.ge [sflag:s19], $0x4000  }
0x78: {  	[sflag:s19] =	ssyncset.done $0x0  }
0x79: {  	[sflag:s19] =	ssyncadd.s32 $0xFFFFC000  }
0x7a: {  	[spmem:s1] =	stream.indirect.scatter.add.f32 [tilespmem:s14], [sflag:$0x3], $0x80, s2, s17, $0xb8;
	[tilespmem:$0x1C800] =	vst v63  }
0x7b: {  	_ =	swait.ge [sflag:s15], $0x4000  }
0x7c: {  	[sflag:s15] =	ssyncset.done $0x0  }
0x7d: {  	[sflag:s15] =	ssyncadd.s32 $0xFFFFC000  }
0x7e: {  	_ =	swait.ge [sflag:s21], $0x4000  }
0x7f: {  	[sflag:s21] =	ssyncset.done $0x0  }
0x80: {  	[sflag:s21] =	ssyncadd.s32 $0xFFFFC000  }
0x81: {  	[spmem:s1] =	stream.indirect.scatter.add.f32 [tilespmem:s18], [sflag:$0x3], $0x80, s6, s17, $0xb8;
	[tilespmem:$0x1C800] =	vst v63  }
0x82: {  	_ =	swait.ge [sflag:s15], $0x4000  }
0x83: {  	s8 =	simm.s32 $0x80;
	s9 =	simm.s32 $0x100;
	[sflag:s15] =	ssyncset.done $0x0  }
.LBB2_4:
0x84: {  	s11 =	sadd.s32 s8, s13  }
0x85: {  	[sflag:s15] =	ssyncadd.s32 $0xFFFFC000;
	s5 =	smov.u32 s9;
	s10 =	sadd.s32 $0x80, s9  }
0x86: {  	[tilespmem:s3], [sflag:$0x3] =	stream.linear.gather [hbm4b:s11+s3], $0x400, $0x38;
	[tilespmem:$0x1C800] =	vst v63  }
0x87: {  	p0 =	sne.s32 s9, $0x480;
	_ =	swait.ge [sflag:s15], $0x400  }
0x88: {  	[sflag:s15] =	ssyncset.done $0x0  }
0x89: {  	s9 =	sadd.s32 s8, s12;
	s8 =	smov.u32 s5;
	[sflag:s15] =	ssyncadd.s32 $0xFFFFFC00  }
0x8a: {  	[tilespmem:s16], [sflag:$0x3] =	stream.linear.gather [hbm4b:s9+s3], $0x400, $0x38;
	[tilespmem:$0x1C800] =	vst v63  }
0x8b: {  	_ =	swait.ge [sflag:s15], $0x400  }
0x8c: {  	[sflag:s15] =	ssyncset.done $0x0  }
0x8d: {  	[sflag:s15] =	ssyncadd.s32 $0xFFFFFC00  }
0x8e: {  	[tilespmem:s14], [sflag:$0x1] =	stream.indirect.gather [hbm4b:s4+s17], $0x80, s3, s17, $0xb8;
	[tilespmem:$0x1C800] =	vst v63  }
0x8f: {  	_ = 	snop  }
0x90: {  	[tilespmem:s18], [sflag:$0x2] =	stream.indirect.gather [hbm4b:s4+s17], $0x80, s17, s17, $0xb8;
	[tilespmem:$0x1C800] =	vst v63  }
0x91: {  	_ =	swait.ge [sflag:s19], $0x4000  }
0x92: {  	[sflag:s19] =	ssyncset.done $0x0  }
0x93: {  	[sflag:s19] =	ssyncadd.s32 $0xFFFFC000  }
0x94: {  	[spmem:s1] =	stream.indirect.scatter.add.f32 [tilespmem:s14], [sflag:$0x3], $0x80, s16, s17, $0xb8;
	[tilespmem:$0x1C800] =	vst v63  }
0x95: {  	_ =	swait.ge [sflag:s15], $0x4000  }
0x96: {  	[sflag:s15] =	ssyncset.done $0x0  }
0x97: {  	[sflag:s15] =	ssyncadd.s32 $0xFFFFC000  }
0x98: {  	[tilespmem:s14], [sflag:$0x1] =	stream.indirect.gather [hbm4b:s4+s17], $0x80, s20, s17, $0xb8;
	[tilespmem:$0x1C800] =	vst v63  }
0x99: {  	_ =	swait.ge [sflag:s21], $0x4000  }
0x9a: {  	[sflag:s21] =	ssyncset.done $0x0  }
0x9b: {  	[sflag:s21] =	ssyncadd.s32 $0xFFFFC000  }
0x9c: {  	[spmem:s1] =	stream.indirect.scatter.add.f32 [tilespmem:s18], [sflag:$0x3], $0x80, s22, s17, $0xb8;
	[tilespmem:$0x1C800] =	vst v63  }
0x9d: {  	_ =	swait.ge [sflag:s15], $0x4000  }
0x9e: {  	[sflag:s15] =	ssyncset.done $0x0  }
0x9f: {  	[sflag:s15] =	ssyncadd.s32 $0xFFFFC000  }
0xa0: {  	[tilespmem:s18], [sflag:$0x2] =	stream.indirect.gather [hbm4b:s4+s17], $0x80, s23, s17, $0xb8;
	[tilespmem:$0x1C800] =	vst v63  }
0xa1: {  	_ =	swait.ge [sflag:s19], $0x4000  }
0xa2: {  	[sflag:s19] =	ssyncset.done $0x0  }
0xa3: {  	[sflag:s19] =	ssyncadd.s32 $0xFFFFC000  }
0xa4: {  	[spmem:s1] =	stream.indirect.scatter.add.f32 [tilespmem:s14], [sflag:$0x3], $0x80, s24, s17, $0xb8;
	[tilespmem:$0x1C800] =	vst v63  }
0xa5: {  	_ =	swait.ge [sflag:s15], $0x4000  }
0xa6: {  	[sflag:s15] =	ssyncset.done $0x0  }
0xa7: {  	[sflag:s15] =	ssyncadd.s32 $0xFFFFC000  }
0xa8: {  	[tilespmem:s14], [sflag:$0x1] =	stream.indirect.gather [hbm4b:s4+s17], $0x80, s25, s17, $0xb8;
	[tilespmem:$0x1C800] =	vst v63  }
0xa9: {  	_ =	swait.ge [sflag:s21], $0x4000  }
0xaa: {  	[sflag:s21] =	ssyncset.done $0x0  }
0xab: {  	[sflag:s21] =	ssyncadd.s32 $0xFFFFC000  }
0xac: {  	[spmem:s1] =	stream.indirect.scatter.add.f32 [tilespmem:s18], [sflag:$0x3], $0x80, s26, s17, $0xb8;
	[tilespmem:$0x1C800] =	vst v63  }
0xad: {  	_ =	swait.ge [sflag:s15], $0x4000  }
0xae: {  	[sflag:s15] =	ssyncset.done $0x0  }
0xaf: {  	[sflag:s15] =	ssyncadd.s32 $0xFFFFC000  }
0xb0: {  	[tilespmem:s18], [sflag:$0x2] =	stream.indirect.gather [hbm4b:s4+s17], $0x80, s28, s17, $0xb8;
	[tilespmem:$0x1C800] =	vst v63  }
0xb1: {  	_ =	swait.ge [sflag:s19], $0x4000  }
0xb2: {  	[sflag:s19] =	ssyncset.done $0x0  }
0xb3: {  	[sflag:s19] =	ssyncadd.s32 $0xFFFFC000  }
0xb4: {  	[spmem:s1] =	stream.indirect.scatter.add.f32 [tilespmem:s14], [sflag:$0x3], $0x80, s29, s17, $0xb8;
	[tilespmem:$0x1C800] =	vst v63  }
0xb5: {  	_ =	swait.ge [sflag:s15], $0x4000  }
0xb6: {  	[sflag:s15] =	ssyncset.done $0x0  }
0xb7: {  	[sflag:s15] =	ssyncadd.s32 $0xFFFFC000  }
0xb8: {  	[tilespmem:s14], [sflag:$0x1] =	stream.indirect.gather [hbm4b:s4+s17], $0x80, s30, s17, $0xb8;
	[tilespmem:$0x1C800] =	vst v63  }
0xb9: {  	_ =	swait.ge [sflag:s21], $0x4000  }
0xba: {  	[sflag:s21] =	ssyncset.done $0x0  }
0xbb: {  	[sflag:s21] =	ssyncadd.s32 $0xFFFFC000  }
0xbc: {  	[spmem:s1] =	stream.indirect.scatter.add.f32 [tilespmem:s18], [sflag:$0x3], $0x80, s31, s17, $0xb8;
	[tilespmem:$0x1C800] =	vst v63  }
0xbd: {  	_ =	swait.ge [sflag:s15], $0x4000  }
0xbe: {  	[sflag:s15] =	ssyncset.done $0x0  }
0xbf: {  	[sflag:s15] =	ssyncadd.s32 $0xFFFFC000  }
0xc0: {  	[tilespmem:s18], [sflag:$0x2] =	stream.indirect.gather [hbm4b:s4+s17], $0x80, s0, s17, $0xb8;
	[tilespmem:$0x1C800] =	vst v63  }
0xc1: {  	_ =	swait.ge [sflag:s19], $0x4000  }
0xc2: {  	[sflag:s19] =	ssyncset.done $0x0  }
0xc3: {  	[sflag:s19] =	ssyncadd.s32 $0xFFFFC000  }
0xc4: {  	[spmem:s1] =	stream.indirect.scatter.add.f32 [tilespmem:s14], [sflag:$0x3], $0x80, s2, s17, $0xb8;
	[tilespmem:$0x1C800] =	vst v63  }
0xc5: {  	_ =	swait.ge [sflag:s15], $0x4000  }
0xc6: {  	[sflag:s15] =	ssyncset.done $0x0  }
0xc7: {  	[sflag:s15] =	ssyncadd.s32 $0xFFFFC000  }
0xc8: {  	_ =	swait.ge [sflag:s21], $0x4000  }
.Ltmp1:
0xc9: {  	[sflag:s21] =	ssyncset.done $0x0;
	(pc) =	sbr.rel @p0 .LBB2_4-.Ltmp1, $4  }
0xca: {  	[sflag:s21] =	ssyncadd.s32 $0xFFFFC000  }
0xcb: {  	[spmem:s1] =	stream.indirect.scatter.add.f32 [tilespmem:s18], [sflag:$0x3], $0x80, s6, s17, $0xb8;
	[tilespmem:$0x1C800] =	vst v63  }
0xcc: {  	_ =	swait.ge [sflag:s15], $0x4000  }
0xcd: {  	s9 =	smov.u32 s10;
	[sflag:s15] =	ssyncset.done $0x0  }
0xce: {  	s5 =	sadd.s32 s8, s13;
	[sflag:s15] =	ssyncadd.s32 $0xFFFFC000  }
0xcf: {  	[tilespmem:s3], [sflag:$0x3] =	stream.linear.gather [hbm4b:s5+s3], $0x400, $0x38;
	[tilespmem:$0x1C800] =	vst v63  }
0xd0: {  	_ =	swait.ge [sflag:s15], $0x400  }
0xd1: {  	[sflag:s15] =	ssyncset.done $0x0  }
0xd2: {  	s9 =	sadd.s32 s8, s12;
	[sflag:s15] =	ssyncadd.s32 $0xFFFFFC00  }
0xd3: {  	[tilespmem:s16], [sflag:$0x3] =	stream.linear.gather [hbm4b:s9+s3], $0x400, $0x38;
	[tilespmem:$0x1C800] =	vst v63  }
0xd4: {  	_ =	swait.ge [sflag:s15], $0x400  }
0xd5: {  	[sflag:s15] =	ssyncset.done $0x0  }
0xd6: {  	[sflag:s15] =	ssyncadd.s32 $0xFFFFFC00  }
0xd7: {  	[tilespmem:s14], [sflag:$0x1] =	stream.indirect.gather [hbm4b:s4+s17], $0x80, s3, s17, $0xb8;
	[tilespmem:$0x1C800] =	vst v63  }
0xd8: {  	_ = 	snop  }
0xd9: {  	[tilespmem:s18], [sflag:$0x2] =	stream.indirect.gather [hbm4b:s4+s17], $0x80, s17, s17, $0xb8;
	[tilespmem:$0x1C800] =	vst v63  }
0xda: {  	_ =	swait.ge [sflag:s19], $0x4000  }
0xdb: {  	[sflag:s19] =	ssyncset.done $0x0  }
0xdc: {  	[sflag:s19] =	ssyncadd.s32 $0xFFFFC000  }
0xdd: {  	[spmem:s1] =	stream.indirect.scatter.add.f32 [tilespmem:s14], [sflag:$0x3], $0x80, s16, s17, $0xb8;
	[tilespmem:$0x1C800] =	vst v63  }
0xde: {  	_ =	swait.ge [sflag:s15], $0x4000  }
0xdf: {  	[sflag:s15] =	ssyncset.done $0x0  }
0xe0: {  	[sflag:s15] =	ssyncadd.s32 $0xFFFFC000  }
0xe1: {  	[tilespmem:s14], [sflag:$0x1] =	stream.indirect.gather [hbm4b:s4+s17], $0x80, s20, s17, $0xb8;
	[tilespmem:$0x1C800] =	vst v63  }
0xe2: {  	_ =	swait.ge [sflag:s21], $0x4000  }
0xe3: {  	[sflag:s21] =	ssyncset.done $0x0  }
0xe4: {  	[sflag:s21] =	ssyncadd.s32 $0xFFFFC000  }
0xe5: {  	[spmem:s1] =	stream.indirect.scatter.add.f32 [tilespmem:s18], [sflag:$0x3], $0x80, s22, s17, $0xb8;
	[tilespmem:$0x1C800] =	vst v63  }
0xe6: {  	_ =	swait.ge [sflag:s15], $0x4000  }
0xe7: {  	[sflag:s15] =	ssyncset.done $0x0  }
0xe8: {  	[sflag:s15] =	ssyncadd.s32 $0xFFFFC000  }
0xe9: {  	[tilespmem:s18], [sflag:$0x2] =	stream.indirect.gather [hbm4b:s4+s17], $0x80, s23, s17, $0xb8;
	[tilespmem:$0x1C800] =	vst v63  }
0xea: {  	_ =	swait.ge [sflag:s19], $0x4000  }
0xeb: {  	[sflag:s19] =	ssyncset.done $0x0  }
0xec: {  	[sflag:s19] =	ssyncadd.s32 $0xFFFFC000  }
0xed: {  	[spmem:s1] =	stream.indirect.scatter.add.f32 [tilespmem:s14], [sflag:$0x3], $0x80, s24, s17, $0xb8;
	[tilespmem:$0x1C800] =	vst v63  }
0xee: {  	_ =	swait.ge [sflag:s15], $0x4000  }
0xef: {  	[sflag:s15] =	ssyncset.done $0x0  }
0xf0: {  	[sflag:s15] =	ssyncadd.s32 $0xFFFFC000  }
0xf1: {  	[tilespmem:s14], [sflag:$0x1] =	stream.indirect.gather [hbm4b:s4+s17], $0x80, s25, s17, $0xb8;
	[tilespmem:$0x1C800] =	vst v63  }
0xf2: {  	_ =	swait.ge [sflag:s21], $0x4000  }
0xf3: {  	[sflag:s21] =	ssyncset.done $0x0  }
0xf4: {  	[sflag:s21] =	ssyncadd.s32 $0xFFFFC000  }
0xf5: {  	[spmem:s1] =	stream.indirect.scatter.add.f32 [tilespmem:s18], [sflag:$0x3], $0x80, s26, s17, $0xb8;
	[tilespmem:$0x1C800] =	vst v63  }
0xf6: {  	_ =	swait.ge [sflag:s15], $0x4000  }
0xf7: {  	[sflag:s15] =	ssyncset.done $0x0  }
0xf8: {  	[sflag:s15] =	ssyncadd.s32 $0xFFFFC000  }
0xf9: {  	[tilespmem:s18], [sflag:$0x2] =	stream.indirect.gather [hbm4b:s4+s17], $0x80, s28, s17, $0xb8;
	[tilespmem:$0x1C800] =	vst v63  }
0xfa: {  	_ =	swait.ge [sflag:s19], $0x4000  }
0xfb: {  	[sflag:s19] =	ssyncset.done $0x0  }
0xfc: {  	[sflag:s19] =	ssyncadd.s32 $0xFFFFC000  }
0xfd: {  	[spmem:s1] =	stream.indirect.scatter.add.f32 [tilespmem:s14], [sflag:$0x3], $0x80, s29, s17, $0xb8;
	[tilespmem:$0x1C800] =	vst v63  }
0xfe: {  	_ =	swait.ge [sflag:s15], $0x4000  }
0xff: {  	[sflag:s15] =	ssyncset.done $0x0  }
0x100: {  	[sflag:s15] =	ssyncadd.s32 $0xFFFFC000  }
0x101: {  	[tilespmem:s14], [sflag:$0x1] =	stream.indirect.gather [hbm4b:s4+s17], $0x80, s30, s17, $0xb8;
	[tilespmem:$0x1C800] =	vst v63  }
0x102: {  	_ =	swait.ge [sflag:s21], $0x4000  }
0x103: {  	[sflag:s21] =	ssyncset.done $0x0  }
0x104: {  	[sflag:s21] =	ssyncadd.s32 $0xFFFFC000  }
0x105: {  	[spmem:s1] =	stream.indirect.scatter.add.f32 [tilespmem:s18], [sflag:$0x3], $0x80, s31, s17, $0xb8;
	[tilespmem:$0x1C800] =	vst v63  }
0x106: {  	_ =	swait.ge [sflag:s15], $0x4000  }
0x107: {  	[sflag:s15] =	ssyncset.done $0x0  }
0x108: {  	[sflag:s15] =	ssyncadd.s32 $0xFFFFC000  }
0x109: {  	[tilespmem:s18], [sflag:$0x2] =	stream.indirect.gather [hbm4b:s4+s17], $0x80, s0, s17, $0xb8;
	[tilespmem:$0x1C800] =	vst v63  }
0x10a: {  	_ =	swait.ge [sflag:s19], $0x4000  }
0x10b: {  	[sflag:s19] =	ssyncset.done $0x0  }
0x10c: {  	[sflag:s19] =	ssyncadd.s32 $0xFFFFC000  }
0x10d: {  	[spmem:s1] =	stream.indirect.scatter.add.f32 [tilespmem:s14], [sflag:$0x3], $0x80, s2, s17, $0xb8;
	[tilespmem:$0x1C800] =	vst v63  }
0x10e: {  	_ =	swait.ge [sflag:s15], $0x4000  }
0x10f: {  	[sflag:s15] =	ssyncset.done $0x0  }
0x110: {  	[sflag:s15] =	ssyncadd.s32 $0xFFFFC000  }
0x111: {  	_ =	swait.ge [sflag:s21], $0x4000  }
0x112: {  	[sflag:s21] =	ssyncset.done $0x0  }
0x113: {  	[sflag:s21] =	ssyncadd.s32 $0xFFFFC000  }
0x114: {  	[spmem:s1] =	stream.indirect.scatter.add.f32 [tilespmem:s18], [sflag:$0x3], $0x80, s6, s17, $0xb8;
	[tilespmem:$0x1C800] =	vst v63  }
0x115: {  	_ =	swait.ge [sflag:s15], $0x4000  }
0x116: {  	[sflag:s15] =	ssyncset.done $0x0  }
0x117: {  	[sflag:s15] =	ssyncadd.s32 $0xFFFFC000  }
0x118: {  	s10 =	stileid.u32;
	[bflag:$0x0] =	sbarrier.arrive $0xFFFF  }
0x119: {  	s5 =	sshll.u32 s10, $0x6;
	s10 =	rddreg [dreg:$0x3]  }
0x11a: {  	s5 =	sor.u32 $0x1C03, s5;
	s9 =	rddreg [dreg:$0x8];
	s11 =	sshrl.u32 s10, $0x3  }
0x11b: {  	[hbm:s9], [sflag:s5] =	dma.local [spmem:s11], $0x2800  }
0x11c: {  	_ =	swait.ge [sflag:s15], $0x2800  }
0x11d: {  	s7 =	sadd.s32 $0x1, s7;
	s11 =	rddreg [dreg:$0x9]  }
0x11e: {  	p0 =	sne.s32 s7, s11  }
.Ltmp2:
0x11f: {  	_ = 	snop;
	(pc) =	sbr.rel @p0 .LBB2_1-.Ltmp2, $3  }
0x120: {  	_ =	sdelay $0x1  }
0x121: {  	[sflag:s15] =	ssyncset.done $0x0  }
0x122: {  	[sflag:s15] =	ssyncadd.s32 $0xFFFFD800  }
0x123: {  	_ =	sfence.sel $0x180000  }
0x124: {  	[bflag:$0x0] =	sbarrier.arrive $0xFFFF  }
0x125: {  	_ =	strace $0x9000004D  }
0x126: {  	s0 =	stileid.u32;
	[bflag:$0x2] =	sbarrier.arrive $0xFFFF  }
0x127: {  	p0 =	sne.s32 s0, $0x0;
	s0 =	rddreg [dreg:$0x2]  }
0x128: {  	s0 =	sadd.s32 @!p0 $0x100000, s0  }
0x129: {  	[sflag:s0] =	ssyncadd.tile.s32 @!p0 $0x1;
	_ =	shalt  }
.Lfunc_end2:
_tile_overlayer_lowered:
.L_overlay_start_2:
0x12a: {  	(tag) =	ssettag $0x2  }
0x12b: {  	s0 =	rddreg [dreg:$0x0];
	s2 =	stileid.u32  }
0x12c: {  	s1 =	rddreg [dreg:$0x1];
	p0 =	sne.s32 s2, $0x0  }
0x12d: {  	s3 =	rddreg [dreg:$0x2];
	[bflag:$0x3] =	sbarrier.arrive $0xFFFF;
	s2 =	simm.s32 @!p0 $0x1C03  }
0x12e: {  	[timem:s3], [sflag:s2] =	dma.local @!p0 [hbm:s0], s1  }
0x12f: {  	s0 =	simm.s32 @!p0 $0x3  }
0x130: {  	_ =	swait.ge @!p0 [sflag:s0], s1  }
0x131: {  	s1 =	ssub.s32 @!p0 $0x0, s1;
	[sflag:s0] =	ssyncset.done @!p0 $0x0  }
0x132: {  	[sflag:s0] =	ssyncadd.s32 @!p0 s1  }
0x133: {  	[bflag:$0x3] =	sbarrier.arrive $0xFFFF  }
0x134: {  	_ =	shalt  }

// kernel: kernel.8.cloned.1.call-start
scs
__scs_entry_jumppad:
0x0: {  	(pc) =	sbr.rel $0x88, $3  }
0x1: {  	(tag) =	ssettag $0x0;
	lr =	simm.s32 $0x1  }
0x2: {  	[smem:$0x3F9B] =	sst lr;
	_ =	strace $0xD0000000  }
0x3: {  	_ = 	snop  }
0x4: {  	_ = 	snop  }
0x5: {  	_ = 	snop  }
0x6: {  	_ = 	snop  }
0x7: {  	_ = 	snop  }
__scs_overlays_trampoline_lowered:
0x8: {  	[smem:$0x3FAA] =	sst s0  }
0x9: {  	[smem:$0x3FAB] =	sst s1  }
0xa: {  	[smem:$0x3FAC] =	sst s2  }
0xb: {  	[smem:$0x3FAD] =	sst s3  }
0xc: {  	[smem:$0x3FAE] =	sst s4  }
0xd: {  	[smem:$0x3FAF] =	sst s5  }
0xe: {  	[smem:$0x3FB0] =	sst s6  }
0xf: {  	[smem:$0x3FB1] =	sst s7  }
0x10: {  	[smem:$0x3FB2] =	sst s8  }
0x11: {  	[smem:$0x3FB3] =	sst s9;
	s0 =	simm.s32 @!p0 $0x0  }
0x12: {  	s1 =	sld [smem:$0x3F99];
	s0 =	simm.s32 @p0 $0x1  }
0x13: {  	[smem:$0x3FB4] =	sst s0;
	s0 =	simm.s32 @!p1 $0x0  }
0x14: {  	s2 =	sld [smem:$0x3F98];
	s0 =	simm.s32 @p1 $0x1  }
0x15: {  	[smem:$0x3FB5] =	sst s0;
	s0 =	simm.s32 @!p2 $0x0  }
0x16: {  	s3 =	sld [smem:$0x3FDB];
	s0 =	simm.s32 @p2 $0x1  }
0x17: {  	s4 =	simm.s32 $0x1BF5;
	[smem:$0x3FB7] =	sst s0  }
0x18: {  	s0 =	sld [smem:$0x3F9A];
	_ =	swait.ge [sflag:s4], $0x0  }
0x19: {  	s7 =	sld [smem:$0x3F9B]  }
0x1a: {  	s8 =	sadd.s32 $0xFFFFE003, lr  }
0x1b: {  	s9 =	sadd.s32 $0xFFFFFEF7, lr;
	s5 =	simm.s32 $0xFFFFFFFF;
	p2 =	slt.u32 s8, $0xFFFFF086  }
0x1c: {  	p1 =	slt.u32 s9, $0xF7A;
	s5 =	simm.s32 @!p2 $0x0  }
0x1d: {  	s5 =	simm.s32 @p1 $0x1;
	p0 =	seq.s32 s7, s2  }
0x1e: {  	s7 =	smul.u32 @!p0 $0xF7A, s2;
	p2 =	seq.s32 @!p0 s5, $0x0  }
0x1f: {  	s9 =	smul.u32 $0xF7A, s1;
	s8 =	simm.s32 @!p0 $0x1BF5;
	p2 =	por !p2, p0  }
0x20: {  	[sflag:s8] =	ssyncset.s32 @!p0 $0xFFFFF086;
	s6 =	sadd.s32 @!p0 s3, s7;
	s7 =	simm.s32 @!p0 $0x108  }
0x21: {  	s3 =	sadd.s32 s3, s9;
	s6 =	sadd.s32 @!p0 $0x88, s6;
	s7 =	simm.s32 @p2 $0x1082  }
0x22: {  	[simem:s7], [sflag:s8] =	dma.local @!p0 [hbm:s6], $0xF7A  }
0x23: {  	s9 =	sor.u32 $0xD0000000, s2;
	s6 =	simm.s32 $0x108;
	_ =	swait.ge @!p0 [sflag:s8], $0x0  }
0x24: {  	s3 =	sadd.s32 $0x88, s3;
	s6 =	simm.s32 @!p1 $0x1082;
	[sflag:s4] =	ssyncset.s32 $0xFFFFF086  }
0x25: {  	[simem:s6], [sflag:s4] =	dma.local [hbm:s3], $0xF7A  }
0x26: {  	[smem:$0x3F9B] =	sst s1;
	(tag) =	ssettag s2;
	_ =	strace s9  }
0x27: {  	s1 =	sld [smem:$0x3FAB]  }
0x28: {  	s2 =	sld [smem:$0x3FAC]  }
0x29: {  	s4 =	sld [smem:$0x3FAE]  }
0x2a: {  	p0 =	seq.s32 s5, $0x0;
	s5 =	sld [smem:$0x3FAF]  }
0x2b: {  	s6 =	sld [smem:$0x3FB0]  }
0x2c: {  	s7 =	sld [smem:$0x3FB1]  }
0x2d: {  	s3 =	simm.s32 $0x108;
	s8 =	sld [smem:$0x3FB2]  }
0x2e: {  	s3 =	simm.s32 @!p0 $0x1082;
	s9 =	sld [smem:$0x3FB3]  }
0x2f: {  	lr =	sadd.s32 s0, s3;
	s0 =	sld [smem:$0x3FAA]  }
0x30: {  	s3 =	sld [smem:$0x3FAD]  }
0x31: {  	[smem:$0x3FB6] =	sst s10  }
0x32: {  	s10 =	sld [smem:$0x3FB4];
	_ =	sdelay $0x3  }
0x33: {  	p0 =	seq.s32 s10, $0x1;
	s10 =	sld [smem:$0x3FB6];
	_ =	sdelay $0x3  }
0x34: {  	[smem:$0x3FB6] =	sst s10  }
0x35: {  	s10 =	sld [smem:$0x3FB5];
	_ =	sdelay $0x3  }
0x36: {  	p1 =	seq.s32 s10, $0x1;
	s10 =	sld [smem:$0x3FB6];
	_ =	sdelay $0x3  }
0x37: {  	[smem:$0x3FB6] =	sst s10  }
0x38: {  	s10 =	sld [smem:$0x3FB7]  }
0x39: {  	_ = 	snop;
	(pc) =	sbr.ind lr, $3  }
0x3a: {  	_ = 	snop  }
0x3b: {  	_ = 	snop  }
0x3c: {  	p2 =	seq.s32 s10, $0x1;
	s10 =	sld [smem:$0x3FB6]  }
0x3d: {  	_ =	shalt  }
0x3e: {  	_ =	shalt  }
0x3f: {  	_ =	shalt  }
0x40: {  	_ =	shalt  }
0x41: {  	_ =	shalt  }
0x42: {  	_ =	shalt  }
0x43: {  	_ =	shalt  }
0x44: {  	_ =	shalt  }
0x45: {  	_ =	shalt  }
0x46: {  	_ =	shalt  }
0x47: {  	_ =	shalt  }
0x48: {  	_ =	shalt  }
0x49: {  	_ =	shalt  }
0x4a: {  	_ =	shalt  }
0x4b: {  	_ =	shalt  }
0x4c: {  	_ =	shalt  }
0x4d: {  	_ =	shalt  }
0x4e: {  	_ =	shalt  }
0x4f: {  	_ =	shalt  }
0x50: {  	_ =	shalt  }
0x51: {  	_ =	shalt  }
0x52: {  	_ =	shalt  }
0x53: {  	_ =	shalt  }
0x54: {  	_ =	shalt  }
0x55: {  	_ =	shalt  }
0x56: {  	_ =	shalt  }
0x57: {  	_ =	shalt  }
0x58: {  	_ =	shalt  }
0x59: {  	_ =	shalt  }
0x5a: {  	_ =	shalt  }
0x5b: {  	_ =	shalt  }
0x5c: {  	_ =	shalt  }
0x5d: {  	_ =	shalt  }
0x5e: {  	_ =	shalt  }
0x5f: {  	_ =	shalt  }
0x60: {  	_ =	shalt  }
0x61: {  	_ =	shalt  }
0x62: {  	_ =	shalt  }
0x63: {  	_ =	shalt  }
0x64: {  	_ =	shalt  }
0x65: {  	_ =	shalt  }
0x66: {  	_ =	shalt  }
0x67: {  	_ =	shalt  }
0x68: {  	_ =	shalt  }
0x69: {  	_ =	shalt  }
0x6a: {  	_ =	shalt  }
0x6b: {  	_ =	shalt  }
0x6c: {  	_ =	shalt  }
0x6d: {  	_ =	shalt  }
0x6e: {  	_ =	shalt  }
0x6f: {  	_ =	shalt  }
0x70: {  	_ =	shalt  }
0x71: {  	_ =	shalt  }
0x72: {  	_ =	shalt  }
0x73: {  	_ =	shalt  }
0x74: {  	_ =	shalt  }
0x75: {  	_ =	shalt  }
0x76: {  	_ =	shalt  }
0x77: {  	_ =	shalt  }
0x78: {  	_ =	shalt  }
0x79: {  	_ =	shalt  }
0x7a: {  	_ =	shalt  }
0x7b: {  	_ =	shalt  }
0x7c: {  	_ =	shalt  }
0x7d: {  	_ =	shalt  }
0x7e: {  	_ =	shalt  }
0x7f: {  	_ =	shalt  }
0x80: {  	_ =	shalt  }
0x81: {  	_ =	shalt  }
0x82: {  	_ =	shalt  }
0x83: {  	_ =	shalt  }
0x84: {  	_ =	shalt  }
0x85: {  	_ =	shalt  }
0x86: {  	_ =	shalt  }
0x87: {  	_ =	shalt  }
.Lfunc_end0:
.L_simem_size_0:
called_computation_lowered:
.L_overlay_start_0:
0x88: {  	s2 =	sld [smem:$0x3FD9]  }
0x89: {  	s3 =	sld [smem:$0x3FFE];
	_ =	sdelay $0x1  }
0x8a: {  	s1 =	srdreg.scid  }
0x8b: {  	s0 =	sand.u32 $0x1, s1  }
0x8c: {  	s16 =	sshll.u32 s0, $0xA;
	s2 =	sadd.s32 s3, s2  }
0x8d: {  	s2 =	sadd.s32 s2, s16  }
0x8e: {  	[smem:$0x3FC2] =	sst s2  }
0x8f: {  	_ = 	snop  }
0x90: {  	(tm) =	ssettm $0x1  }
0x91: {  	s17 =	sld [smem:$0x3FFB];
	_ =	sdelay $0x3  }
0x92: {  	_ =	strace s17  }
0x93: {  	s2 =	sld [smem:$0x3FFC];
	_ =	sdelay $0x3  }
0x94: {  	_ =	strace s2  }
0x95: {  	s2 =	sld [smem:$0x3FFD];
	_ =	sdelay $0x3  }
0x96: {  	_ =	strace s2  }
0x97: {  	_ =	strace $0x8FFFFFFF  }
0x98: {  	s18 =	sld [smem:$0x3FDB];
	_ =	sdelay $0x1  }
0x99: {  	s19 =	simm.s32 $_scs_section_size  }
0x9a: {  	s4 =	simm.s32 $_size__tile_overlayer_lowered;
	s5 =	simm.s32 $_tile_overlayer_lowered  }
0x9b: {  	s22 =	simm.s32 $0x1BFF;
	s21 =	sshll.u32 s5, $0x1;
	s2 =	sadd.s32 s19, s18  }
0x9c: {  	s6 =	simm.s32 $0x0;
	s20 =	sshll.u32 s4, $0x1;
	s4 =	sadd.s32 s21, s2  }
0x9d: {  	[timem:s6], [sflag:s22] =	dma.local [hbm:s4], s20  }
0x9e: {  	_ =	swait.ge [sflag:s22], s20  }
0x9f: {  	s3 =	ssub.s32 $0x0, s20;
	[sflag:s22] =	ssyncset.done $0x0  }
0xa0: {  	[sflag:s22] =	ssyncadd.s32 s3;
	_ =	sdelay $0x1  }
0xa1: {  	s23 =	simm.s32 $0x1B8B  }
0xa2: {  	_ =	swait.ge [sflag:s23], $0x1  }
0xa3: {  	[sflag:s23] =	ssyncset.done $0x0  }
0xa4: {  	s25 =	simm.s32 $0x1B8E;
	s24 =	sld [smem:$0x3FFE];
	[sflag:s23] =	ssyncadd.s32 $0xFFFFFFFF  }
0xa5: {  	s26 =	simm.s32 $execute0_lowered;
	[smem:$0x3FD2] =	sst s25  }
0xa6: {  	s4 =	sshll.u32 s26, $0x1;
	_ =	strace $0x80000046;
	[dreg:$0x1] =	wrdreg $0xFFFFFFFF  }
0xa7: {  	s28 =	simm.s32 $_size_execute0_lowered;
	s2 =	sadd.s32 s2, s4;
	[dreg:$0x0] =	wrdreg $0x0  }
0xa8: {  	s4 =	sshll.u32 s28, $0x1;
	[dreg:$0x2] =	wrdreg s2  }
0xa9: {  	[dreg:$0x3] =	wrdreg s4  }
0xaa: {  	[dreg:$0x4] =	wrdreg $0xC0  }
0xab: {  	_ =	task [dreg:s6], $0x5FFFF  }
0xac: {  	[dreg:$0x1] =	wrdreg $0xFFFFFFFF  }
0xad: {  	[dreg:$0x0] =	wrdreg $0x60  }
0xae: {  	[dreg:$0x2] =	wrdreg s24  }
0xaf: {  	[dreg:$0x3] =	wrdreg $0x9  }
0xb0: {  	_ =	task.clear_ibuf [dreg:s6], $0x4FFFF;
	_ =	strace $0x90000046  }
0xb1: {  	s29 =	simm.s32 $0x9;
	_ =	strace $0x80000048  }
0xb2: {  	_ =	swait.ge [sflag:s29], $0x1  }
0xb3: {  	[sflag:s29] =	ssyncadd.s32 $0xFFFFFFFF  }
0xb4: {  	_ =	strace $0x90000048  }
0xb5: {  	_ =	sfence  }
0xb6: {  	s30 =	sld [smem:$0x0];
	_ =	sdelay $0x2  }
0xb7: {  	s31 =	sshll.u32 s1, $0xD;
	s1 =	sshrl.u32 s1, $0x2  }
0xb8: {  	s3 =	sand.u32 $0x4000, s31;
	s1 =	sadd.s32 s1, s30  }
0xb9: {  	s0 =	sor.u32 s3, s0;
	s1 =	sshll.u32 s1, $0x11  }
0xba: {  	s0 =	sor.u32 s1, s0  }
0xbb: {  	s0 =	sadd.s32 $0x8F2B, s0  }
0xbc: {  	[sflag:s0] =	ssyncadd.remote.s32 $0x1  }
0xbd: {  	_ =	sfence.sel $0xFFFF  }
0xbe: {  	[dreg:$0x0] =	wrdreg $0xFFFFFFFF;
	(pc) =	sbr.abs _section_cstart, $3  }
0xbf: {  	[dreg:$0x1] =	wrdreg $0xFFFFFFFF  }
0xc0: {  	_ =	task.clear_ibuf [dreg:s6], $0x2FFFF;
	_ =	strace $0x9FFFFFFF  }
0xc1: {  	(tm) =	ssettm $0x7FFFFFFF  }
tec
execute0_lowered:
.L_overlay_start_1:
0x0: {  	(tag) =	ssettag $0x1  }
0x1: {  	s1 =	srdreg.scid  }
0x2: {  	s0 =	stileid.u32;
	s4 =	rddreg [dreg:$0x0];
	s2 =	simm.s32 $0x0  }
0x3: {  	s9 =	simm.s32 $0x2800;
	s3 =	sand.u32 $0x1, s1;
	s30 =	sshll.u32 s0, $0x1  }
0x4: {  	s10 =	simm.s32 $0x5000;
	s11 =	simm.s32 $0x7800;
	s5 =	sor.u32 s3, s30  }
0x5: {  	s12 =	simm.s32 $0x80;
	s13 =	simm.s32 $0x100;
	s6 =	smul.u32 $0x500, s5  }
0x6: {  	[smem:$0x7FF] =	sst s2;
	s3 =	ssub.s32 $0x2, s3;
	s5 =	smul.u32 $0xA00, s5  }
0x7: {  	s1 =	rddreg [dreg:$0x1];
	_ =	strace $0x80000047;
	s31 =	sshrl.u32 s3, $0x1  }
0x8: {  	s8 =	ssub.s32 s3, s31;
	s6 =	sadd.s32 s6, s4;
	s7 =	sadd.s32 s5, s4  }
0x9: {  	s3 =	sadd.s32 $0xC200, s6;
	s4 =	sadd.s32 $0x2200, s6;
	s5 =	sadd.s32 $0x16200, s7  }
0xa: {  	v0 =	vimm.f32 $0.0e+00;
	v1 =	vimm.f32 $1.000000000e+00;
	s6 =	sadd.s32 $0x16210, s7;
	s7 =	smax.u32 s8, $0x1;
	s8 =	simm.s32 $0x1  }
.LBB2_1:
0xb: {  	s14 =	simm.s32 $0x40;
	s15 =	simm.s32 $0x0  }
.LBB2_2:
0xc: {  	p0 =	sne.s32 s14, $0x9FC0;
	[tilespmem:s15+$0x5000] =	vst v0;
	s16 =	smov.u32 s14;
	s14 =	sadd.s32 $0x40, s14  }
.Ltmp0:
0xd: {  	[tilespmem:s15+$0x7800] =	vst v0;
	(pc) =	sbr.rel @p0 .LBB2_2-.Ltmp0, $2  }
0xe: {  	_ =	sdelay $0x2  }
0xf: {  	s15 =	sshra.s32 s16, $0x2  }
0x10: {  	[tilespmem:s15+$0x5000] =	vst v0  }
0x11: {  	[tilespmem:s15+$0x7800] =	vst v0;
	s14 =	simm.s32 $0x0  }
0x12: {  	[tilespmem:s14], [sflag:$0x1] =	stream.linear.gather [hbm4b:s3+s14], $0x2800, $0x38;
	[tilespmem:$0xA000] =	vst v63  }
0x13: {  	_ =	swait.ge [sflag:s8], $0x2800  }
0x14: {  	[sflag:s8] =	ssyncset.done $0x0  }
0x15: {  	[sflag:s8] =	ssyncadd.s32 $0xFFFFD800  }
0x16: {  	[tilespmem:s9], [sflag:$0x1] =	stream.linear.gather [hbm4b:s4+s14], $0x2800, $0x38;
	[tilespmem:$0xA000] =	vst v63  }
0x17: {  	_ =	swait.ge [sflag:s8], $0x2800  }
0x18: {  	[sflag:s8] =	ssyncset.done $0x0  }
0x19: {  	[sflag:s8] =	ssyncadd.s32 $0xFFFFD800  }
.LBB2_4:
0x1a: {  	s15 =	sshra.s32 s14, $0x2  }
0x1b: {  	v2 =	vld [tilespmem:s15+$0x0]  }
0x1c: {  	v3 =	vld [tilespmem:s15+$0x2800];
	_ =	sdelay $0x6  }
0x1d: {  	[tilespmem:v2+s10+$0x0] =	vst.idx.add.f32.msk $0xffff, v1  }
0x1e: {  	[tilespmem:v3+s11+$0x0] =	vst.idx.add.f32.msk $0xffff, v1  }
0x1f: {  	v2 =	vld [tilespmem:s15+$0x10]  }
0x20: {  	v3 =	vld [tilespmem:s15+$0x2810];
	_ =	sdelay $0x6  }
0x21: {  	[tilespmem:v2+s10+$0x0] =	vst.idx.add.f32.msk $0xffff, v1  }
0x22: {  	[tilespmem:v3+s11+$0x0] =	vst.idx.add.f32.msk $0xffff, v1  }
0x23: {  	v2 =	vld [tilespmem:s15+$0x20]  }
0x24: {  	v3 =	vld [tilespmem:s15+$0x2820];
	_ =	sdelay $0x6  }
0x25: {  	[tilespmem:v2+s10+$0x0] =	vst.idx.add.f32.msk $0xffff, v1  }
0x26: {  	[tilespmem:v3+s11+$0x0] =	vst.idx.add.f32.msk $0xffff, v1  }
0x27: {  	v2 =	vld [tilespmem:s15+$0x30]  }
0x28: {  	v3 =	vld [tilespmem:s15+$0x2830];
	_ =	sdelay $0x6  }
0x29: {  	[tilespmem:v2+s10+$0x0] =	vst.idx.add.f32.msk $0xffff, v1  }
0x2a: {  	[tilespmem:v3+s11+$0x0] =	vst.idx.add.f32.msk $0xffff, v1  }
0x2b: {  	v2 =	vld [tilespmem:s15+$0x40]  }
0x2c: {  	v3 =	vld [tilespmem:s15+$0x2840];
	_ =	sdelay $0x6  }
0x2d: {  	[tilespmem:v2+s10+$0x0] =	vst.idx.add.f32.msk $0xffff, v1  }
0x2e: {  	[tilespmem:v3+s11+$0x0] =	vst.idx.add.f32.msk $0xffff, v1  }
0x2f: {  	v2 =	vld [tilespmem:s15+$0x50]  }
0x30: {  	v3 =	vld [tilespmem:s15+$0x2850];
	_ =	sdelay $0x6  }
0x31: {  	[tilespmem:v2+s10+$0x0] =	vst.idx.add.f32.msk $0xffff, v1  }
0x32: {  	[tilespmem:v3+s11+$0x0] =	vst.idx.add.f32.msk $0xffff, v1  }
0x33: {  	v2 =	vld [tilespmem:s15+$0x60]  }
0x34: {  	v3 =	vld [tilespmem:s15+$0x2860];
	_ =	sdelay $0x6  }
0x35: {  	[tilespmem:v2+s10+$0x0] =	vst.idx.add.f32.msk $0xffff, v1  }
0x36: {  	[tilespmem:v3+s11+$0x0] =	vst.idx.add.f32.msk $0xffff, v1  }
0x37: {  	v2 =	vld [tilespmem:s15+$0x70]  }
0x38: {  	v3 =	vld [tilespmem:s15+$0x2870];
	_ =	sdelay $0x2  }
0x39: {  	p0 =	sne.s32 s14, $0x9E00  }
.Ltmp1:
0x3a: {  	_ = 	snop;
	(pc) =	sbr.rel @p0 .LBB2_4-.Ltmp1, $3  }
0x3b: {  	_ =	sdelay $0x1  }
0x3c: {  	[tilespmem:v2+s10+$0x0] =	vst.idx.add.f32.msk $0xffff, v1  }
0x3d: {  	s14 =	sadd.s32 $0x200, s14;
	[tilespmem:v3+s11+$0x0] =	vst.idx.add.f32.msk $0xffff, v1  }
0x3e: {  	[hbm4b:s5+s12] =	stream.strided.scatter [tilespmem:s10], [sflag:$0x1], $0x2800, s13, s12, $0x38;
	[tilespmem:$0xA000] =	vst v63  }
0x3f: {  	s2 =	sadd.s32 $0x1, s2;
	_ =	swait.ge [sflag:s8], $0x2800  }
0x40: {  	p0 =	sne.s32 s2, s7;
	[sflag:s8] =	ssyncset.done $0x0  }
.Ltmp2:
0x41: {  	[sflag:s8] =	ssyncadd.s32 $0xFFFFD800;
	(pc) =	sbr.rel @p0 .LBB2_1-.Ltmp2, $4  }
0x42: {  	[hbm4b:s6+s12] =	stream.strided.scatter [tilespmem:s11], [sflag:$0x1], $0x2800, s13, s12, $0x38;
	[tilespmem:$0xA000] =	vst v63  }
0x43: {  	_ =	swait.ge [sflag:s8], $0x2800  }
0x44: {  	[sflag:s8] =	ssyncset.done $0x0  }
0x45: {  	[sflag:s8] =	ssyncadd.s32 $0xFFFFD800  }
0x46: {  	_ =	sfence.sel $0x180000  }
0x47: {  	[bflag:$0x0] =	sbarrier.arrive $0xFFFF  }
0x48: {  	p0 =	sne.s32 s0, $0x0;
	_ =	strace $0x90000047  }
0x49: {  	s0 =	sadd.s32 @!p0 $0x100000, s1;
	[bflag:$0x2] =	sbarrier.arrive $0xFFFF  }
0x4a: {  	[sflag:s0] =	ssyncadd.tile.s32 @!p0 $0x1;
	_ =	shalt  }
.Lfunc_end2:
_tile_overlayer_lowered:
.L_overlay_start_2:
0x4b: {  	(tag) =	ssettag $0x2  }
0x4c: {  	s0 =	rddreg [dreg:$0x0];
	s2 =	stileid.u32  }
0x4d: {  	s1 =	rddreg [dreg:$0x1];
	p0 =	sne.s32 s2, $0x0  }
0x4e: {  	s3 =	rddreg [dreg:$0x2];
	[bflag:$0x3] =	sbarrier.arrive $0xFFFF;
	s2 =	simm.s32 @!p0 $0x1C01  }
0x4f: {  	[timem:s3], [sflag:s2] =	dma.local @!p0 [hbm:s0], s1  }
0x50: {  	s0 =	simm.s32 @!p0 $0x1  }
0x51: {  	_ =	swait.ge @!p0 [sflag:s0], s1  }
0x52: {  	s1 =	ssub.s32 @!p0 $0x0, s1;
	[sflag:s0] =	ssyncset.done @!p0 $0x0  }
0x53: {  	[sflag:s0] =	ssyncadd.s32 @!p0 s1  }
0x54: {  	[bflag:$0x3] =	sbarrier.arrive $0xFFFF  }
0x55: {  	_ =	shalt  }

</sc_bundles>
